<compile_context>
chip_gen: v7x
topology: tpu7x:2x2x1
jax: 0.10.2.dev20260603
libtpu: 0.0.44.dev20260713+nightly
codegen_flags: <defaults>
</compile_context>

<pallas_src>
import functools

import jax
import jax.numpy as jnp
from jax import lax
from jax.experimental import pallas as pl
from jax.experimental.pallas import tpu as pltpu
from jax.experimental.pallas import tpu_sc as plsc

N_NODES = 10000
N_PAD = 10240
D = 128
NC, NS = 2, 16
NW = NC * NS
CH = 128
RPS = N_PAD // NS
MM_BLK = 1024


def _vector_mesh():
    return plsc.VectorSubcoreMesh(
        core_axis_name="c", subcore_axis_name="s", num_cores=NC)


def _sc_degree_hist(dst_idx, ones_blk, zeros_hist):
    chunks = dst_idx.shape[1]

    @functools.partial(
        pl.kernel,
        out_type=jax.ShapeDtypeStruct((NC, N_PAD, D), jnp.float32),
        mesh=_vector_mesh(),
        scratch_types=[
            pltpu.VMEM((chunks, CH), jnp.int32),
            pltpu.VMEM((CH, D), jnp.float32),
            pltpu.VMEM_SHARED((N_PAD, D), jnp.float32),
        ],
    )
    def hist_kernel(dst_hbm, ones_hbm, zeros_hbm, out_hbm,
                    idx_v, ones_v, hist_sh):
        cid = lax.axis_index("c")
        sid = lax.axis_index("s")
        wid = cid * NS + sid
        pltpu.sync_copy(dst_hbm.at[wid], idx_v)
        pltpu.sync_copy(ones_hbm, ones_v)

        @pl.when(sid == 0)
        def _():
            pltpu.sync_copy(zeros_hbm, hist_sh)

        plsc.subcore_barrier()

        @pl.loop(0, chunks)
        def _(j):
            pltpu.sync_copy(ones_v, hist_sh.at[idx_v.at[j]], add=True)

        plsc.subcore_barrier()
        for s in range(NS):
            @pl.when(sid == s)
            def _():
                pltpu.sync_copy(hist_sh.at[pl.ds(s * RPS, RPS)],
                                out_hbm.at[cid, pl.ds(s * RPS, RPS)])

    return hist_kernel(dst_idx, ones_blk, zeros_hist)


def _sc_gather_scatter(g, src_idx, dst_idx, zeros_acc):
    chunks = src_idx.shape[1]

    @functools.partial(
        pl.kernel,
        out_type=jax.ShapeDtypeStruct((NC, N_PAD, D), jnp.float32),
        mesh=_vector_mesh(),
        scratch_types=[
            pltpu.VMEM((chunks, CH), jnp.int32),
            pltpu.VMEM((chunks, CH), jnp.int32),
            pltpu.VMEM((CH, D), jnp.float32),
            pltpu.VMEM_SHARED((N_PAD, D), jnp.float32),
        ],
    )
    def agg_kernel(g_hbm, src_hbm, dst_hbm, zeros_hbm, out_hbm,
                   src_v, dst_v, buf, acc_sh):
        cid = lax.axis_index("c")
        sid = lax.axis_index("s")
        wid = cid * NS + sid
        pltpu.sync_copy(src_hbm.at[wid], src_v)
        pltpu.sync_copy(dst_hbm.at[wid], dst_v)

        @pl.when(sid == 0)
        def _():
            pltpu.sync_copy(zeros_hbm, acc_sh)

        plsc.subcore_barrier()

        @pl.loop(0, chunks)
        def _(j):
            pltpu.sync_copy(g_hbm.at[src_v.at[j]], buf)
            pltpu.sync_copy(buf, acc_sh.at[dst_v.at[j]], add=True)

        plsc.subcore_barrier()
        for s in range(NS):
            @pl.when(sid == s)
            def _():
                pltpu.sync_copy(acc_sh.at[pl.ds(s * RPS, RPS)],
                                out_hbm.at[cid, pl.ds(s * RPS, RPS)])

    return agg_kernel(g, src_idx, dst_idx, zeros_acc)


def _dot(a, b):
    return lax.dot_general(a, b, (((1,), (0,)), ((), ())),
                           preferred_element_type=jnp.float32,
                           precision=lax.Precision.DEFAULT)


def _tc_matmul(x, W):
    def body(x_ref, w_ref, o_ref):
        o_ref[...] = _dot(x_ref[...], w_ref[...])

    return pl.pallas_call(
        body,
        grid=(N_PAD // MM_BLK,),
        in_specs=[pl.BlockSpec((MM_BLK, D), lambda i: (i, 0)),
                  pl.BlockSpec((D, D), lambda i: (0, 0))],
        out_specs=pl.BlockSpec((MM_BLK, D), lambda i: (i, 0)),
        out_shape=jax.ShapeDtypeStruct((N_PAD, D), jnp.float32),
    )(x, W)


def _tc_norm_scale(hist, p):
    def body(h_ref, p_ref, g_ref, d_ref):
        deg = h_ref[0, :, 0:1] + h_ref[1, :, 0:1] + 1.0
        dis = lax.rsqrt(deg)
        g_ref[...] = p_ref[...] * dis
        d_ref[...] = dis

    return pl.pallas_call(
        body,
        grid=(N_PAD // MM_BLK,),
        in_specs=[pl.BlockSpec((NC, MM_BLK, D), lambda i: (0, i, 0)),
                  pl.BlockSpec((MM_BLK, D), lambda i: (i, 0))],
        out_specs=[pl.BlockSpec((MM_BLK, D), lambda i: (i, 0)),
                   pl.BlockSpec((MM_BLK, 1), lambda i: (i, 0))],
        out_shape=[jax.ShapeDtypeStruct((N_PAD, D), jnp.float32),
                   jax.ShapeDtypeStruct((N_PAD, 1), jnp.float32)],
    )(hist, p)


def _tc_layer(acc, g, dis, b, W):
    def body(a_ref, g_ref, d_ref, b_ref, w_ref, o_ref):
        s = a_ref[0] + a_ref[1] + g_ref[...]
        h = jnp.maximum(s * d_ref[...] + b_ref[...], 0.0)
        o_ref[...] = _dot(h, w_ref[...]) * d_ref[...]

    return pl.pallas_call(
        body,
        grid=(N_PAD // MM_BLK,),
        in_specs=[pl.BlockSpec((NC, MM_BLK, D), lambda i: (0, i, 0)),
                  pl.BlockSpec((MM_BLK, D), lambda i: (i, 0)),
                  pl.BlockSpec((MM_BLK, 1), lambda i: (i, 0)),
                  pl.BlockSpec((1, D), lambda i: (0, 0)),
                  pl.BlockSpec((D, D), lambda i: (0, 0))],
        out_specs=pl.BlockSpec((MM_BLK, D), lambda i: (i, 0)),
        out_shape=jax.ShapeDtypeStruct((N_PAD, D), jnp.float32),
    )(acc, g, dis, b, W)


def _tc_final(acc, g, dis, b, wh, bh):
    def body(a_ref, g_ref, d_ref, b_ref, w_ref, bh_ref, o_ref):
        s = a_ref[0] + a_ref[1] + g_ref[...]
        h = jnp.maximum(s * d_ref[...] + b_ref[...], 0.0)
        o_ref[...] = _dot(h, w_ref[...]) + bh_ref[...]

    return pl.pallas_call(
        body,
        grid=(N_PAD // MM_BLK,),
        in_specs=[pl.BlockSpec((NC, MM_BLK, D), lambda i: (0, i, 0)),
                  pl.BlockSpec((MM_BLK, D), lambda i: (i, 0)),
                  pl.BlockSpec((MM_BLK, 1), lambda i: (i, 0)),
                  pl.BlockSpec((1, D), lambda i: (0, 0)),
                  pl.BlockSpec((D, 1), lambda i: (0, 0)),
                  pl.BlockSpec((1, 1), lambda i: (0, 0))],
        out_specs=pl.BlockSpec((MM_BLK, 1), lambda i: (i, 0)),
        out_shape=jax.ShapeDtypeStruct((N_PAD, 1), jnp.float32),
    )(acc, g, dis, b, wh, bh)


def kernel(x, edge_index, W1, b1, W2, b2, Wh, bh):
    src = edge_index[0].astype(jnp.int32)
    dst = edge_index[1].astype(jnp.int32)
    n_edges = src.shape[0]
    chunks = 2 * -(-n_edges // (2 * NW * CH))
    pad_n = NW * chunks * CH - n_edges
    pad_vals = N_NODES + (jnp.arange(pad_n, dtype=jnp.int32) % (N_PAD - N_NODES))
    src_p = jnp.concatenate([src, pad_vals]).reshape(NW, chunks, CH)
    dst_p = jnp.concatenate([dst, pad_vals]).reshape(NW, chunks, CH)
    xp = jnp.pad(x, ((0, N_PAD - x.shape[0]), (0, 0)))

    onesD = jnp.zeros((CH, D), jnp.float32).at[:, 0].set(1.0)
    zerosD = jnp.zeros((N_PAD, D), jnp.float32)

    hist = _sc_degree_hist(dst_p, onesD, zerosD)
    p1 = _tc_matmul(xp, W1)
    g1, dis = _tc_norm_scale(hist, p1)
    acc1 = _sc_gather_scatter(g1, src_p, dst_p, zerosD)
    g2 = _tc_layer(acc1, g1, dis, b1.reshape(1, D), W2)
    acc2 = _sc_gather_scatter(g2, src_p, dst_p, zerosD)
    out = _tc_final(acc2, g2, dis, b2.reshape(1, D),
                    Wh.reshape(D, 1), bh.reshape(1, 1))
    return out[:N_NODES]

# --- scband reference (transcript-rebuilt; emitter-appended) ---
"""Pipeline reference for scband-gnnpolicy-18940805775462 (READ-ONLY COPY).

The authoritative reference and input builder live on the scoring server;
editing this copy changes nothing except your own understanding.
"""

import jax, jax.numpy as jnp
import numpy as np

N_NODES = 10000
N_EDGES = 320000
D_FEAT = 128
HIDDEN = 128
OUT = 1


def setup_inputs(seed: int = 0) -> dict:
    key = jax.random.key(seed)
    ks = jax.random.split(key, 8)
    x = jax.random.normal(ks[0], (N_NODES, D_FEAT), dtype=jnp.float32)
    edge_index = jax.random.randint(ks[1], (2, N_EDGES), 0, N_NODES, dtype=jnp.int64)
    W1 = jax.random.normal(ks[2], (D_FEAT, HIDDEN), dtype=jnp.float32) * (1.0 / np.sqrt(D_FEAT))
    b1 = jnp.zeros((HIDDEN,), dtype=jnp.float32)
    W2 = jax.random.normal(ks[3], (HIDDEN, HIDDEN), dtype=jnp.float32) * (1.0 / np.sqrt(HIDDEN))
    b2 = jnp.zeros((HIDDEN,), dtype=jnp.float32)
    Wh = jax.random.normal(ks[4], (HIDDEN, OUT), dtype=jnp.float32) * (1.0 / np.sqrt(HIDDEN))
    bh = jnp.zeros((OUT,), dtype=jnp.float32)
    return {"x": x, "edge_index": edge_index, "W1": W1, "b1": b1, "W2": W2, "b2": b2, "Wh": Wh, "bh": bh}


def _gcn_conv(x, src, dst, W, b, num_nodes):
    # PyG GCNConv: linear transform, then symmetric-normalized aggregation with self-loops
    h = x @ W
    deg = jax.ops.segment_sum(jnp.ones_like(dst, dtype=h.dtype), dst, num_segments=num_nodes)
    deg_inv_sqrt = jax.lax.rsqrt(jnp.maximum(deg, 1.0))
    norm = deg_inv_sqrt[src] * deg_inv_sqrt[dst]
    msg = h[src] * norm[:, None]
    out = jax.ops.segment_sum(msg, dst, num_segments=num_nodes)
    return out + b


def reference(x, edge_index, W1, b1, W2, b2, Wh, bh):
    n = x.shape[0]
    loops = jnp.arange(n, dtype=edge_index.dtype)
    src = jnp.concatenate([edge_index[0], loops])
    dst = jnp.concatenate([edge_index[1], loops])
    h = _gcn_conv(x, src, dst, W1, b1, n)
    h = jax.nn.relu(h)
    h = _gcn_conv(h, src, dst, W2, b2, n)
    h = jax.nn.relu(h)
    out = h @ Wh + bh
    return out

if __name__ == "__main__":
    import jax
    _d = setup_inputs()
    print(jax.jit(kernel)(*tuple(_d.values())))

</pallas_src>

<mosaic_0001>
#map = affine_map<(d0, d1) -> (0, 0)>
#map1 = affine_map<(d0, d1) -> (0, 0, 0)>
module attributes {stable_mosaic.version = 14 : i64} {
  func.func @agg_kernel(%arg0: i32, %arg1: i32, %arg2: memref<10240x128xf32, #tpu.memory_space<hbm>>, %arg3: memref<32x80x128xi32, #tpu.memory_space<hbm>>, %arg4: memref<32x80x128xi32, #tpu.memory_space<hbm>>, %arg5: memref<10240x128xf32, #tpu.memory_space<hbm>>, %arg6: memref<2x10240x128xf32, #tpu.memory_space<hbm>>, %arg7: memref<80x128xi32, #tpu.memory_space<vmem>>, %arg8: memref<80x128xi32, #tpu.memory_space<vmem>>, %arg9: memref<128x128xf32, #tpu.memory_space<vmem>>, %arg10: memref<10240x128xf32, #tpu.memory_space<vmem_shared>>) attributes {dimension_semantics = [#tpu.dimension_semantics<core_parallel>, #tpu.dimension_semantics<subcore_parallel>], iteration_bounds = array<i64: 2, 16>, scalar_prefetch = 0 : i64, scratch_operands = 4 : i64, tpu.core_type = #tpu.core_type<sc_vector_subcore>, window_params = [{transform_indices = #map}, {transform_indices = #map1}, {transform_indices = #map1}, {transform_indices = #map}, {transform_indices = #map1}]} {
    %mul3A = arith.constant 16 : i32
    %mul3A_0 = arith.muli %arg0, %mul3A : i32
    %add3A = arith.addi %mul3A_0, %arg1 : i32
    "tpu.region"() ({
      %run_scoped3A = tpu.sem_alloc : memref<!tpu.dma_semaphore, #tpu.memory_space<semaphore_mem>>
      %dma_start3A = arith.constant 0 : i32
      %dma_start3A_88 = arith.constant 0 : i32
      %dma_start3A_89 = tpu.memref_slice %arg3[%add3A, %dma_start3A, %dma_start3A_88] : memref<32x80x128xi32, #tpu.memory_space<hbm>> -> memref<1x80x128xi32, #tpu.memory_space<hbm>>
      %dma_start3A_90 = tpu.memref_squeeze %dma_start3A_89 : memref<1x80x128xi32, #tpu.memory_space<hbm>> -> memref<80x128xi32, #tpu.memory_space<hbm>>
      %dma_start3A_91 = arith.constant 0 : i32
      %dma_start3A_92 = arith.constant 0 : i32
      %dma_start3A_93 = tpu.memref_slice %arg3[%add3A, %dma_start3A_91, %dma_start3A_92] : memref<32x80x128xi32, #tpu.memory_space<hbm>> -> memref<1x80x128xi32, #tpu.memory_space<hbm>>
      %dma_start3A_94 = tpu.memref_squeeze %dma_start3A_93 : memref<1x80x128xi32, #tpu.memory_space<hbm>> -> memref<80x128xi32, #tpu.memory_space<hbm>>
      tpu.enqueue_dma source(%dma_start3A_94 : memref<80x128xi32, #tpu.memory_space<hbm>>) target(%arg7 : memref<80x128xi32, #tpu.memory_space<vmem>>) target_semaphore(%run_scoped3A : memref<!tpu.dma_semaphore, #tpu.memory_space<semaphore_mem>>)
      %dma_wait3A = arith.constant 0 : i32
      %dma_wait3A_95 = arith.constant 0 : i32
      %dma_wait3A_96 = tpu.memref_slice %arg3[%add3A, %dma_wait3A, %dma_wait3A_95] : memref<32x80x128xi32, #tpu.memory_space<hbm>> -> memref<1x80x128xi32, #tpu.memory_space<hbm>>
      %dma_wait3A_97 = tpu.memref_squeeze %dma_wait3A_96 : memref<1x80x128xi32, #tpu.memory_space<hbm>> -> memref<80x128xi32, #tpu.memory_space<hbm>>
      %dma_wait3A_98 = arith.constant 0 : i32
      %dma_wait3A_99 = arith.constant 0 : i32
      %dma_wait3A_100 = tpu.memref_slice %arg3[%add3A, %dma_wait3A_98, %dma_wait3A_99] : memref<32x80x128xi32, #tpu.memory_space<hbm>> -> memref<1x80x128xi32, #tpu.memory_space<hbm>>
      %dma_wait3A_101 = tpu.memref_squeeze %dma_wait3A_100 : memref<1x80x128xi32, #tpu.memory_space<hbm>> -> memref<80x128xi32, #tpu.memory_space<hbm>>
      tpu.wait_dma2 semaphore(%run_scoped3A : memref<!tpu.dma_semaphore, #tpu.memory_space<semaphore_mem>>) src(%dma_wait3A_101 : memref<80x128xi32, #tpu.memory_space<hbm>>) dst(%arg7 : memref<80x128xi32, #tpu.memory_space<vmem>>)
      tpu.yield
    }) : () -> ()
    "tpu.region"() ({
      %run_scoped3A = tpu.sem_alloc : memref<!tpu.dma_semaphore, #tpu.memory_space<semaphore_mem>>
      %dma_start3A = arith.constant 0 : i32
      %dma_start3A_88 = arith.constant 0 : i32
      %dma_start3A_89 = tpu.memref_slice %arg4[%add3A, %dma_start3A, %dma_start3A_88] : memref<32x80x128xi32, #tpu.memory_space<hbm>> -> memref<1x80x128xi32, #tpu.memory_space<hbm>>
      %dma_start3A_90 = tpu.memref_squeeze %dma_start3A_89 : memref<1x80x128xi32, #tpu.memory_space<hbm>> -> memref<80x128xi32, #tpu.memory_space<hbm>>
      %dma_start3A_91 = arith.constant 0 : i32
      %dma_start3A_92 = arith.constant 0 : i32
      %dma_start3A_93 = tpu.memref_slice %arg4[%add3A, %dma_start3A_91, %dma_start3A_92] : memref<32x80x128xi32, #tpu.memory_space<hbm>> -> memref<1x80x128xi32, #tpu.memory_space<hbm>>
      %dma_start3A_94 = tpu.memref_squeeze %dma_start3A_93 : memref<1x80x128xi32, #tpu.memory_space<hbm>> -> memref<80x128xi32, #tpu.memory_space<hbm>>
      tpu.enqueue_dma source(%dma_start3A_94 : memref<80x128xi32, #tpu.memory_space<hbm>>) target(%arg8 : memref<80x128xi32, #tpu.memory_space<vmem>>) target_semaphore(%run_scoped3A : memref<!tpu.dma_semaphore, #tpu.memory_space<semaphore_mem>>)
      %dma_wait3A = arith.constant 0 : i32
      %dma_wait3A_95 = arith.constant 0 : i32
      %dma_wait3A_96 = tpu.memref_slice %arg4[%add3A, %dma_wait3A, %dma_wait3A_95] : memref<32x80x128xi32, #tpu.memory_space<hbm>> -> memref<1x80x128xi32, #tpu.memory_space<hbm>>
      %dma_wait3A_97 = tpu.memref_squeeze %dma_wait3A_96 : memref<1x80x128xi32, #tpu.memory_space<hbm>> -> memref<80x128xi32, #tpu.memory_space<hbm>>
      %dma_wait3A_98 = arith.constant 0 : i32
      %dma_wait3A_99 = arith.constant 0 : i32
      %dma_wait3A_100 = tpu.memref_slice %arg4[%add3A, %dma_wait3A_98, %dma_wait3A_99] : memref<32x80x128xi32, #tpu.memory_space<hbm>> -> memref<1x80x128xi32, #tpu.memory_space<hbm>>
      %dma_wait3A_101 = tpu.memref_squeeze %dma_wait3A_100 : memref<1x80x128xi32, #tpu.memory_space<hbm>> -> memref<80x128xi32, #tpu.memory_space<hbm>>
      tpu.wait_dma2 semaphore(%run_scoped3A : memref<!tpu.dma_semaphore, #tpu.memory_space<semaphore_mem>>) src(%dma_wait3A_101 : memref<80x128xi32, #tpu.memory_space<hbm>>) dst(%arg8 : memref<80x128xi32, #tpu.memory_space<vmem>>)
      tpu.yield
    }) : () -> ()
    %eq3A = arith.constant 0 : i32
    %eq3A_1 = arith.cmpi eq, %arg1, %eq3A : i32
    %convert_element_type3A = arith.extui %eq3A_1 : i1 to i32
    %cond3A = arith.constant 0 : i32
    %cond3A_2 = arith.cmpi ne, %convert_element_type3A, %cond3A : i32
    scf.if %cond3A_2 {
      "tpu.region"() ({
        %run_scoped3A = tpu.sem_alloc : memref<!tpu.dma_semaphore, #tpu.memory_space<semaphore_mem>>
        tpu.enqueue_dma source(%arg5 : memref<10240x128xf32, #tpu.memory_space<hbm>>) target(%arg10 : memref<10240x128xf32, #tpu.memory_space<vmem_shared>>) target_semaphore(%run_scoped3A : memref<!tpu.dma_semaphore, #tpu.memory_space<semaphore_mem>>)
        tpu.wait_dma2 semaphore(%run_scoped3A : memref<!tpu.dma_semaphore, #tpu.memory_space<semaphore_mem>>) src(%arg5 : memref<10240x128xf32, #tpu.memory_space<hbm>>) dst(%arg10 : memref<10240x128xf32, #tpu.memory_space<vmem_shared>>)
        tpu.yield
      }) : () -> ()
    } else {
    }
    %barrier3A = arith.constant 0 : index
    tpu.barrier barrier_id(%barrier3A)
    %scan3A = arith.constant 0 : i32
    %scan3A_3 = arith.constant 80 : i32
    %scan3A_4 = arith.addi %scan3A, %scan3A_3 : i32
    %scan3A_5 = arith.constant 1 : i32
    scf.for %scan3A_88 = %scan3A to %scan3A_4 step %scan3A_5  : i32 {
      %mul3A_89 = arith.constant 1 : i32
      %mul3A_90 = arith.muli %scan3A_88, %mul3A_89 : i32
      %add3A_91 = arith.constant 0 : i32
      %add3A_92 = arith.addi %add3A_91, %mul3A_90 : i32
      "tpu.region"() ({
        %run_scoped3A = tpu.sem_alloc : memref<!tpu.dma_semaphore, #tpu.memory_space<semaphore_mem>>
        %dma_start3A = arith.constant 0 : i32
        %dma_start3A_93 = tpu.memref_slice %arg7[%add3A_92, %dma_start3A] : memref<80x128xi32, #tpu.memory_space<vmem>> -> memref<1x128xi32, #tpu.memory_space<vmem>>
        %dma_start3A_94 = tpu.memref_squeeze %dma_start3A_93 : memref<1x128xi32, #tpu.memory_space<vmem>> -> memref<128xi32, #tpu.memory_space<vmem>>
        %dma_start3A_95 = arith.constant 0 : i32
        %dma_start3A_96 = arith.constant 0 : i32
        %dma_start3A_97 = tpu.memref_slice %arg2[%dma_start3A_95, %dma_start3A_96] : memref<10240x128xf32, #tpu.memory_space<hbm>> -> memref<10240x128xf32, #tpu.memory_space<hbm>>
        tpu.enqueue_indirect_dma source(%dma_start3A_97 : memref<10240x128xf32, #tpu.memory_space<hbm>>) target(%arg9 : memref<128x128xf32, #tpu.memory_space<vmem>>) offsets(%dma_start3A_94 : memref<128xi32, #tpu.memory_space<vmem>>) semaphore(%run_scoped3A : memref<!tpu.dma_semaphore, #tpu.memory_space<semaphore_mem>>)
        %dma_wait3A = arith.constant 0 : i32
        %dma_wait3A_98 = tpu.memref_slice %arg7[%add3A_92, %dma_wait3A] : memref<80x128xi32, #tpu.memory_space<vmem>> -> memref<1x128xi32, #tpu.memory_space<vmem>>
        %dma_wait3A_99 = tpu.memref_squeeze %dma_wait3A_98 : memref<1x128xi32, #tpu.memory_space<vmem>> -> memref<128xi32, #tpu.memory_space<vmem>>
        %dma_wait3A_100 = arith.constant 0 : i32
        %dma_wait3A_101 = arith.constant 0 : i32
        %dma_wait3A_102 = tpu.memref_slice %arg2[%dma_wait3A_100, %dma_wait3A_101] : memref<10240x128xf32, #tpu.memory_space<hbm>> -> memref<10240x128xf32, #tpu.memory_space<hbm>>
        tpu.wait_indirect_dma semaphore(%run_scoped3A : memref<!tpu.dma_semaphore, #tpu.memory_space<semaphore_mem>>) src(%dma_wait3A_102 : memref<10240x128xf32, #tpu.memory_space<hbm>>) dst(%arg9 : memref<128x128xf32, #tpu.memory_space<vmem>>)
        tpu.yield
      }) : () -> ()
      "tpu.region"() ({
        %run_scoped3A = tpu.sem_alloc : memref<!tpu.dma_semaphore, #tpu.memory_space<semaphore_mem>>
        %dma_start3A = arith.constant 0 : i32
        %dma_start3A_93 = tpu.memref_slice %arg8[%add3A_92, %dma_start3A] : memref<80x128xi32, #tpu.memory_space<vmem>> -> memref<1x128xi32, #tpu.memory_space<vmem>>
        %dma_start3A_94 = tpu.memref_squeeze %dma_start3A_93 : memref<1x128xi32, #tpu.memory_space<vmem>> -> memref<128xi32, #tpu.memory_space<vmem>>
        %dma_start3A_95 = arith.constant 0 : i32
        %dma_start3A_96 = arith.constant 0 : i32
        %dma_start3A_97 = tpu.memref_slice %arg10[%dma_start3A_95, %dma_start3A_96] : memref<10240x128xf32, #tpu.memory_space<vmem_shared>> -> memref<10240x128xf32, #tpu.memory_space<vmem_shared>>
        tpu.enqueue_indirect_dma source(%arg9 : memref<128x128xf32, #tpu.memory_space<vmem>>) target(%dma_start3A_97 : memref<10240x128xf32, #tpu.memory_space<vmem_shared>>) offsets(%dma_start3A_94 : memref<128xi32, #tpu.memory_space<vmem>>) semaphore(%run_scoped3A : memref<!tpu.dma_semaphore, #tpu.memory_space<semaphore_mem>>) {add = true}
        %dma_wait3A = arith.constant 0 : i32
        %dma_wait3A_98 = tpu.memref_slice %arg8[%add3A_92, %dma_wait3A] : memref<80x128xi32, #tpu.memory_space<vmem>> -> memref<1x128xi32, #tpu.memory_space<vmem>>
        %dma_wait3A_99 = tpu.memref_squeeze %dma_wait3A_98 : memref<1x128xi32, #tpu.memory_space<vmem>> -> memref<128xi32, #tpu.memory_space<vmem>>
        %dma_wait3A_100 = arith.constant 0 : i32
        %dma_wait3A_101 = arith.constant 0 : i32
        %dma_wait3A_102 = tpu.memref_slice %arg10[%dma_wait3A_100, %dma_wait3A_101] : memref<10240x128xf32, #tpu.memory_space<vmem_shared>> -> memref<10240x128xf32, #tpu.memory_space<vmem_shared>>
        tpu.wait_indirect_dma semaphore(%run_scoped3A : memref<!tpu.dma_semaphore, #tpu.memory_space<semaphore_mem>>) src(%arg9 : memref<128x128xf32, #tpu.memory_space<vmem>>) dst(%dma_wait3A_102 : memref<10240x128xf32, #tpu.memory_space<vmem_shared>>)
        tpu.yield
      }) : () -> ()
    }
    %scan3A_6 = arith.constant 80 : i32
    %barrier3A_7 = arith.constant 0 : index
    tpu.barrier barrier_id(%barrier3A_7)
    %eq3A_8 = arith.constant 0 : i32
    %eq3A_9 = arith.cmpi eq, %arg1, %eq3A_8 : i32
    %convert_element_type3A_10 = arith.extui %eq3A_9 : i1 to i32
    %cond3A_11 = arith.constant 0 : i32
    %cond3A_12 = arith.cmpi ne, %convert_element_type3A_10, %cond3A_11 : i32
    scf.if %cond3A_12 {
      "tpu.region"() ({
        %run_scoped3A = tpu.sem_alloc : memref<!tpu.dma_semaphore, #tpu.memory_space<semaphore_mem>>
        %dma_start3A = arith.constant 0 : i32
        %dma_start3A_88 = arith.constant 0 : i32
        %dma_start3A_89 = tpu.memref_slice %arg6[%arg0, %dma_start3A, %dma_start3A_88] : memref<2x10240x128xf32, #tpu.memory_space<hbm>> -> memref<1x640x128xf32, #tpu.memory_space<hbm>>
        %dma_start3A_90 = tpu.memref_squeeze %dma_start3A_89 : memref<1x640x128xf32, #tpu.memory_space<hbm>> -> memref<640x128xf32, #tpu.memory_space<hbm>>
        %dma_start3A_91 = arith.constant 0 : i32
        %dma_start3A_92 = arith.constant 0 : i32
        %dma_start3A_93 = tpu.memref_slice %arg10[%dma_start3A_91, %dma_start3A_92] : memref<10240x128xf32, #tpu.memory_space<vmem_shared>> -> memref<640x128xf32, #tpu.memory_space<vmem_shared>>
        tpu.enqueue_dma source(%dma_start3A_93 : memref<640x128xf32, #tpu.memory_space<vmem_shared>>) target(%dma_start3A_90 : memref<640x128xf32, #tpu.memory_space<hbm>>) target_semaphore(%run_scoped3A : memref<!tpu.dma_semaphore, #tpu.memory_space<semaphore_mem>>)
        %dma_wait3A = arith.constant 0 : i32
        %dma_wait3A_94 = arith.constant 0 : i32
        %dma_wait3A_95 = tpu.memref_slice %arg6[%arg0, %dma_wait3A, %dma_wait3A_94] : memref<2x10240x128xf32, #tpu.memory_space<hbm>> -> memref<1x640x128xf32, #tpu.memory_space<hbm>>
        %dma_wait3A_96 = tpu.memref_squeeze %dma_wait3A_95 : memref<1x640x128xf32, #tpu.memory_space<hbm>> -> memref<640x128xf32, #tpu.memory_space<hbm>>
        %dma_wait3A_97 = arith.constant 0 : i32
        %dma_wait3A_98 = arith.constant 0 : i32
        %dma_wait3A_99 = tpu.memref_slice %arg10[%dma_wait3A_97, %dma_wait3A_98] : memref<10240x128xf32, #tpu.memory_space<vmem_shared>> -> memref<640x128xf32, #tpu.memory_space<vmem_shared>>
        tpu.wait_dma2 semaphore(%run_scoped3A : memref<!tpu.dma_semaphore, #tpu.memory_space<semaphore_mem>>) src(%dma_wait3A_99 : memref<640x128xf32, #tpu.memory_space<vmem_shared>>) dst(%dma_wait3A_96 : memref<640x128xf32, #tpu.memory_space<hbm>>)
        tpu.yield
      }) : () -> ()
    } else {
    }
    %eq3A_13 = arith.constant 1 : i32
    %eq3A_14 = arith.cmpi eq, %arg1, %eq3A_13 : i32
    %convert_element_type3A_15 = arith.extui %eq3A_14 : i1 to i32
    %cond3A_16 = arith.constant 0 : i32
    %cond3A_17 = arith.cmpi ne, %convert_element_type3A_15, %cond3A_16 : i32
    scf.if %cond3A_17 {
      "tpu.region"() ({
        %run_scoped3A = tpu.sem_alloc : memref<!tpu.dma_semaphore, #tpu.memory_space<semaphore_mem>>
        %dma_start3A = arith.constant 640 : i32
        %dma_start3A_88 = arith.constant 0 : i32
        %dma_start3A_89 = tpu.memref_slice %arg6[%arg0, %dma_start3A, %dma_start3A_88] : memref<2x10240x128xf32, #tpu.memory_space<hbm>> -> memref<1x640x128xf32, #tpu.memory_space<hbm>>
        %dma_start3A_90 = tpu.memref_squeeze %dma_start3A_89 : memref<1x640x128xf32, #tpu.memory_space<hbm>> -> memref<640x128xf32, #tpu.memory_space<hbm>>
        %dma_start3A_91 = arith.constant 640 : i32
        %dma_start3A_92 = arith.constant 0 : i32
        %dma_start3A_93 = tpu.memref_slice %arg10[%dma_start3A_91, %dma_start3A_92] : memref<10240x128xf32, #tpu.memory_space<vmem_shared>> -> memref<640x128xf32, #tpu.memory_space<vmem_shared>>
        tpu.enqueue_dma source(%dma_start3A_93 : memref<640x128xf32, #tpu.memory_space<vmem_shared>>) target(%dma_start3A_90 : memref<640x128xf32, #tpu.memory_space<hbm>>) target_semaphore(%run_scoped3A : memref<!tpu.dma_semaphore, #tpu.memory_space<semaphore_mem>>)
        %dma_wait3A = arith.constant 640 : i32
        %dma_wait3A_94 = arith.constant 0 : i32
        %dma_wait3A_95 = tpu.memref_slice %arg6[%arg0, %dma_wait3A, %dma_wait3A_94] : memref<2x10240x128xf32, #tpu.memory_space<hbm>> -> memref<1x640x128xf32, #tpu.memory_space<hbm>>
        %dma_wait3A_96 = tpu.memref_squeeze %dma_wait3A_95 : memref<1x640x128xf32, #tpu.memory_space<hbm>> -> memref<640x128xf32, #tpu.memory_space<hbm>>
        %dma_wait3A_97 = arith.constant 640 : i32
        %dma_wait3A_98 = arith.constant 0 : i32
        %dma_wait3A_99 = tpu.memref_slice %arg10[%dma_wait3A_97, %dma_wait3A_98] : memref<10240x128xf32, #tpu.memory_space<vmem_shared>> -> memref<640x128xf32, #tpu.memory_space<vmem_shared>>
        tpu.wait_dma2 semaphore(%run_scoped3A : memref<!tpu.dma_semaphore, #tpu.memory_space<semaphore_mem>>) src(%dma_wait3A_99 : memref<640x128xf32, #tpu.memory_space<vmem_shared>>) dst(%dma_wait3A_96 : memref<640x128xf32, #tpu.memory_space<hbm>>)
        tpu.yield
      }) : () -> ()
    } else {
    }
    %eq3A_18 = arith.constant 2 : i32
    %eq3A_19 = arith.cmpi eq, %arg1, %eq3A_18 : i32
    %convert_element_type3A_20 = arith.extui %eq3A_19 : i1 to i32
    %cond3A_21 = arith.constant 0 : i32
    %cond3A_22 = arith.cmpi ne, %convert_element_type3A_20, %cond3A_21 : i32
    scf.if %cond3A_22 {
      "tpu.region"() ({
        %run_scoped3A = tpu.sem_alloc : memref<!tpu.dma_semaphore, #tpu.memory_space<semaphore_mem>>
        %dma_start3A = arith.constant 1280 : i32
        %dma_start3A_88 = arith.constant 0 : i32
        %dma_start3A_89 = tpu.memref_slice %arg6[%arg0, %dma_start3A, %dma_start3A_88] : memref<2x10240x128xf32, #tpu.memory_space<hbm>> -> memref<1x640x128xf32, #tpu.memory_space<hbm>>
        %dma_start3A_90 = tpu.memref_squeeze %dma_start3A_89 : memref<1x640x128xf32, #tpu.memory_space<hbm>> -> memref<640x128xf32, #tpu.memory_space<hbm>>
        %dma_start3A_91 = arith.constant 1280 : i32
        %dma_start3A_92 = arith.constant 0 : i32
        %dma_start3A_93 = tpu.memref_slice %arg10[%dma_start3A_91, %dma_start3A_92] : memref<10240x128xf32, #tpu.memory_space<vmem_shared>> -> memref<640x128xf32, #tpu.memory_space<vmem_shared>>
        tpu.enqueue_dma source(%dma_start3A_93 : memref<640x128xf32, #tpu.memory_space<vmem_shared>>) target(%dma_start3A_90 : memref<640x128xf32, #tpu.memory_space<hbm>>) target_semaphore(%run_scoped3A : memref<!tpu.dma_semaphore, #tpu.memory_space<semaphore_mem>>)
        %dma_wait3A = arith.constant 1280 : i32
        %dma_wait3A_94 = arith.constant 0 : i32
        %dma_wait3A_95 = tpu.memref_slice %arg6[%arg0, %dma_wait3A, %dma_wait3A_94] : memref<2x10240x128xf32, #tpu.memory_space<hbm>> -> memref<1x640x128xf32, #tpu.memory_space<hbm>>
        %dma_wait3A_96 = tpu.memref_squeeze %dma_wait3A_95 : memref<1x640x128xf32, #tpu.memory_space<hbm>> -> memref<640x128xf32, #tpu.memory_space<hbm>>
        %dma_wait3A_97 = arith.constant 1280 : i32
        %dma_wait3A_98 = arith.constant 0 : i32
        %dma_wait3A_99 = tpu.memref_slice %arg10[%dma_wait3A_97, %dma_wait3A_98] : memref<10240x128xf32, #tpu.memory_space<vmem_shared>> -> memref<640x128xf32, #tpu.memory_space<vmem_shared>>
        tpu.wait_dma2 semaphore(%run_scoped3A : memref<!tpu.dma_semaphore, #tpu.memory_space<semaphore_mem>>) src(%dma_wait3A_99 : memref<640x128xf32, #tpu.memory_space<vmem_shared>>) dst(%dma_wait3A_96 : memref<640x128xf32, #tpu.memory_space<hbm>>)
        tpu.yield
      }) : () -> ()
    } else {
    }
    %eq3A_23 = arith.constant 3 : i32
    %eq3A_24 = arith.cmpi eq, %arg1, %eq3A_23 : i32
    %convert_element_type3A_25 = arith.extui %eq3A_24 : i1 to i32
    %cond3A_26 = arith.constant 0 : i32
    %cond3A_27 = arith.cmpi ne, %convert_element_type3A_25, %cond3A_26 : i32
    scf.if %cond3A_27 {
      "tpu.region"() ({
        %run_scoped3A = tpu.sem_alloc : memref<!tpu.dma_semaphore, #tpu.memory_space<semaphore_mem>>
        %dma_start3A = arith.constant 1920 : i32
        %dma_start3A_88 = arith.constant 0 : i32
        %dma_start3A_89 = tpu.memref_slice %arg6[%arg0, %dma_start3A, %dma_start3A_88] : memref<2x10240x128xf32, #tpu.memory_space<hbm>> -> memref<1x640x128xf32, #tpu.memory_space<hbm>>
        %dma_start3A_90 = tpu.memref_squeeze %dma_start3A_89 : memref<1x640x128xf32, #tpu.memory_space<hbm>> -> memref<640x128xf32, #tpu.memory_space<hbm>>
        %dma_start3A_91 = arith.constant 1920 : i32
        %dma_start3A_92 = arith.constant 0 : i32
        %dma_start3A_93 = tpu.memref_slice %arg10[%dma_start3A_91, %dma_start3A_92] : memref<10240x128xf32, #tpu.memory_space<vmem_shared>> -> memref<640x128xf32, #tpu.memory_space<vmem_shared>>
        tpu.enqueue_dma source(%dma_start3A_93 : memref<640x128xf32, #tpu.memory_space<vmem_shared>>) target(%dma_start3A_90 : memref<640x128xf32, #tpu.memory_space<hbm>>) target_semaphore(%run_scoped3A : memref<!tpu.dma_semaphore, #tpu.memory_space<semaphore_mem>>)
        %dma_wait3A = arith.constant 1920 : i32
        %dma_wait3A_94 = arith.constant 0 : i32
        %dma_wait3A_95 = tpu.memref_slice %arg6[%arg0, %dma_wait3A, %dma_wait3A_94] : memref<2x10240x128xf32, #tpu.memory_space<hbm>> -> memref<1x640x128xf32, #tpu.memory_space<hbm>>
        %dma_wait3A_96 = tpu.memref_squeeze %dma_wait3A_95 : memref<1x640x128xf32, #tpu.memory_space<hbm>> -> memref<640x128xf32, #tpu.memory_space<hbm>>
        %dma_wait3A_97 = arith.constant 1920 : i32
        %dma_wait3A_98 = arith.constant 0 : i32
        %dma_wait3A_99 = tpu.memref_slice %arg10[%dma_wait3A_97, %dma_wait3A_98] : memref<10240x128xf32, #tpu.memory_space<vmem_shared>> -> memref<640x128xf32, #tpu.memory_space<vmem_shared>>
        tpu.wait_dma2 semaphore(%run_scoped3A : memref<!tpu.dma_semaphore, #tpu.memory_space<semaphore_mem>>) src(%dma_wait3A_99 : memref<640x128xf32, #tpu.memory_space<vmem_shared>>) dst(%dma_wait3A_96 : memref<640x128xf32, #tpu.memory_space<hbm>>)
        tpu.yield
      }) : () -> ()
    } else {
    }
    %eq3A_28 = arith.constant 4 : i32
    %eq3A_29 = arith.cmpi eq, %arg1, %eq3A_28 : i32
    %convert_element_type3A_30 = arith.extui %eq3A_29 : i1 to i32
    %cond3A_31 = arith.constant 0 : i32
    %cond3A_32 = arith.cmpi ne, %convert_element_type3A_30, %cond3A_31 : i32
    scf.if %cond3A_32 {
      "tpu.region"() ({
        %run_scoped3A = tpu.sem_alloc : memref<!tpu.dma_semaphore, #tpu.memory_space<semaphore_mem>>
        %dma_start3A = arith.constant 2560 : i32
        %dma_start3A_88 = arith.constant 0 : i32
        %dma_start3A_89 = tpu.memref_slice %arg6[%arg0, %dma_start3A, %dma_start3A_88] : memref<2x10240x128xf32, #tpu.memory_space<hbm>> -> memref<1x640x128xf32, #tpu.memory_space<hbm>>
        %dma_start3A_90 = tpu.memref_squeeze %dma_start3A_89 : memref<1x640x128xf32, #tpu.memory_space<hbm>> -> memref<640x128xf32, #tpu.memory_space<hbm>>
        %dma_start3A_91 = arith.constant 2560 : i32
        %dma_start3A_92 = arith.constant 0 : i32
        %dma_start3A_93 = tpu.memref_slice %arg10[%dma_start3A_91, %dma_start3A_92] : memref<10240x128xf32, #tpu.memory_space<vmem_shared>> -> memref<640x128xf32, #tpu.memory_space<vmem_shared>>
        tpu.enqueue_dma source(%dma_start3A_93 : memref<640x128xf32, #tpu.memory_space<vmem_shared>>) target(%dma_start3A_90 : memref<640x128xf32, #tpu.memory_space<hbm>>) target_semaphore(%run_scoped3A : memref<!tpu.dma_semaphore, #tpu.memory_space<semaphore_mem>>)
        %dma_wait3A = arith.constant 2560 : i32
        %dma_wait3A_94 = arith.constant 0 : i32
        %dma_wait3A_95 = tpu.memref_slice %arg6[%arg0, %dma_wait3A, %dma_wait3A_94] : memref<2x10240x128xf32, #tpu.memory_space<hbm>> -> memref<1x640x128xf32, #tpu.memory_space<hbm>>
        %dma_wait3A_96 = tpu.memref_squeeze %dma_wait3A_95 : memref<1x640x128xf32, #tpu.memory_space<hbm>> -> memref<640x128xf32, #tpu.memory_space<hbm>>
        %dma_wait3A_97 = arith.constant 2560 : i32
        %dma_wait3A_98 = arith.constant 0 : i32
        %dma_wait3A_99 = tpu.memref_slice %arg10[%dma_wait3A_97, %dma_wait3A_98] : memref<10240x128xf32, #tpu.memory_space<vmem_shared>> -> memref<640x128xf32, #tpu.memory_space<vmem_shared>>
        tpu.wait_dma2 semaphore(%run_scoped3A : memref<!tpu.dma_semaphore, #tpu.memory_space<semaphore_mem>>) src(%dma_wait3A_99 : memref<640x128xf32, #tpu.memory_space<vmem_shared>>) dst(%dma_wait3A_96 : memref<640x128xf32, #tpu.memory_space<hbm>>)
        tpu.yield
      }) : () -> ()
    } else {
    }
    %eq3A_33 = arith.constant 5 : i32
    %eq3A_34 = arith.cmpi eq, %arg1, %eq3A_33 : i32
    %convert_element_type3A_35 = arith.extui %eq3A_34 : i1 to i32
    %cond3A_36 = arith.constant 0 : i32
    %cond3A_37 = arith.cmpi ne, %convert_element_type3A_35, %cond3A_36 : i32
    scf.if %cond3A_37 {
      "tpu.region"() ({
        %run_scoped3A = tpu.sem_alloc : memref<!tpu.dma_semaphore, #tpu.memory_space<semaphore_mem>>
        %dma_start3A = arith.constant 3200 : i32
        %dma_start3A_88 = arith.constant 0 : i32
        %dma_start3A_89 = tpu.memref_slice %arg6[%arg0, %dma_start3A, %dma_start3A_88] : memref<2x10240x128xf32, #tpu.memory_space<hbm>> -> memref<1x640x128xf32, #tpu.memory_space<hbm>>
        %dma_start3A_90 = tpu.memref_squeeze %dma_start3A_89 : memref<1x640x128xf32, #tpu.memory_space<hbm>> -> memref<640x128xf32, #tpu.memory_space<hbm>>
        %dma_start3A_91 = arith.constant 3200 : i32
        %dma_start3A_92 = arith.constant 0 : i32
        %dma_start3A_93 = tpu.memref_slice %arg10[%dma_start3A_91, %dma_start3A_92] : memref<10240x128xf32, #tpu.memory_space<vmem_shared>> -> memref<640x128xf32, #tpu.memory_space<vmem_shared>>
        tpu.enqueue_dma source(%dma_start3A_93 : memref<640x128xf32, #tpu.memory_space<vmem_shared>>) target(%dma_start3A_90 : memref<640x128xf32, #tpu.memory_space<hbm>>) target_semaphore(%run_scoped3A : memref<!tpu.dma_semaphore, #tpu.memory_space<semaphore_mem>>)
        %dma_wait3A = arith.constant 3200 : i32
        %dma_wait3A_94 = arith.constant 0 : i32
        %dma_wait3A_95 = tpu.memref_slice %arg6[%arg0, %dma_wait3A, %dma_wait3A_94] : memref<2x10240x128xf32, #tpu.memory_space<hbm>> -> memref<1x640x128xf32, #tpu.memory_space<hbm>>
        %dma_wait3A_96 = tpu.memref_squeeze %dma_wait3A_95 : memref<1x640x128xf32, #tpu.memory_space<hbm>> -> memref<640x128xf32, #tpu.memory_space<hbm>>
        %dma_wait3A_97 = arith.constant 3200 : i32
        %dma_wait3A_98 = arith.constant 0 : i32
        %dma_wait3A_99 = tpu.memref_slice %arg10[%dma_wait3A_97, %dma_wait3A_98] : memref<10240x128xf32, #tpu.memory_space<vmem_shared>> -> memref<640x128xf32, #tpu.memory_space<vmem_shared>>
        tpu.wait_dma2 semaphore(%run_scoped3A : memref<!tpu.dma_semaphore, #tpu.memory_space<semaphore_mem>>) src(%dma_wait3A_99 : memref<640x128xf32, #tpu.memory_space<vmem_shared>>) dst(%dma_wait3A_96 : memref<640x128xf32, #tpu.memory_space<hbm>>)
        tpu.yield
      }) : () -> ()
    } else {
    }
    %eq3A_38 = arith.constant 6 : i32
    %eq3A_39 = arith.cmpi eq, %arg1, %eq3A_38 : i32
    %convert_element_type3A_40 = arith.extui %eq3A_39 : i1 to i32
    %cond3A_41 = arith.constant 0 : i32
    %cond3A_42 = arith.cmpi ne, %convert_element_type3A_40, %cond3A_41 : i32
    scf.if %cond3A_42 {
      "tpu.region"() ({
        %run_scoped3A = tpu.sem_alloc : memref<!tpu.dma_semaphore, #tpu.memory_space<semaphore_mem>>
        %dma_start3A = arith.constant 3840 : i32
        %dma_start3A_88 = arith.constant 0 : i32
        %dma_start3A_89 = tpu.memref_slice %arg6[%arg0, %dma_start3A, %dma_start3A_88] : memref<2x10240x128xf32, #tpu.memory_space<hbm>> -> memref<1x640x128xf32, #tpu.memory_space<hbm>>
        %dma_start3A_90 = tpu.memref_squeeze %dma_start3A_89 : memref<1x640x128xf32, #tpu.memory_space<hbm>> -> memref<640x128xf32, #tpu.memory_space<hbm>>
        %dma_start3A_91 = arith.constant 3840 : i32
        %dma_start3A_92 = arith.constant 0 : i32
        %dma_start3A_93 = tpu.memref_slice %arg10[%dma_start3A_91, %dma_start3A_92] : memref<10240x128xf32, #tpu.memory_space<vmem_shared>> -> memref<640x128xf32, #tpu.memory_space<vmem_shared>>
        tpu.enqueue_dma source(%dma_start3A_93 : memref<640x128xf32, #tpu.memory_space<vmem_shared>>) target(%dma_start3A_90 : memref<640x128xf32, #tpu.memory_space<hbm>>) target_semaphore(%run_scoped3A : memref<!tpu.dma_semaphore, #tpu.memory_space<semaphore_mem>>)
        %dma_wait3A = arith.constant 3840 : i32
        %dma_wait3A_94 = arith.constant 0 : i32
        %dma_wait3A_95 = tpu.memref_slice %arg6[%arg0, %dma_wait3A, %dma_wait3A_94] : memref<2x10240x128xf32, #tpu.memory_space<hbm>> -> memref<1x640x128xf32, #tpu.memory_space<hbm>>
        %dma_wait3A_96 = tpu.memref_squeeze %dma_wait3A_95 : memref<1x640x128xf32, #tpu.memory_space<hbm>> -> memref<640x128xf32, #tpu.memory_space<hbm>>
        %dma_wait3A_97 = arith.constant 3840 : i32
        %dma_wait3A_98 = arith.constant 0 : i32
        %dma_wait3A_99 = tpu.memref_slice %arg10[%dma_wait3A_97, %dma_wait3A_98] : memref<10240x128xf32, #tpu.memory_space<vmem_shared>> -> memref<640x128xf32, #tpu.memory_space<vmem_shared>>
        tpu.wait_dma2 semaphore(%run_scoped3A : memref<!tpu.dma_semaphore, #tpu.memory_space<semaphore_mem>>) src(%dma_wait3A_99 : memref<640x128xf32, #tpu.memory_space<vmem_shared>>) dst(%dma_wait3A_96 : memref<640x128xf32, #tpu.memory_space<hbm>>)
        tpu.yield
      }) : () -> ()
    } else {
    }
    %eq3A_43 = arith.constant 7 : i32
    %eq3A_44 = arith.cmpi eq, %arg1, %eq3A_43 : i32
    %convert_element_type3A_45 = arith.extui %eq3A_44 : i1 to i32
    %cond3A_46 = arith.constant 0 : i32
    %cond3A_47 = arith.cmpi ne, %convert_element_type3A_45, %cond3A_46 : i32
    scf.if %cond3A_47 {
      "tpu.region"() ({
        %run_scoped3A = tpu.sem_alloc : memref<!tpu.dma_semaphore, #tpu.memory_space<semaphore_mem>>
        %dma_start3A = arith.constant 4480 : i32
        %dma_start3A_88 = arith.constant 0 : i32
        %dma_start3A_89 = tpu.memref_slice %arg6[%arg0, %dma_start3A, %dma_start3A_88] : memref<2x10240x128xf32, #tpu.memory_space<hbm>> -> memref<1x640x128xf32, #tpu.memory_space<hbm>>
        %dma_start3A_90 = tpu.memref_squeeze %dma_start3A_89 : memref<1x640x128xf32, #tpu.memory_space<hbm>> -> memref<640x128xf32, #tpu.memory_space<hbm>>
        %dma_start3A_91 = arith.constant 4480 : i32
        %dma_start3A_92 = arith.constant 0 : i32
        %dma_start3A_93 = tpu.memref_slice %arg10[%dma_start3A_91, %dma_start3A_92] : memref<10240x128xf32, #tpu.memory_space<vmem_shared>> -> memref<640x128xf32, #tpu.memory_space<vmem_shared>>
        tpu.enqueue_dma source(%dma_start3A_93 : memref<640x128xf32, #tpu.memory_space<vmem_shared>>) target(%dma_start3A_90 : memref<640x128xf32, #tpu.memory_space<hbm>>) target_semaphore(%run_scoped3A : memref<!tpu.dma_semaphore, #tpu.memory_space<semaphore_mem>>)
        %dma_wait3A = arith.constant 4480 : i32
        %dma_wait3A_94 = arith.constant 0 : i32
        %dma_wait3A_95 = tpu.memref_slice %arg6[%arg0, %dma_wait3A, %dma_wait3A_94] : memref<2x10240x128xf32, #tpu.memory_space<hbm>> -> memref<1x640x128xf32, #tpu.memory_space<hbm>>
        %dma_wait3A_96 = tpu.memref_squeeze %dma_wait3A_95 : memref<1x640x128xf32, #tpu.memory_space<hbm>> -> memref<640x128xf32, #tpu.memory_space<hbm>>
        %dma_wait3A_97 = arith.constant 4480 : i32
        %dma_wait3A_98 = arith.constant 0 : i32
        %dma_wait3A_99 = tpu.memref_slice %arg10[%dma_wait3A_97, %dma_wait3A_98] : memref<10240x128xf32, #tpu.memory_space<vmem_shared>> -> memref<640x128xf32, #tpu.memory_space<vmem_shared>>
        tpu.wait_dma2 semaphore(%run_scoped3A : memref<!tpu.dma_semaphore, #tpu.memory_space<semaphore_mem>>) src(%dma_wait3A_99 : memref<640x128xf32, #tpu.memory_space<vmem_shared>>) dst(%dma_wait3A_96 : memref<640x128xf32, #tpu.memory_space<hbm>>)
        tpu.yield
      }) : () -> ()
    } else {
    }
    %eq3A_48 = arith.constant 8 : i32
    %eq3A_49 = arith.cmpi eq, %arg1, %eq3A_48 : i32
    %convert_element_type3A_50 = arith.extui %eq3A_49 : i1 to i32
    %cond3A_51 = arith.constant 0 : i32
    %cond3A_52 = arith.cmpi ne, %convert_element_type3A_50, %cond3A_51 : i32
    scf.if %cond3A_52 {
      "tpu.region"() ({
        %run_scoped3A = tpu.sem_alloc : memref<!tpu.dma_semaphore, #tpu.memory_space<semaphore_mem>>
        %dma_start3A = arith.constant 5120 : i32
        %dma_start3A_88 = arith.constant 0 : i32
        %dma_start3A_89 = tpu.memref_slice %arg6[%arg0, %dma_start3A, %dma_start3A_88] : memref<2x10240x128xf32, #tpu.memory_space<hbm>> -> memref<1x640x128xf32, #tpu.memory_space<hbm>>
        %dma_start3A_90 = tpu.memref_squeeze %dma_start3A_89 : memref<1x640x128xf32, #tpu.memory_space<hbm>> -> memref<640x128xf32, #tpu.memory_space<hbm>>
        %dma_start3A_91 = arith.constant 5120 : i32
        %dma_start3A_92 = arith.constant 0 : i32
        %dma_start3A_93 = tpu.memref_slice %arg10[%dma_start3A_91, %dma_start3A_92] : memref<10240x128xf32, #tpu.memory_space<vmem_shared>> -> memref<640x128xf32, #tpu.memory_space<vmem_shared>>
        tpu.enqueue_dma source(%dma_start3A_93 : memref<640x128xf32, #tpu.memory_space<vmem_shared>>) target(%dma_start3A_90 : memref<640x128xf32, #tpu.memory_space<hbm>>) target_semaphore(%run_scoped3A : memref<!tpu.dma_semaphore, #tpu.memory_space<semaphore_mem>>)
        %dma_wait3A = arith.constant 5120 : i32
        %dma_wait3A_94 = arith.constant 0 : i32
        %dma_wait3A_95 = tpu.memref_slice %arg6[%arg0, %dma_wait3A, %dma_wait3A_94] : memref<2x10240x128xf32, #tpu.memory_space<hbm>> -> memref<1x640x128xf32, #tpu.memory_space<hbm>>
        %dma_wait3A_96 = tpu.memref_squeeze %dma_wait3A_95 : memref<1x640x128xf32, #tpu.memory_space<hbm>> -> memref<640x128xf32, #tpu.memory_space<hbm>>
        %dma_wait3A_97 = arith.constant 5120 : i32
        %dma_wait3A_98 = arith.constant 0 : i32
        %dma_wait3A_99 = tpu.memref_slice %arg10[%dma_wait3A_97, %dma_wait3A_98] : memref<10240x128xf32, #tpu.memory_space<vmem_shared>> -> memref<640x128xf32, #tpu.memory_space<vmem_shared>>
        tpu.wait_dma2 semaphore(%run_scoped3A : memref<!tpu.dma_semaphore, #tpu.memory_space<semaphore_mem>>) src(%dma_wait3A_99 : memref<640x128xf32, #tpu.memory_space<vmem_shared>>) dst(%dma_wait3A_96 : memref<640x128xf32, #tpu.memory_space<hbm>>)
        tpu.yield
      }) : () -> ()
    } else {
    }
    %eq3A_53 = arith.constant 9 : i32
    %eq3A_54 = arith.cmpi eq, %arg1, %eq3A_53 : i32
    %convert_element_type3A_55 = arith.extui %eq3A_54 : i1 to i32
    %cond3A_56 = arith.constant 0 : i32
    %cond3A_57 = arith.cmpi ne, %convert_element_type3A_55, %cond3A_56 : i32
    scf.if %cond3A_57 {
      "tpu.region"() ({
        %run_scoped3A = tpu.sem_alloc : memref<!tpu.dma_semaphore, #tpu.memory_space<semaphore_mem>>
        %dma_start3A = arith.constant 5760 : i32
        %dma_start3A_88 = arith.constant 0 : i32
        %dma_start3A_89 = tpu.memref_slice %arg6[%arg0, %dma_start3A, %dma_start3A_88] : memref<2x10240x128xf32, #tpu.memory_space<hbm>> -> memref<1x640x128xf32, #tpu.memory_space<hbm>>
        %dma_start3A_90 = tpu.memref_squeeze %dma_start3A_89 : memref<1x640x128xf32, #tpu.memory_space<hbm>> -> memref<640x128xf32, #tpu.memory_space<hbm>>
        %dma_start3A_91 = arith.constant 5760 : i32
        %dma_start3A_92 = arith.constant 0 : i32
        %dma_start3A_93 = tpu.memref_slice %arg10[%dma_start3A_91, %dma_start3A_92] : memref<10240x128xf32, #tpu.memory_space<vmem_shared>> -> memref<640x128xf32, #tpu.memory_space<vmem_shared>>
        tpu.enqueue_dma source(%dma_start3A_93 : memref<640x128xf32, #tpu.memory_space<vmem_shared>>) target(%dma_start3A_90 : memref<640x128xf32, #tpu.memory_space<hbm>>) target_semaphore(%run_scoped3A : memref<!tpu.dma_semaphore, #tpu.memory_space<semaphore_mem>>)
        %dma_wait3A = arith.constant 5760 : i32
        %dma_wait3A_94 = arith.constant 0 : i32
        %dma_wait3A_95 = tpu.memref_slice %arg6[%arg0, %dma_wait3A, %dma_wait3A_94] : memref<2x10240x128xf32, #tpu.memory_space<hbm>> -> memref<1x640x128xf32, #tpu.memory_space<hbm>>
        %dma_wait3A_96 = tpu.memref_squeeze %dma_wait3A_95 : memref<1x640x128xf32, #tpu.memory_space<hbm>> -> memref<640x128xf32, #tpu.memory_space<hbm>>
        %dma_wait3A_97 = arith.constant 5760 : i32
        %dma_wait3A_98 = arith.constant 0 : i32
        %dma_wait3A_99 = tpu.memref_slice %arg10[%dma_wait3A_97, %dma_wait3A_98] : memref<10240x128xf32, #tpu.memory_space<vmem_shared>> -> memref<640x128xf32, #tpu.memory_space<vmem_shared>>
        tpu.wait_dma2 semaphore(%run_scoped3A : memref<!tpu.dma_semaphore, #tpu.memory_space<semaphore_mem>>) src(%dma_wait3A_99 : memref<640x128xf32, #tpu.memory_space<vmem_shared>>) dst(%dma_wait3A_96 : memref<640x128xf32, #tpu.memory_space<hbm>>)
        tpu.yield
      }) : () -> ()
    } else {
    }
    %eq3A_58 = arith.constant 10 : i32
    %eq3A_59 = arith.cmpi eq, %arg1, %eq3A_58 : i32
    %convert_element_type3A_60 = arith.extui %eq3A_59 : i1 to i32
    %cond3A_61 = arith.constant 0 : i32
    %cond3A_62 = arith.cmpi ne, %convert_element_type3A_60, %cond3A_61 : i32
    scf.if %cond3A_62 {
      "tpu.region"() ({
        %run_scoped3A = tpu.sem_alloc : memref<!tpu.dma_semaphore, #tpu.memory_space<semaphore_mem>>
        %dma_start3A = arith.constant 6400 : i32
        %dma_start3A_88 = arith.constant 0 : i32
        %dma_start3A_89 = tpu.memref_slice %arg6[%arg0, %dma_start3A, %dma_start3A_88] : memref<2x10240x128xf32, #tpu.memory_space<hbm>> -> memref<1x640x128xf32, #tpu.memory_space<hbm>>
        %dma_start3A_90 = tpu.memref_squeeze %dma_start3A_89 : memref<1x640x128xf32, #tpu.memory_space<hbm>> -> memref<640x128xf32, #tpu.memory_space<hbm>>
        %dma_start3A_91 = arith.constant 6400 : i32
        %dma_start3A_92 = arith.constant 0 : i32
        %dma_start3A_93 = tpu.memref_slice %arg10[%dma_start3A_91, %dma_start3A_92] : memref<10240x128xf32, #tpu.memory_space<vmem_shared>> -> memref<640x128xf32, #tpu.memory_space<vmem_shared>>
        tpu.enqueue_dma source(%dma_start3A_93 : memref<640x128xf32, #tpu.memory_space<vmem_shared>>) target(%dma_start3A_90 : memref<640x128xf32, #tpu.memory_space<hbm>>) target_semaphore(%run_scoped3A : memref<!tpu.dma_semaphore, #tpu.memory_space<semaphore_mem>>)
        %dma_wait3A = arith.constant 6400 : i32
        %dma_wait3A_94 = arith.constant 0 : i32
        %dma_wait3A_95 = tpu.memref_slice %arg6[%arg0, %dma_wait3A, %dma_wait3A_94] : memref<2x10240x128xf32, #tpu.memory_space<hbm>> -> memref<1x640x128xf32, #tpu.memory_space<hbm>>
        %dma_wait3A_96 = tpu.memref_squeeze %dma_wait3A_95 : memref<1x640x128xf32, #tpu.memory_space<hbm>> -> memref<640x128xf32, #tpu.memory_space<hbm>>
        %dma_wait3A_97 = arith.constant 6400 : i32
        %dma_wait3A_98 = arith.constant 0 : i32
        %dma_wait3A_99 = tpu.memref_slice %arg10[%dma_wait3A_97, %dma_wait3A_98] : memref<10240x128xf32, #tpu.memory_space<vmem_shared>> -> memref<640x128xf32, #tpu.memory_space<vmem_shared>>
        tpu.wait_dma2 semaphore(%run_scoped3A : memref<!tpu.dma_semaphore, #tpu.memory_space<semaphore_mem>>) src(%dma_wait3A_99 : memref<640x128xf32, #tpu.memory_space<vmem_shared>>) dst(%dma_wait3A_96 : memref<640x128xf32, #tpu.memory_space<hbm>>)
        tpu.yield
      }) : () -> ()
    } else {
    }
    %eq3A_63 = arith.constant 11 : i32
    %eq3A_64 = arith.cmpi eq, %arg1, %eq3A_63 : i32
    %convert_element_type3A_65 = arith.extui %eq3A_64 : i1 to i32
    %cond3A_66 = arith.constant 0 : i32
    %cond3A_67 = arith.cmpi ne, %convert_element_type3A_65, %cond3A_66 : i32
    scf.if %cond3A_67 {
      "tpu.region"() ({
        %run_scoped3A = tpu.sem_alloc : memref<!tpu.dma_semaphore, #tpu.memory_space<semaphore_mem>>
        %dma_start3A = arith.constant 7040 : i32
        %dma_start3A_88 = arith.constant 0 : i32
        %dma_start3A_89 = tpu.memref_slice %arg6[%arg0, %dma_start3A, %dma_start3A_88] : memref<2x10240x128xf32, #tpu.memory_space<hbm>> -> memref<1x640x128xf32, #tpu.memory_space<hbm>>
        %dma_start3A_90 = tpu.memref_squeeze %dma_start3A_89 : memref<1x640x128xf32, #tpu.memory_space<hbm>> -> memref<640x128xf32, #tpu.memory_space<hbm>>
        %dma_start3A_91 = arith.constant 7040 : i32
        %dma_start3A_92 = arith.constant 0 : i32
        %dma_start3A_93 = tpu.memref_slice %arg10[%dma_start3A_91, %dma_start3A_92] : memref<10240x128xf32, #tpu.memory_space<vmem_shared>> -> memref<640x128xf32, #tpu.memory_space<vmem_shared>>
        tpu.enqueue_dma source(%dma_start3A_93 : memref<640x128xf32, #tpu.memory_space<vmem_shared>>) target(%dma_start3A_90 : memref<640x128xf32, #tpu.memory_space<hbm>>) target_semaphore(%run_scoped3A : memref<!tpu.dma_semaphore, #tpu.memory_space<semaphore_mem>>)
        %dma_wait3A = arith.constant 7040 : i32
        %dma_wait3A_94 = arith.constant 0 : i32
        %dma_wait3A_95 = tpu.memref_slice %arg6[%arg0, %dma_wait3A, %dma_wait3A_94] : memref<2x10240x128xf32, #tpu.memory_space<hbm>> -> memref<1x640x128xf32, #tpu.memory_space<hbm>>
        %dma_wait3A_96 = tpu.memref_squeeze %dma_wait3A_95 : memref<1x640x128xf32, #tpu.memory_space<hbm>> -> memref<640x128xf32, #tpu.memory_space<hbm>>
        %dma_wait3A_97 = arith.constant 7040 : i32
        %dma_wait3A_98 = arith.constant 0 : i32
        %dma_wait3A_99 = tpu.memref_slice %arg10[%dma_wait3A_97, %dma_wait3A_98] : memref<10240x128xf32, #tpu.memory_space<vmem_shared>> -> memref<640x128xf32, #tpu.memory_space<vmem_shared>>
        tpu.wait_dma2 semaphore(%run_scoped3A : memref<!tpu.dma_semaphore, #tpu.memory_space<semaphore_mem>>) src(%dma_wait3A_99 : memref<640x128xf32, #tpu.memory_space<vmem_shared>>) dst(%dma_wait3A_96 : memref<640x128xf32, #tpu.memory_space<hbm>>)
        tpu.yield
      }) : () -> ()
    } else {
    }
    %eq3A_68 = arith.constant 12 : i32
    %eq3A_69 = arith.cmpi eq, %arg1, %eq3A_68 : i32
    %convert_element_type3A_70 = arith.extui %eq3A_69 : i1 to i32
    %cond3A_71 = arith.constant 0 : i32
    %cond3A_72 = arith.cmpi ne, %convert_element_type3A_70, %cond3A_71 : i32
    scf.if %cond3A_72 {
      "tpu.region"() ({
        %run_scoped3A = tpu.sem_alloc : memref<!tpu.dma_semaphore, #tpu.memory_space<semaphore_mem>>
        %dma_start3A = arith.constant 7680 : i32
        %dma_start3A_88 = arith.constant 0 : i32
        %dma_start3A_89 = tpu.memref_slice %arg6[%arg0, %dma_start3A, %dma_start3A_88] : memref<2x10240x128xf32, #tpu.memory_space<hbm>> -> memref<1x640x128xf32, #tpu.memory_space<hbm>>
        %dma_start3A_90 = tpu.memref_squeeze %dma_start3A_89 : memref<1x640x128xf32, #tpu.memory_space<hbm>> -> memref<640x128xf32, #tpu.memory_space<hbm>>
        %dma_start3A_91 = arith.constant 7680 : i32
        %dma_start3A_92 = arith.constant 0 : i32
        %dma_start3A_93 = tpu.memref_slice %arg10[%dma_start3A_91, %dma_start3A_92] : memref<10240x128xf32, #tpu.memory_space<vmem_shared>> -> memref<640x128xf32, #tpu.memory_space<vmem_shared>>
        tpu.enqueue_dma source(%dma_start3A_93 : memref<640x128xf32, #tpu.memory_space<vmem_shared>>) target(%dma_start3A_90 : memref<640x128xf32, #tpu.memory_space<hbm>>) target_semaphore(%run_scoped3A : memref<!tpu.dma_semaphore, #tpu.memory_space<semaphore_mem>>)
        %dma_wait3A = arith.constant 7680 : i32
        %dma_wait3A_94 = arith.constant 0 : i32
        %dma_wait3A_95 = tpu.memref_slice %arg6[%arg0, %dma_wait3A, %dma_wait3A_94] : memref<2x10240x128xf32, #tpu.memory_space<hbm>> -> memref<1x640x128xf32, #tpu.memory_space<hbm>>
        %dma_wait3A_96 = tpu.memref_squeeze %dma_wait3A_95 : memref<1x640x128xf32, #tpu.memory_space<hbm>> -> memref<640x128xf32, #tpu.memory_space<hbm>>
        %dma_wait3A_97 = arith.constant 7680 : i32
        %dma_wait3A_98 = arith.constant 0 : i32
        %dma_wait3A_99 = tpu.memref_slice %arg10[%dma_wait3A_97, %dma_wait3A_98] : memref<10240x128xf32, #tpu.memory_space<vmem_shared>> -> memref<640x128xf32, #tpu.memory_space<vmem_shared>>
        tpu.wait_dma2 semaphore(%run_scoped3A : memref<!tpu.dma_semaphore, #tpu.memory_space<semaphore_mem>>) src(%dma_wait3A_99 : memref<640x128xf32, #tpu.memory_space<vmem_shared>>) dst(%dma_wait3A_96 : memref<640x128xf32, #tpu.memory_space<hbm>>)
        tpu.yield
      }) : () -> ()
    } else {
    }
    %eq3A_73 = arith.constant 13 : i32
    %eq3A_74 = arith.cmpi eq, %arg1, %eq3A_73 : i32
    %convert_element_type3A_75 = arith.extui %eq3A_74 : i1 to i32
    %cond3A_76 = arith.constant 0 : i32
    %cond3A_77 = arith.cmpi ne, %convert_element_type3A_75, %cond3A_76 : i32
    scf.if %cond3A_77 {
      "tpu.region"() ({
        %run_scoped3A = tpu.sem_alloc : memref<!tpu.dma_semaphore, #tpu.memory_space<semaphore_mem>>
        %dma_start3A = arith.constant 8320 : i32
        %dma_start3A_88 = arith.constant 0 : i32
        %dma_start3A_89 = tpu.memref_slice %arg6[%arg0, %dma_start3A, %dma_start3A_88] : memref<2x10240x128xf32, #tpu.memory_space<hbm>> -> memref<1x640x128xf32, #tpu.memory_space<hbm>>
        %dma_start3A_90 = tpu.memref_squeeze %dma_start3A_89 : memref<1x640x128xf32, #tpu.memory_space<hbm>> -> memref<640x128xf32, #tpu.memory_space<hbm>>
        %dma_start3A_91 = arith.constant 8320 : i32
        %dma_start3A_92 = arith.constant 0 : i32
        %dma_start3A_93 = tpu.memref_slice %arg10[%dma_start3A_91, %dma_start3A_92] : memref<10240x128xf32, #tpu.memory_space<vmem_shared>> -> memref<640x128xf32, #tpu.memory_space<vmem_shared>>
        tpu.enqueue_dma source(%dma_start3A_93 : memref<640x128xf32, #tpu.memory_space<vmem_shared>>) target(%dma_start3A_90 : memref<640x128xf32, #tpu.memory_space<hbm>>) target_semaphore(%run_scoped3A : memref<!tpu.dma_semaphore, #tpu.memory_space<semaphore_mem>>)
        %dma_wait3A = arith.constant 8320 : i32
        %dma_wait3A_94 = arith.constant 0 : i32
        %dma_wait3A_95 = tpu.memref_slice %arg6[%arg0, %dma_wait3A, %dma_wait3A_94] : memref<2x10240x128xf32, #tpu.memory_space<hbm>> -> memref<1x640x128xf32, #tpu.memory_space<hbm>>
        %dma_wait3A_96 = tpu.memref_squeeze %dma_wait3A_95 : memref<1x640x128xf32, #tpu.memory_space<hbm>> -> memref<640x128xf32, #tpu.memory_space<hbm>>
        %dma_wait3A_97 = arith.constant 8320 : i32
        %dma_wait3A_98 = arith.constant 0 : i32
        %dma_wait3A_99 = tpu.memref_slice %arg10[%dma_wait3A_97, %dma_wait3A_98] : memref<10240x128xf32, #tpu.memory_space<vmem_shared>> -> memref<640x128xf32, #tpu.memory_space<vmem_shared>>
        tpu.wait_dma2 semaphore(%run_scoped3A : memref<!tpu.dma_semaphore, #tpu.memory_space<semaphore_mem>>) src(%dma_wait3A_99 : memref<640x128xf32, #tpu.memory_space<vmem_shared>>) dst(%dma_wait3A_96 : memref<640x128xf32, #tpu.memory_space<hbm>>)
        tpu.yield
      }) : () -> ()
    } else {
    }
    %eq3A_78 = arith.constant 14 : i32
    %eq3A_79 = arith.cmpi eq, %arg1, %eq3A_78 : i32
    %convert_element_type3A_80 = arith.extui %eq3A_79 : i1 to i32
    %cond3A_81 = arith.constant 0 : i32
    %cond3A_82 = arith.cmpi ne, %convert_element_type3A_80, %cond3A_81 : i32
    scf.if %cond3A_82 {
      "tpu.region"() ({
        %run_scoped3A = tpu.sem_alloc : memref<!tpu.dma_semaphore, #tpu.memory_space<semaphore_mem>>
        %dma_start3A = arith.constant 8960 : i32
        %dma_start3A_88 = arith.constant 0 : i32
        %dma_start3A_89 = tpu.memref_slice %arg6[%arg0, %dma_start3A, %dma_start3A_88] : memref<2x10240x128xf32, #tpu.memory_space<hbm>> -> memref<1x640x128xf32, #tpu.memory_space<hbm>>
        %dma_start3A_90 = tpu.memref_squeeze %dma_start3A_89 : memref<1x640x128xf32, #tpu.memory_space<hbm>> -> memref<640x128xf32, #tpu.memory_space<hbm>>
        %dma_start3A_91 = arith.constant 8960 : i32
        %dma_start3A_92 = arith.constant 0 : i32
        %dma_start3A_93 = tpu.memref_slice %arg10[%dma_start3A_91, %dma_start3A_92] : memref<10240x128xf32, #tpu.memory_space<vmem_shared>> -> memref<640x128xf32, #tpu.memory_space<vmem_shared>>
        tpu.enqueue_dma source(%dma_start3A_93 : memref<640x128xf32, #tpu.memory_space<vmem_shared>>) target(%dma_start3A_90 : memref<640x128xf32, #tpu.memory_space<hbm>>) target_semaphore(%run_scoped3A : memref<!tpu.dma_semaphore, #tpu.memory_space<semaphore_mem>>)
        %dma_wait3A = arith.constant 8960 : i32
        %dma_wait3A_94 = arith.constant 0 : i32
        %dma_wait3A_95 = tpu.memref_slice %arg6[%arg0, %dma_wait3A, %dma_wait3A_94] : memref<2x10240x128xf32, #tpu.memory_space<hbm>> -> memref<1x640x128xf32, #tpu.memory_space<hbm>>
        %dma_wait3A_96 = tpu.memref_squeeze %dma_wait3A_95 : memref<1x640x128xf32, #tpu.memory_space<hbm>> -> memref<640x128xf32, #tpu.memory_space<hbm>>
        %dma_wait3A_97 = arith.constant 8960 : i32
        %dma_wait3A_98 = arith.constant 0 : i32
        %dma_wait3A_99 = tpu.memref_slice %arg10[%dma_wait3A_97, %dma_wait3A_98] : memref<10240x128xf32, #tpu.memory_space<vmem_shared>> -> memref<640x128xf32, #tpu.memory_space<vmem_shared>>
        tpu.wait_dma2 semaphore(%run_scoped3A : memref<!tpu.dma_semaphore, #tpu.memory_space<semaphore_mem>>) src(%dma_wait3A_99 : memref<640x128xf32, #tpu.memory_space<vmem_shared>>) dst(%dma_wait3A_96 : memref<640x128xf32, #tpu.memory_space<hbm>>)
        tpu.yield
      }) : () -> ()
    } else {
    }
    %eq3A_83 = arith.constant 15 : i32
    %eq3A_84 = arith.cmpi eq, %arg1, %eq3A_83 : i32
    %convert_element_type3A_85 = arith.extui %eq3A_84 : i1 to i32
    %cond3A_86 = arith.constant 0 : i32
    %cond3A_87 = arith.cmpi ne, %convert_element_type3A_85, %cond3A_86 : i32
    scf.if %cond3A_87 {
      "tpu.region"() ({
        %run_scoped3A = tpu.sem_alloc : memref<!tpu.dma_semaphore, #tpu.memory_space<semaphore_mem>>
        %dma_start3A = arith.constant 9600 : i32
        %dma_start3A_88 = arith.constant 0 : i32
        %dma_start3A_89 = tpu.memref_slice %arg6[%arg0, %dma_start3A, %dma_start3A_88] : memref<2x10240x128xf32, #tpu.memory_space<hbm>> -> memref<1x640x128xf32, #tpu.memory_space<hbm>>
        %dma_start3A_90 = tpu.memref_squeeze %dma_start3A_89 : memref<1x640x128xf32, #tpu.memory_space<hbm>> -> memref<640x128xf32, #tpu.memory_space<hbm>>
        %dma_start3A_91 = arith.constant 9600 : i32
        %dma_start3A_92 = arith.constant 0 : i32
        %dma_start3A_93 = tpu.memref_slice %arg10[%dma_start3A_91, %dma_start3A_92] : memref<10240x128xf32, #tpu.memory_space<vmem_shared>> -> memref<640x128xf32, #tpu.memory_space<vmem_shared>>
        tpu.enqueue_dma source(%dma_start3A_93 : memref<640x128xf32, #tpu.memory_space<vmem_shared>>) target(%dma_start3A_90 : memref<640x128xf32, #tpu.memory_space<hbm>>) target_semaphore(%run_scoped3A : memref<!tpu.dma_semaphore, #tpu.memory_space<semaphore_mem>>)
        %dma_wait3A = arith.constant 9600 : i32
        %dma_wait3A_94 = arith.constant 0 : i32
        %dma_wait3A_95 = tpu.memref_slice %arg6[%arg0, %dma_wait3A, %dma_wait3A_94] : memref<2x10240x128xf32, #tpu.memory_space<hbm>> -> memref<1x640x128xf32, #tpu.memory_space<hbm>>
        %dma_wait3A_96 = tpu.memref_squeeze %dma_wait3A_95 : memref<1x640x128xf32, #tpu.memory_space<hbm>> -> memref<640x128xf32, #tpu.memory_space<hbm>>
        %dma_wait3A_97 = arith.constant 9600 : i32
        %dma_wait3A_98 = arith.constant 0 : i32
        %dma_wait3A_99 = tpu.memref_slice %arg10[%dma_wait3A_97, %dma_wait3A_98] : memref<10240x128xf32, #tpu.memory_space<vmem_shared>> -> memref<640x128xf32, #tpu.memory_space<vmem_shared>>
        tpu.wait_dma2 semaphore(%run_scoped3A : memref<!tpu.dma_semaphore, #tpu.memory_space<semaphore_mem>>) src(%dma_wait3A_99 : memref<640x128xf32, #tpu.memory_space<vmem_shared>>) dst(%dma_wait3A_96 : memref<640x128xf32, #tpu.memory_space<hbm>>)
        tpu.yield
      }) : () -> ()
    } else {
    }
    return
  }
}

#map = affine_map<(d0, d1) -> (0, 0)>
#map1 = affine_map<(d0, d1) -> (0, 0, 0)>
module attributes {stable_mosaic.version = 14 : i64} {
  func.func @agg_kernel(%arg0: i32, %arg1: i32, %arg2: memref<10240x128xf32, #tpu.memory_space<hbm>>, %arg3: memref<32x80x128xi32, #tpu.memory_space<hbm>>, %arg4: memref<32x80x128xi32, #tpu.memory_space<hbm>>, %arg5: memref<10240x128xf32, #tpu.memory_space<hbm>>, %arg6: memref<2x10240x128xf32, #tpu.memory_space<hbm>>, %arg7: memref<80x128xi32, #tpu.memory_space<vmem>>, %arg8: memref<80x128xi32, #tpu.memory_space<vmem>>, %arg9: memref<128x128xf32, #tpu.memory_space<vmem>>, %arg10: memref<10240x128xf32, #tpu.memory_space<vmem_shared>>) attributes {dimension_semantics = [#tpu.dimension_semantics<core_parallel>, #tpu.dimension_semantics<subcore_parallel>], iteration_bounds = array<i64: 2, 16>, scalar_prefetch = 0 : i64, scratch_operands = 4 : i64, tpu.core_type = #tpu.core_type<sc_vector_subcore>, window_params = [{transform_indices = #map}, {transform_indices = #map1}, {transform_indices = #map1}, {transform_indices = #map}, {transform_indices = #map1}]} {
    %mul3A = arith.constant 16 : i32
    %mul3A_0 = arith.muli %arg0, %mul3A : i32
    %add3A = arith.addi %mul3A_0, %arg1 : i32
    "tpu.region"() ({
      %run_scoped3A = tpu.sem_alloc : memref<!tpu.dma_semaphore, #tpu.memory_space<semaphore_mem>>
      %dma_start3A = arith.constant 0 : i32
      %dma_start3A_88 = arith.constant 0 : i32
      %dma_start3A_89 = tpu.memref_slice %arg3[%add3A, %dma_start3A, %dma_start3A_88] : memref<32x80x128xi32, #tpu.memory_space<hbm>> -> memref<1x80x128xi32, #tpu.memory_space<hbm>>
      %dma_start3A_90 = tpu.memref_squeeze %dma_start3A_89 : memref<1x80x128xi32, #tpu.memory_space<hbm>> -> memref<80x128xi32, #tpu.memory_space<hbm>>
      %dma_start3A_91 = arith.constant 0 : i32
      %dma_start3A_92 = arith.constant 0 : i32
      %dma_start3A_93 = tpu.memref_slice %arg3[%add3A, %dma_start3A_91, %dma_start3A_92] : memref<32x80x128xi32, #tpu.memory_space<hbm>> -> memref<1x80x128xi32, #tpu.memory_space<hbm>>
      %dma_start3A_94 = tpu.memref_squeeze %dma_start3A_93 : memref<1x80x128xi32, #tpu.memory_space<hbm>> -> memref<80x128xi32, #tpu.memory_space<hbm>>
      tpu.enqueue_dma source(%dma_start3A_94 : memref<80x128xi32, #tpu.memory_space<hbm>>) target(%arg7 : memref<80x128xi32, #tpu.memory_space<vmem>>) target_semaphore(%run_scoped3A : memref<!tpu.dma_semaphore, #tpu.memory_space<semaphore_mem>>)
      %dma_wait3A = arith.constant 0 : i32
      %dma_wait3A_95 = arith.constant 0 : i32
      %dma_wait3A_96 = tpu.memref_slice %arg3[%add3A, %dma_wait3A, %dma_wait3A_95] : memref<32x80x128xi32, #tpu.memory_space<hbm>> -> memref<1x80x128xi32, #tpu.memory_space<hbm>>
      %dma_wait3A_97 = tpu.memref_squeeze %dma_wait3A_96 : memref<1x80x128xi32, #tpu.memory_space<hbm>> -> memref<80x128xi32, #tpu.memory_space<hbm>>
      %dma_wait3A_98 = arith.constant 0 : i32
      %dma_wait3A_99 = arith.constant 0 : i32
      %dma_wait3A_100 = tpu.memref_slice %arg3[%add3A, %dma_wait3A_98, %dma_wait3A_99] : memref<32x80x128xi32, #tpu.memory_space<hbm>> -> memref<1x80x128xi32, #tpu.memory_space<hbm>>
      %dma_wait3A_101 = tpu.memref_squeeze %dma_wait3A_100 : memref<1x80x128xi32, #tpu.memory_space<hbm>> -> memref<80x128xi32, #tpu.memory_space<hbm>>
      tpu.wait_dma2 semaphore(%run_scoped3A : memref<!tpu.dma_semaphore, #tpu.memory_space<semaphore_mem>>) src(%dma_wait3A_101 : memref<80x128xi32, #tpu.memory_space<hbm>>) dst(%arg7 : memref<80x128xi32, #tpu.memory_space<vmem>>)
      tpu.yield
    }) : () -> ()
    "tpu.region"() ({
      %run_scoped3A = tpu.sem_alloc : memref<!tpu.dma_semaphore, #tpu.memory_space<semaphore_mem>>
      %dma_start3A = arith.constant 0 : i32
      %dma_start3A_88 = arith.constant 0 : i32
      %dma_start3A_89 = tpu.memref_slice %arg4[%add3A, %dma_start3A, %dma_start3A_88] : memref<32x80x128xi32, #tpu.memory_space<hbm>> -> memref<1x80x128xi32, #tpu.memory_space<hbm>>
      %dma_start3A_90 = tpu.memref_squeeze %dma_start3A_89 : memref<1x80x128xi32, #tpu.memory_space<hbm>> -> memref<80x128xi32, #tpu.memory_space<hbm>>
      %dma_start3A_91 = arith.constant 0 : i32
      %dma_start3A_92 = arith.constant 0 : i32
      %dma_start3A_93 = tpu.memref_slice %arg4[%add3A, %dma_start3A_91, %dma_start3A_92] : memref<32x80x128xi32, #tpu.memory_space<hbm>> -> memref<1x80x128xi32, #tpu.memory_space<hbm>>
      %dma_start3A_94 = tpu.memref_squeeze %dma_start3A_93 : memref<1x80x128xi32, #tpu.memory_space<hbm>> -> memref<80x128xi32, #tpu.memory_space<hbm>>
      tpu.enqueue_dma source(%dma_start3A_94 : memref<80x128xi32, #tpu.memory_space<hbm>>) target(%arg8 : memref<80x128xi32, #tpu.memory_space<vmem>>) target_semaphore(%run_scoped3A : memref<!tpu.dma_semaphore, #tpu.memory_space<semaphore_mem>>)
      %dma_wait3A = arith.constant 0 : i32
      %dma_wait3A_95 = arith.constant 0 : i32
      %dma_wait3A_96 = tpu.memref_slice %arg4[%add3A, %dma_wait3A, %dma_wait3A_95] : memref<32x80x128xi32, #tpu.memory_space<hbm>> -> memref<1x80x128xi32, #tpu.memory_space<hbm>>
      %dma_wait3A_97 = tpu.memref_squeeze %dma_wait3A_96 : memref<1x80x128xi32, #tpu.memory_space<hbm>> -> memref<80x128xi32, #tpu.memory_space<hbm>>
      %dma_wait3A_98 = arith.constant 0 : i32
      %dma_wait3A_99 = arith.constant 0 : i32
      %dma_wait3A_100 = tpu.memref_slice %arg4[%add3A, %dma_wait3A_98, %dma_wait3A_99] : memref<32x80x128xi32, #tpu.memory_space<hbm>> -> memref<1x80x128xi32, #tpu.memory_space<hbm>>
      %dma_wait3A_101 = tpu.memref_squeeze %dma_wait3A_100 : memref<1x80x128xi32, #tpu.memory_space<hbm>> -> memref<80x128xi32, #tpu.memory_space<hbm>>
      tpu.wait_dma2 semaphore(%run_scoped3A : memref<!tpu.dma_semaphore, #tpu.memory_space<semaphore_mem>>) src(%dma_wait3A_101 : memref<80x128xi32, #tpu.memory_space<hbm>>) dst(%arg8 : memref<80x128xi32, #tpu.memory_space<vmem>>)
      tpu.yield
    }) : () -> ()
    %eq3A = arith.constant 0 : i32
    %eq3A_1 = arith.cmpi eq, %arg1, %eq3A : i32
    %convert_element_type3A = arith.extui %eq3A_1 : i1 to i32
    %cond3A = arith.constant 0 : i32
    %cond3A_2 = arith.cmpi ne, %convert_element_type3A, %cond3A : i32
    scf.if %cond3A_2 {
      "tpu.region"() ({
        %run_scoped3A = tpu.sem_alloc : memref<!tpu.dma_semaphore, #tpu.memory_space<semaphore_mem>>
        tpu.enqueue_dma source(%arg5 : memref<10240x128xf32, #tpu.memory_space<hbm>>) target(%arg10 : memref<10240x128xf32, #tpu.memory_space<vmem_shared>>) target_semaphore(%run_scoped3A : memref<!tpu.dma_semaphore, #tpu.memory_space<semaphore_mem>>)
        tpu.wait_dma2 semaphore(%run_scoped3A : memref<!tpu.dma_semaphore, #tpu.memory_space<semaphore_mem>>) src(%arg5 : memref<10240x128xf32, #tpu.memory_space<hbm>>) dst(%arg10 : memref<10240x128xf32, #tpu.memory_space<vmem_shared>>)
        tpu.yield
      }) : () -> ()
    } else {
    }
    %barrier3A = arith.constant 0 : index
    tpu.barrier barrier_id(%barrier3A)
    %scan3A = arith.constant 0 : i32
    %scan3A_3 = arith.constant 80 : i32
    %scan3A_4 = arith.addi %scan3A, %scan3A_3 : i32
    %scan3A_5 = arith.constant 1 : i32
    scf.for %scan3A_88 = %scan3A to %scan3A_4 step %scan3A_5  : i32 {
      %mul3A_89 = arith.constant 1 : i32
      %mul3A_90 = arith.muli %scan3A_88, %mul3A_89 : i32
      %add3A_91 = arith.constant 0 : i32
      %add3A_92 = arith.addi %add3A_91, %mul3A_90 : i32
      "tpu.region"() ({
        %run_scoped3A = tpu.sem_alloc : memref<!tpu.dma_semaphore, #tpu.memory_space<semaphore_mem>>
        %dma_start3A = arith.constant 0 : i32
        %dma_start3A_93 = tpu.memref_slice %arg7[%add3A_92, %dma_start3A] : memref<80x128xi32, #tpu.memory_space<vmem>> -> memref<1x128xi32, #tpu.memory_space<vmem>>
        %dma_start3A_94 = tpu.memref_squeeze %dma_start3A_93 : memref<1x128xi32, #tpu.memory_space<vmem>> -> memref<128xi32, #tpu.memory_space<vmem>>
        %dma_start3A_95 = arith.constant 0 : i32
        %dma_start3A_96 = arith.constant 0 : i32
        %dma_start3A_97 = tpu.memref_slice %arg2[%dma_start3A_95, %dma_start3A_96] : memref<10240x128xf32, #tpu.memory_space<hbm>> -> memref<10240x128xf32, #tpu.memory_space<hbm>>
        tpu.enqueue_indirect_dma source(%dma_start3A_97 : memref<10240x128xf32, #tpu.memory_space<hbm>>) target(%arg9 : memref<128x128xf32, #tpu.memory_space<vmem>>) offsets(%dma_start3A_94 : memref<128xi32, #tpu.memory_space<vmem>>) semaphore(%run_scoped3A : memref<!tpu.dma_semaphore, #tpu.memory_space<semaphore_mem>>)
        %dma_wait3A = arith.constant 0 : i32
        %dma_wait3A_98 = tpu.memref_slice %arg7[%add3A_92, %dma_wait3A] : memref<80x128xi32, #tpu.memory_space<vmem>> -> memref<1x128xi32, #tpu.memory_space<vmem>>
        %dma_wait3A_99 = tpu.memref_squeeze %dma_wait3A_98 : memref<1x128xi32, #tpu.memory_space<vmem>> -> memref<128xi32, #tpu.memory_space<vmem>>
        %dma_wait3A_100 = arith.constant 0 : i32
        %dma_wait3A_101 = arith.constant 0 : i32
        %dma_wait3A_102 = tpu.memref_slice %arg2[%dma_wait3A_100, %dma_wait3A_101] : memref<10240x128xf32, #tpu.memory_space<hbm>> -> memref<10240x128xf32, #tpu.memory_space<hbm>>
        tpu.wait_indirect_dma semaphore(%run_scoped3A : memref<!tpu.dma_semaphore, #tpu.memory_space<semaphore_mem>>) src(%dma_wait3A_102 : memref<10240x128xf32, #tpu.memory_space<hbm>>) dst(%arg9 : memref<128x128xf32, #tpu.memory_space<vmem>>)
        tpu.yield
      }) : () -> ()
      "tpu.region"() ({
        %run_scoped3A = tpu.sem_alloc : memref<!tpu.dma_semaphore, #tpu.memory_space<semaphore_mem>>
        %dma_start3A = arith.constant 0 : i32
        %dma_start3A_93 = tpu.memref_slice %arg8[%add3A_92, %dma_start3A] : memref<80x128xi32, #tpu.memory_space<vmem>> -> memref<1x128xi32, #tpu.memory_space<vmem>>
        %dma_start3A_94 = tpu.memref_squeeze %dma_start3A_93 : memref<1x128xi32, #tpu.memory_space<vmem>> -> memref<128xi32, #tpu.memory_space<vmem>>
        %dma_start3A_95 = arith.constant 0 : i32
        %dma_start3A_96 = arith.constant 0 : i32
        %dma_start3A_97 = tpu.memref_slice %arg10[%dma_start3A_95, %dma_start3A_96] : memref<10240x128xf32, #tpu.memory_space<vmem_shared>> -> memref<10240x128xf32, #tpu.memory_space<vmem_shared>>
        tpu.enqueue_indirect_dma source(%arg9 : memref<128x128xf32, #tpu.memory_space<vmem>>) target(%dma_start3A_97 : memref<10240x128xf32, #tpu.memory_space<vmem_shared>>) offsets(%dma_start3A_94 : memref<128xi32, #tpu.memory_space<vmem>>) semaphore(%run_scoped3A : memref<!tpu.dma_semaphore, #tpu.memory_space<semaphore_mem>>) {add = true}
        %dma_wait3A = arith.constant 0 : i32
        %dma_wait3A_98 = tpu.memref_slice %arg8[%add3A_92, %dma_wait3A] : memref<80x128xi32, #tpu.memory_space<vmem>> -> memref<1x128xi32, #tpu.memory_space<vmem>>
        %dma_wait3A_99 = tpu.memref_squeeze %dma_wait3A_98 : memref<1x128xi32, #tpu.memory_space<vmem>> -> memref<128xi32, #tpu.memory_space<vmem>>
        %dma_wait3A_100 = arith.constant 0 : i32
        %dma_wait3A_101 = arith.constant 0 : i32
        %dma_wait3A_102 = tpu.memref_slice %arg10[%dma_wait3A_100, %dma_wait3A_101] : memref<10240x128xf32, #tpu.memory_space<vmem_shared>> -> memref<10240x128xf32, #tpu.memory_space<vmem_shared>>
        tpu.wait_indirect_dma semaphore(%run_scoped3A : memref<!tpu.dma_semaphore, #tpu.memory_space<semaphore_mem>>) src(%arg9 : memref<128x128xf32, #tpu.memory_space<vmem>>) dst(%dma_wait3A_102 : memref<10240x128xf32, #tpu.memory_space<vmem_shared>>)
        tpu.yield
      }) : () -> ()
    }
    %scan3A_6 = arith.constant 80 : i32
    %barrier3A_7 = arith.constant 0 : index
    tpu.barrier barrier_id(%barrier3A_7)
    %eq3A_8 = arith.constant 0 : i32
    %eq3A_9 = arith.cmpi eq, %arg1, %eq3A_8 : i32
    %convert_element_type3A_10 = arith.extui %eq3A_9 : i1 to i32
    %cond3A_11 = arith.constant 0 : i32
    %cond3A_12 = arith.cmpi ne, %convert_element_type3A_10, %cond3A_11 : i32
    scf.if %cond3A_12 {
      "tpu.region"() ({
        %run_scoped3A = tpu.sem_alloc : memref<!tpu.dma_semaphore, #tpu.memory_space<semaphore_mem>>
        %dma_start3A = arith.constant 0 : i32
        %dma_start3A_88 = arith.constant 0 : i32
        %dma_start3A_89 = tpu.memref_slice %arg6[%arg0, %dma_start3A, %dma_start3A_88] : memref<2x10240x128xf32, #tpu.memory_space<hbm>> -> memref<1x640x128xf32, #tpu.memory_space<hbm>>
        %dma_start3A_90 = tpu.memref_squeeze %dma_start3A_89 : memref<1x640x128xf32, #tpu.memory_space<hbm>> -> memref<640x128xf32, #tpu.memory_space<hbm>>
        %dma_start3A_91 = arith.constant 0 : i32
        %dma_start3A_92 = arith.constant 0 : i32
        %dma_start3A_93 = tpu.memref_slice %arg10[%dma_start3A_91, %dma_start3A_92] : memref<10240x128xf32, #tpu.memory_space<vmem_shared>> -> memref<640x128xf32, #tpu.memory_space<vmem_shared>>
        tpu.enqueue_dma source(%dma_start3A_93 : memref<640x128xf32, #tpu.memory_space<vmem_shared>>) target(%dma_start3A_90 : memref<640x128xf32, #tpu.memory_space<hbm>>) target_semaphore(%run_scoped3A : memref<!tpu.dma_semaphore, #tpu.memory_space<semaphore_mem>>)
        %dma_wait3A = arith.constant 0 : i32
        %dma_wait3A_94 = arith.constant 0 : i32
        %dma_wait3A_95 = tpu.memref_slice %arg6[%arg0, %dma_wait3A, %dma_wait3A_94] : memref<2x10240x128xf32, #tpu.memory_space<hbm>> -> memref<1x640x128xf32, #tpu.memory_space<hbm>>
        %dma_wait3A_96 = tpu.memref_squeeze %dma_wait3A_95 : memref<1x640x128xf32, #tpu.memory_space<hbm>> -> memref<640x128xf32, #tpu.memory_space<hbm>>
        %dma_wait3A_97 = arith.constant 0 : i32
        %dma_wait3A_98 = arith.constant 0 : i32
        %dma_wait3A_99 = tpu.memref_slice %arg10[%dma_wait3A_97, %dma_wait3A_98] : memref<10240x128xf32, #tpu.memory_space<vmem_shared>> -> memref<640x128xf32, #tpu.memory_space<vmem_shared>>
        tpu.wait_dma2 semaphore(%run_scoped3A : memref<!tpu.dma_semaphore, #tpu.memory_space<semaphore_mem>>) src(%dma_wait3A_99 : memref<640x128xf32, #tpu.memory_space<vmem_shared>>) dst(%dma_wait3A_96 : memref<640x128xf32, #tpu.memory_space<hbm>>)
        tpu.yield
      }) : () -> ()
    } else {
    }
    %eq3A_13 = arith.constant 1 : i32
    %eq3A_14 = arith.cmpi eq, %arg1, %eq3A_13 : i32
    %convert_element_type3A_15 = arith.extui %eq3A_14 : i1 to i32
    %cond3A_16 = arith.constant 0 : i32
    %cond3A_17 = arith.cmpi ne, %convert_element_type3A_15, %cond3A_16 : i32
    scf.if %cond3A_17 {
      "tpu.region"() ({
        %run_scoped3A = tpu.sem_alloc : memref<!tpu.dma_semaphore, #tpu.memory_space<semaphore_mem>>
        %dma_start3A = arith.constant 640 : i32
        %dma_start3A_88 = arith.constant 0 : i32
        %dma_start3A_89 = tpu.memref_slice %arg6[%arg0, %dma_start3A, %dma_start3A_88] : memref<2x10240x128xf32, #tpu.memory_space<hbm>> -> memref<1x640x128xf32, #tpu.memory_space<hbm>>
        %dma_start3A_90 = tpu.memref_squeeze %dma_start3A_89 : memref<1x640x128xf32, #tpu.memory_space<hbm>> -> memref<640x128xf32, #tpu.memory_space<hbm>>
        %dma_start3A_91 = arith.constant 640 : i32
        %dma_start3A_92 = arith.constant 0 : i32
        %dma_start3A_93 = tpu.memref_slice %arg10[%dma_start3A_91, %dma_start3A_92] : memref<10240x128xf32, #tpu.memory_space<vmem_shared>> -> memref<640x128xf32, #tpu.memory_space<vmem_shared>>
        tpu.enqueue_dma source(%dma_start3A_93 : memref<640x128xf32, #tpu.memory_space<vmem_shared>>) target(%dma_start3A_90 : memref<640x128xf32, #tpu.memory_space<hbm>>) target_semaphore(%run_scoped3A : memref<!tpu.dma_semaphore, #tpu.memory_space<semaphore_mem>>)
        %dma_wait3A = arith.constant 640 : i32
        %dma_wait3A_94 = arith.constant 0 : i32
        %dma_wait3A_95 = tpu.memref_slice %arg6[%arg0, %dma_wait3A, %dma_wait3A_94] : memref<2x10240x128xf32, #tpu.memory_space<hbm>> -> memref<1x640x128xf32, #tpu.memory_space<hbm>>
        %dma_wait3A_96 = tpu.memref_squeeze %dma_wait3A_95 : memref<1x640x128xf32, #tpu.memory_space<hbm>> -> memref<640x128xf32, #tpu.memory_space<hbm>>
        %dma_wait3A_97 = arith.constant 640 : i32
        %dma_wait3A_98 = arith.constant 0 : i32
        %dma_wait3A_99 = tpu.memref_slice %arg10[%dma_wait3A_97, %dma_wait3A_98] : memref<10240x128xf32, #tpu.memory_space<vmem_shared>> -> memref<640x128xf32, #tpu.memory_space<vmem_shared>>
        tpu.wait_dma2 semaphore(%run_scoped3A : memref<!tpu.dma_semaphore, #tpu.memory_space<semaphore_mem>>) src(%dma_wait3A_99 : memref<640x128xf32, #tpu.memory_space<vmem_shared>>) dst(%dma_wait3A_96 : memref<640x128xf32, #tpu.memory_space<hbm>>)
        tpu.yield
      }) : () -> ()
    } else {
    }
    %eq3A_18 = arith.constant 2 : i32
    %eq3A_19 = arith.cmpi eq, %arg1, %eq3A_18 : i32
    %convert_element_type3A_20 = arith.extui %eq3A_19 : i1 to i32
    %cond3A_21 = arith.constant 0 : i32
    %cond3A_22 = arith.cmpi ne, %convert_element_type3A_20, %cond3A_21 : i32
    scf.if %cond3A_22 {
      "tpu.region"() ({
        %run_scoped3A = tpu.sem_alloc : memref<!tpu.dma_semaphore, #tpu.memory_space<semaphore_mem>>
        %dma_start3A = arith.constant 1280 : i32
        %dma_start3A_88 = arith.constant 0 : i32
        %dma_start3A_89 = tpu.memref_slice %arg6[%arg0, %dma_start3A, %dma_start3A_88] : memref<2x10240x128xf32, #tpu.memory_space<hbm>> -> memref<1x640x128xf32, #tpu.memory_space<hbm>>
        %dma_start3A_90 = tpu.memref_squeeze %dma_start3A_89 : memref<1x640x128xf32, #tpu.memory_space<hbm>> -> memref<640x128xf32, #tpu.memory_space<hbm>>
        %dma_start3A_91 = arith.constant 1280 : i32
        %dma_start3A_92 = arith.constant 0 : i32
        %dma_start3A_93 = tpu.memref_slice %arg10[%dma_start3A_91, %dma_start3A_92] : memref<10240x128xf32, #tpu.memory_space<vmem_shared>> -> memref<640x128xf32, #tpu.memory_space<vmem_shared>>
        tpu.enqueue_dma source(%dma_start3A_93 : memref<640x128xf32, #tpu.memory_space<vmem_shared>>) target(%dma_start3A_90 : memref<640x128xf32, #tpu.memory_space<hbm>>) target_semaphore(%run_scoped3A : memref<!tpu.dma_semaphore, #tpu.memory_space<semaphore_mem>>)
        %dma_wait3A = arith.constant 1280 : i32
        %dma_wait3A_94 = arith.constant 0 : i32
        %dma_wait3A_95 = tpu.memref_slice %arg6[%arg0, %dma_wait3A, %dma_wait3A_94] : memref<2x10240x128xf32, #tpu.memory_space<hbm>> -> memref<1x640x128xf32, #tpu.memory_space<hbm>>
        %dma_wait3A_96 = tpu.memref_squeeze %dma_wait3A_95 : memref<1x640x128xf32, #tpu.memory_space<hbm>> -> memref<640x128xf32, #tpu.memory_space<hbm>>
        %dma_wait3A_97 = arith.constant 1280 : i32
        %dma_wait3A_98 = arith.constant 0 : i32
        %dma_wait3A_99 = tpu.memref_slice %arg10[%dma_wait3A_97, %dma_wait3A_98] : memref<10240x128xf32, #tpu.memory_space<vmem_shared>> -> memref<640x128xf32, #tpu.memory_space<vmem_shared>>
        tpu.wait_dma2 semaphore(%run_scoped3A : memref<!tpu.dma_semaphore, #tpu.memory_space<semaphore_mem>>) src(%dma_wait3A_99 : memref<640x128xf32, #tpu.memory_space<vmem_shared>>) dst(%dma_wait3A_96 : memref<640x128xf32, #tpu.memory_space<hbm>>)
        tpu.yield
      }) : () -> ()
    } else {
    }
    %eq3A_23 = arith.constant 3 : i32
    %eq3A_24 = arith.cmpi eq, %arg1, %eq3A_23 : i32
    %convert_element_type3A_25 = arith.extui %eq3A_24 : i1 to i32
    %cond3A_26 = arith.constant 0 : i32
    %cond3A_27 = arith.cmpi ne, %convert_element_type3A_25, %cond3A_26 : i32
    scf.if %cond3A_27 {
      "tpu.region"() ({
        %run_scoped3A = tpu.sem_alloc : memref<!tpu.dma_semaphore, #tpu.memory_space<semaphore_mem>>
        %dma_start3A = arith.constant 1920 : i32
        %dma_start3A_88 = arith.constant 0 : i32
        %dma_start3A_89 = tpu.memref_slice %arg6[%arg0, %dma_start3A, %dma_start3A_88] : memref<2x10240x128xf32, #tpu.memory_space<hbm>> -> memref<1x640x128xf32, #tpu.memory_space<hbm>>
        %dma_start3A_90 = tpu.memref_squeeze %dma_start3A_89 : memref<1x640x128xf32, #tpu.memory_space<hbm>> -> memref<640x128xf32, #tpu.memory_space<hbm>>
        %dma_start3A_91 = arith.constant 1920 : i32
        %dma_start3A_92 = arith.constant 0 : i32
        %dma_start3A_93 = tpu.memref_slice %arg10[%dma_start3A_91, %dma_start3A_92] : memref<10240x128xf32, #tpu.memory_space<vmem_shared>> -> memref<640x128xf32, #tpu.memory_space<vmem_shared>>
        tpu.enqueue_dma source(%dma_start3A_93 : memref<640x128xf32, #tpu.memory_space<vmem_shared>>) target(%dma_start3A_90 : memref<640x128xf32, #tpu.memory_space<hbm>>) target_semaphore(%run_scoped3A : memref<!tpu.dma_semaphore, #tpu.memory_space<semaphore_mem>>)
        %dma_wait3A = arith.constant 1920 : i32
        %dma_wait3A_94 = arith.constant 0 : i32
        %dma_wait3A_95 = tpu.memref_slice %arg6[%arg0, %dma_wait3A, %dma_wait3A_94] : memref<2x10240x128xf32, #tpu.memory_space<hbm>> -> memref<1x640x128xf32, #tpu.memory_space<hbm>>
        %dma_wait3A_96 = tpu.memref_squeeze %dma_wait3A_95 : memref<1x640x128xf32, #tpu.memory_space<hbm>> -> memref<640x128xf32, #tpu.memory_space<hbm>>
        %dma_wait3A_97 = arith.constant 1920 : i32
        %dma_wait3A_98 = arith.constant 0 : i32
        %dma_wait3A_99 = tpu.memref_slice %arg10[%dma_wait3A_97, %dma_wait3A_98] : memref<10240x128xf32, #tpu.memory_space<vmem_shared>> -> memref<640x128xf32, #tpu.memory_space<vmem_shared>>
        tpu.wait_dma2 semaphore(%run_scoped3A : memref<!tpu.dma_semaphore, #tpu.memory_space<semaphore_mem>>) src(%dma_wait3A_99 : memref<640x128xf32, #tpu.memory_space<vmem_shared>>) dst(%dma_wait3A_96 : memref<640x128xf32, #tpu.memory_space<hbm>>)
        tpu.yield
      }) : () -> ()
    } else {
    }
    %eq3A_28 = arith.constant 4 : i32
    %eq3A_29 = arith.cmpi eq, %arg1, %eq3A_28 : i32
    %convert_element_type3A_30 = arith.extui %eq3A_29 : i1 to i32
    %cond3A_31 = arith.constant 0 : i32
    %cond3A_32 = arith.cmpi ne, %convert_element_type3A_30, %cond3A_31 : i32
    scf.if %cond3A_32 {
      "tpu.region"() ({
        %run_scoped3A = tpu.sem_alloc : memref<!tpu.dma_semaphore, #tpu.memory_space<semaphore_mem>>
        %dma_start3A = arith.constant 2560 : i32
        %dma_start3A_88 = arith.constant 0 : i32
        %dma_start3A_89 = tpu.memref_slice %arg6[%arg0, %dma_start3A, %dma_start3A_88] : memref<2x10240x128xf32, #tpu.memory_space<hbm>> -> memref<1x640x128xf32, #tpu.memory_space<hbm>>
        %dma_start3A_90 = tpu.memref_squeeze %dma_start3A_89 : memref<1x640x128xf32, #tpu.memory_space<hbm>> -> memref<640x128xf32, #tpu.memory_space<hbm>>
        %dma_start3A_91 = arith.constant 2560 : i32
        %dma_start3A_92 = arith.constant 0 : i32
        %dma_start3A_93 = tpu.memref_slice %arg10[%dma_start3A_91, %dma_start3A_92] : memref<10240x128xf32, #tpu.memory_space<vmem_shared>> -> memref<640x128xf32, #tpu.memory_space<vmem_shared>>
        tpu.enqueue_dma source(%dma_start3A_93 : memref<640x128xf32, #tpu.memory_space<vmem_shared>>) target(%dma_start3A_90 : memref<640x128xf32, #tpu.memory_space<hbm>>) target_semaphore(%run_scoped3A : memref<!tpu.dma_semaphore, #tpu.memory_space<semaphore_mem>>)
        %dma_wait3A = arith.constant 2560 : i32
        %dma_wait3A_94 = arith.constant 0 : i32
        %dma_wait3A_95 = tpu.memref_slice %arg6[%arg0, %dma_wait3A, %dma_wait3A_94] : memref<2x10240x128xf32, #tpu.memory_space<hbm>> -> memref<1x640x128xf32, #tpu.memory_space<hbm>>
        %dma_wait3A_96 = tpu.memref_squeeze %dma_wait3A_95 : memref<1x640x128xf32, #tpu.memory_space<hbm>> -> memref<640x128xf32, #tpu.memory_space<hbm>>
        %dma_wait3A_97 = arith.constant 2560 : i32
        %dma_wait3A_98 = arith.constant 0 : i32
        %dma_wait3A_99 = tpu.memref_slice %arg10[%dma_wait3A_97, %dma_wait3A_98] : memref<10240x128xf32, #tpu.memory_space<vmem_shared>> -> memref<640x128xf32, #tpu.memory_space<vmem_shared>>
        tpu.wait_dma2 semaphore(%run_scoped3A : memref<!tpu.dma_semaphore, #tpu.memory_space<semaphore_mem>>) src(%dma_wait3A_99 : memref<640x128xf32, #tpu.memory_space<vmem_shared>>) dst(%dma_wait3A_96 : memref<640x128xf32, #tpu.memory_space<hbm>>)
        tpu.yield
      }) : () -> ()
    } else {
    }
    %eq3A_33 = arith.constant 5 : i32
    %eq3A_34 = arith.cmpi eq, %arg1, %eq3A_33 : i32
    %convert_element_type3A_35 = arith.extui %eq3A_34 : i1 to i32
    %cond3A_36 = arith.constant 0 : i32
    %cond3A_37 = arith.cmpi ne, %convert_element_type3A_35, %cond3A_36 : i32
    scf.if %cond3A_37 {
      "tpu.region"() ({
        %run_scoped3A = tpu.sem_alloc : memref<!tpu.dma_semaphore, #tpu.memory_space<semaphore_mem>>
        %dma_start3A = arith.constant 3200 : i32
        %dma_start3A_88 = arith.constant 0 : i32
        %dma_start3A_89 = tpu.memref_slice %arg6[%arg0, %dma_start3A, %dma_start3A_88] : memref<2x10240x128xf32, #tpu.memory_space<hbm>> -> memref<1x640x128xf32, #tpu.memory_space<hbm>>
        %dma_start3A_90 = tpu.memref_squeeze %dma_start3A_89 : memref<1x640x128xf32, #tpu.memory_space<hbm>> -> memref<640x128xf32, #tpu.memory_space<hbm>>
        %dma_start3A_91 = arith.constant 3200 : i32
        %dma_start3A_92 = arith.constant 0 : i32
        %dma_start3A_93 = tpu.memref_slice %arg10[%dma_start3A_91, %dma_start3A_92] : memref<10240x128xf32, #tpu.memory_space<vmem_shared>> -> memref<640x128xf32, #tpu.memory_space<vmem_shared>>
        tpu.enqueue_dma source(%dma_start3A_93 : memref<640x128xf32, #tpu.memory_space<vmem_shared>>) target(%dma_start3A_90 : memref<640x128xf32, #tpu.memory_space<hbm>>) target_semaphore(%run_scoped3A : memref<!tpu.dma_semaphore, #tpu.memory_space<semaphore_mem>>)
        %dma_wait3A = arith.constant 3200 : i32
        %dma_wait3A_94 = arith.constant 0 : i32
        %dma_wait3A_95 = tpu.memref_slice %arg6[%arg0, %dma_wait3A, %dma_wait3A_94] : memref<2x10240x128xf32, #tpu.memory_space<hbm>> -> memref<1x640x128xf32, #tpu.memory_space<hbm>>
        %dma_wait3A_96 = tpu.memref_squeeze %dma_wait3A_95 : memref<1x640x128xf32, #tpu.memory_space<hbm>> -> memref<640x128xf32, #tpu.memory_space<hbm>>
        %dma_wait3A_97 = arith.constant 3200 : i32
        %dma_wait3A_98 = arith.constant 0 : i32
        %dma_wait3A_99 = tpu.memref_slice %arg10[%dma_wait3A_97, %dma_wait3A_98] : memref<10240x128xf32, #tpu.memory_space<vmem_shared>> -> memref<640x128xf32, #tpu.memory_space<vmem_shared>>
        tpu.wait_dma2 semaphore(%run_scoped3A : memref<!tpu.dma_semaphore, #tpu.memory_space<semaphore_mem>>) src(%dma_wait3A_99 : memref<640x128xf32, #tpu.memory_space<vmem_shared>>) dst(%dma_wait3A_96 : memref<640x128xf32, #tpu.memory_space<hbm>>)
        tpu.yield
      }) : () -> ()
    } else {
    }
    %eq3A_38 = arith.constant 6 : i32
    %eq3A_39 = arith.cmpi eq, %arg1, %eq3A_38 : i32
    %convert_element_type3A_40 = arith.extui %eq3A_39 : i1 to i32
    %cond3A_41 = arith.constant 0 : i32
    %cond3A_42 = arith.cmpi ne, %convert_element_type3A_40, %cond3A_41 : i32
    scf.if %cond3A_42 {
      "tpu.region"() ({
        %run_scoped3A = tpu.sem_alloc : memref<!tpu.dma_semaphore, #tpu.memory_space<semaphore_mem>>
        %dma_start3A = arith.constant 3840 : i32
        %dma_start3A_88 = arith.constant 0 : i32
        %dma_start3A_89 = tpu.memref_slice %arg6[%arg0, %dma_start3A, %dma_start3A_88] : memref<2x10240x128xf32, #tpu.memory_space<hbm>> -> memref<1x640x128xf32, #tpu.memory_space<hbm>>
        %dma_start3A_90 = tpu.memref_squeeze %dma_start3A_89 : memref<1x640x128xf32, #tpu.memory_space<hbm>> -> memref<640x128xf32, #tpu.memory_space<hbm>>
        %dma_start3A_91 = arith.constant 3840 : i32
        %dma_start3A_92 = arith.constant 0 : i32
        %dma_start3A_93 = tpu.memref_slice %arg10[%dma_start3A_91, %dma_start3A_92] : memref<10240x128xf32, #tpu.memory_space<vmem_shared>> -> memref<640x128xf32, #tpu.memory_space<vmem_shared>>
        tpu.enqueue_dma source(%dma_start3A_93 : memref<640x128xf32, #tpu.memory_space<vmem_shared>>) target(%dma_start3A_90 : memref<640x128xf32, #tpu.memory_space<hbm>>) target_semaphore(%run_scoped3A : memref<!tpu.dma_semaphore, #tpu.memory_space<semaphore_mem>>)
        %dma_wait3A = arith.constant 3840 : i32
        %dma_wait3A_94 = arith.constant 0 : i32
        %dma_wait3A_95 = tpu.memref_slice %arg6[%arg0, %dma_wait3A, %dma_wait3A_94] : memref<2x10240x128xf32, #tpu.memory_space<hbm>> -> memref<1x640x128xf32, #tpu.memory_space<hbm>>
        %dma_wait3A_96 = tpu.memref_squeeze %dma_wait3A_95 : memref<1x640x128xf32, #tpu.memory_space<hbm>> -> memref<640x128xf32, #tpu.memory_space<hbm>>
        %dma_wait3A_97 = arith.constant 3840 : i32
        %dma_wait3A_98 = arith.constant 0 : i32
        %dma_wait3A_99 = tpu.memref_slice %arg10[%dma_wait3A_97, %dma_wait3A_98] : memref<10240x128xf32, #tpu.memory_space<vmem_shared>> -> memref<640x128xf32, #tpu.memory_space<vmem_shared>>
        tpu.wait_dma2 semaphore(%run_scoped3A : memref<!tpu.dma_semaphore, #tpu.memory_space<semaphore_mem>>) src(%dma_wait3A_99 : memref<640x128xf32, #tpu.memory_space<vmem_shared>>) dst(%dma_wait3A_96 : memref<640x128xf32, #tpu.memory_space<hbm>>)
        tpu.yield
      }) : () -> ()
    } else {
    }
    %eq3A_43 = arith.constant 7 : i32
    %eq3A_44 = arith.cmpi eq, %arg1, %eq3A_43 : i32
    %convert_element_type3A_45 = arith.extui %eq3A_44 : i1 to i32
    %cond3A_46 = arith.constant 0 : i32
    %cond3A_47 = arith.cmpi ne, %convert_element_type3A_45, %cond3A_46 : i32
    scf.if %cond3A_47 {
      "tpu.region"() ({
        %run_scoped3A = tpu.sem_alloc : memref<!tpu.dma_semaphore, #tpu.memory_space<semaphore_mem>>
        %dma_start3A = arith.constant 4480 : i32
        %dma_start3A_88 = arith.constant 0 : i32
        %dma_start3A_89 = tpu.memref_slice %arg6[%arg0, %dma_start3A, %dma_start3A_88] : memref<2x10240x128xf32, #tpu.memory_space<hbm>> -> memref<1x640x128xf32, #tpu.memory_space<hbm>>
        %dma_start3A_90 = tpu.memref_squeeze %dma_start3A_89 : memref<1x640x128xf32, #tpu.memory_space<hbm>> -> memref<640x128xf32, #tpu.memory_space<hbm>>
        %dma_start3A_91 = arith.constant 4480 : i32
        %dma_start3A_92 = arith.constant 0 : i32
        %dma_start3A_93 = tpu.memref_slice %arg10[%dma_start3A_91, %dma_start3A_92] : memref<10240x128xf32, #tpu.memory_space<vmem_shared>> -> memref<640x128xf32, #tpu.memory_space<vmem_shared>>
        tpu.enqueue_dma source(%dma_start3A_93 : memref<640x128xf32, #tpu.memory_space<vmem_shared>>) target(%dma_start3A_90 : memref<640x128xf32, #tpu.memory_space<hbm>>) target_semaphore(%run_scoped3A : memref<!tpu.dma_semaphore, #tpu.memory_space<semaphore_mem>>)
        %dma_wait3A = arith.constant 4480 : i32
        %dma_wait3A_94 = arith.constant 0 : i32
        %dma_wait3A_95 = tpu.memref_slice %arg6[%arg0, %dma_wait3A, %dma_wait3A_94] : memref<2x10240x128xf32, #tpu.memory_space<hbm>> -> memref<1x640x128xf32, #tpu.memory_space<hbm>>
        %dma_wait3A_96 = tpu.memref_squeeze %dma_wait3A_95 : memref<1x640x128xf32, #tpu.memory_space<hbm>> -> memref<640x128xf32, #tpu.memory_space<hbm>>
        %dma_wait3A_97 = arith.constant 4480 : i32
        %dma_wait3A_98 = arith.constant 0 : i32
        %dma_wait3A_99 = tpu.memref_slice %arg10[%dma_wait3A_97, %dma_wait3A_98] : memref<10240x128xf32, #tpu.memory_space<vmem_shared>> -> memref<640x128xf32, #tpu.memory_space<vmem_shared>>
        tpu.wait_dma2 semaphore(%run_scoped3A : memref<!tpu.dma_semaphore, #tpu.memory_space<semaphore_mem>>) src(%dma_wait3A_99 : memref<640x128xf32, #tpu.memory_space<vmem_shared>>) dst(%dma_wait3A_96 : memref<640x128xf32, #tpu.memory_space<hbm>>)
        tpu.yield
      }) : () -> ()
    } else {
    }
    %eq3A_48 = arith.constant 8 : i32
    %eq3A_49 = arith.cmpi eq, %arg1, %eq3A_48 : i32
    %convert_element_type3A_50 = arith.extui %eq3A_49 : i1 to i32
    %cond3A_51 = arith.constant 0 : i32
    %cond3A_52 = arith.cmpi ne, %convert_element_type3A_50, %cond3A_51 : i32
    scf.if %cond3A_52 {
      "tpu.region"() ({
        %run_scoped3A = tpu.sem_alloc : memref<!tpu.dma_semaphore, #tpu.memory_space<semaphore_mem>>
        %dma_start3A = arith.constant 5120 : i32
        %dma_start3A_88 = arith.constant 0 : i32
        %dma_start3A_89 = tpu.memref_slice %arg6[%arg0, %dma_start3A, %dma_start3A_88] : memref<2x10240x128xf32, #tpu.memory_space<hbm>> -> memref<1x640x128xf32, #tpu.memory_space<hbm>>
        %dma_start3A_90 = tpu.memref_squeeze %dma_start3A_89 : memref<1x640x128xf32, #tpu.memory_space<hbm>> -> memref<640x128xf32, #tpu.memory_space<hbm>>
        %dma_start3A_91 = arith.constant 5120 : i32
        %dma_start3A_92 = arith.constant 0 : i32
        %dma_start3A_93 = tpu.memref_slice %arg10[%dma_start3A_91, %dma_start3A_92] : memref<10240x128xf32, #tpu.memory_space<vmem_shared>> -> memref<640x128xf32, #tpu.memory_space<vmem_shared>>
        tpu.enqueue_dma source(%dma_start3A_93 : memref<640x128xf32, #tpu.memory_space<vmem_shared>>) target(%dma_start3A_90 : memref<640x128xf32, #tpu.memory_space<hbm>>) target_semaphore(%run_scoped3A : memref<!tpu.dma_semaphore, #tpu.memory_space<semaphore_mem>>)
        %dma_wait3A = arith.constant 5120 : i32
        %dma_wait3A_94 = arith.constant 0 : i32
        %dma_wait3A_95 = tpu.memref_slice %arg6[%arg0, %dma_wait3A, %dma_wait3A_94] : memref<2x10240x128xf32, #tpu.memory_space<hbm>> -> memref<1x640x128xf32, #tpu.memory_space<hbm>>
        %dma_wait3A_96 = tpu.memref_squeeze %dma_wait3A_95 : memref<1x640x128xf32, #tpu.memory_space<hbm>> -> memref<640x128xf32, #tpu.memory_space<hbm>>
        %dma_wait3A_97 = arith.constant 5120 : i32
        %dma_wait3A_98 = arith.constant 0 : i32
        %dma_wait3A_99 = tpu.memref_slice %arg10[%dma_wait3A_97, %dma_wait3A_98] : memref<10240x128xf32, #tpu.memory_space<vmem_shared>> -> memref<640x128xf32, #tpu.memory_space<vmem_shared>>
        tpu.wait_dma2 semaphore(%run_scoped3A : memref<!tpu.dma_semaphore, #tpu.memory_space<semaphore_mem>>) src(%dma_wait3A_99 : memref<640x128xf32, #tpu.memory_space<vmem_shared>>) dst(%dma_wait3A_96 : memref<640x128xf32, #tpu.memory_space<hbm>>)
        tpu.yield
      }) : () -> ()
    } else {
    }
    %eq3A_53 = arith.constant 9 : i32
    %eq3A_54 = arith.cmpi eq, %arg1, %eq3A_53 : i32
    %convert_element_type3A_55 = arith.extui %eq3A_54 : i1 to i32
    %cond3A_56 = arith.constant 0 : i32
    %cond3A_57 = arith.cmpi ne, %convert_element_type3A_55, %cond3A_56 : i32
    scf.if %cond3A_57 {
      "tpu.region"() ({
        %run_scoped3A = tpu.sem_alloc : memref<!tpu.dma_semaphore, #tpu.memory_space<semaphore_mem>>
        %dma_start3A = arith.constant 5760 : i32
        %dma_start3A_88 = arith.constant 0 : i32
        %dma_start3A_89 = tpu.memref_slice %arg6[%arg0, %dma_start3A, %dma_start3A_88] : memref<2x10240x128xf32, #tpu.memory_space<hbm>> -> memref<1x640x128xf32, #tpu.memory_space<hbm>>
        %dma_start3A_90 = tpu.memref_squeeze %dma_start3A_89 : memref<1x640x128xf32, #tpu.memory_space<hbm>> -> memref<640x128xf32, #tpu.memory_space<hbm>>
        %dma_start3A_91 = arith.constant 5760 : i32
        %dma_start3A_92 = arith.constant 0 : i32
        %dma_start3A_93 = tpu.memref_slice %arg10[%dma_start3A_91, %dma_start3A_92] : memref<10240x128xf32, #tpu.memory_space<vmem_shared>> -> memref<640x128xf32, #tpu.memory_space<vmem_shared>>
        tpu.enqueue_dma source(%dma_start3A_93 : memref<640x128xf32, #tpu.memory_space<vmem_shared>>) target(%dma_start3A_90 : memref<640x128xf32, #tpu.memory_space<hbm>>) target_semaphore(%run_scoped3A : memref<!tpu.dma_semaphore, #tpu.memory_space<semaphore_mem>>)
        %dma_wait3A = arith.constant 5760 : i32
        %dma_wait3A_94 = arith.constant 0 : i32
        %dma_wait3A_95 = tpu.memref_slice %arg6[%arg0, %dma_wait3A, %dma_wait3A_94] : memref<2x10240x128xf32, #tpu.memory_space<hbm>> -> memref<1x640x128xf32, #tpu.memory_space<hbm>>
        %dma_wait3A_96 = tpu.memref_squeeze %dma_wait3A_95 : memref<1x640x128xf32, #tpu.memory_space<hbm>> -> memref<640x128xf32, #tpu.memory_space<hbm>>
        %dma_wait3A_97 = arith.constant 5760 : i32
        %dma_wait3A_98 = arith.constant 0 : i32
        %dma_wait3A_99 = tpu.memref_slice %arg10[%dma_wait3A_97, %dma_wait3A_98] : memref<10240x128xf32, #tpu.memory_space<vmem_shared>> -> memref<640x128xf32, #tpu.memory_space<vmem_shared>>
        tpu.wait_dma2 semaphore(%run_scoped3A : memref<!tpu.dma_semaphore, #tpu.memory_space<semaphore_mem>>) src(%dma_wait3A_99 : memref<640x128xf32, #tpu.memory_space<vmem_shared>>) dst(%dma_wait3A_96 : memref<640x128xf32, #tpu.memory_space<hbm>>)
        tpu.yield
      }) : () -> ()
    } else {
    }
    %eq3A_58 = arith.constant 10 : i32
    %eq3A_59 = arith.cmpi eq, %arg1, %eq3A_58 : i32
    %convert_element_type3A_60 = arith.extui %eq3A_59 : i1 to i32
    %cond3A_61 = arith.constant 0 : i32
    %cond3A_62 = arith.cmpi ne, %convert_element_type3A_60, %cond3A_61 : i32
    scf.if %cond3A_62 {
      "tpu.region"() ({
        %run_scoped3A = tpu.sem_alloc : memref<!tpu.dma_semaphore, #tpu.memory_space<semaphore_mem>>
        %dma_start3A = arith.constant 6400 : i32
        %dma_start3A_88 = arith.constant 0 : i32
        %dma_start3A_89 = tpu.memref_slice %arg6[%arg0, %dma_start3A, %dma_start3A_88] : memref<2x10240x128xf32, #tpu.memory_space<hbm>> -> memref<1x640x128xf32, #tpu.memory_space<hbm>>
        %dma_start3A_90 = tpu.memref_squeeze %dma_start3A_89 : memref<1x640x128xf32, #tpu.memory_space<hbm>> -> memref<640x128xf32, #tpu.memory_space<hbm>>
        %dma_start3A_91 = arith.constant 6400 : i32
        %dma_start3A_92 = arith.constant 0 : i32
        %dma_start3A_93 = tpu.memref_slice %arg10[%dma_start3A_91, %dma_start3A_92] : memref<10240x128xf32, #tpu.memory_space<vmem_shared>> -> memref<640x128xf32, #tpu.memory_space<vmem_shared>>
        tpu.enqueue_dma source(%dma_start3A_93 : memref<640x128xf32, #tpu.memory_space<vmem_shared>>) target(%dma_start3A_90 : memref<640x128xf32, #tpu.memory_space<hbm>>) target_semaphore(%run_scoped3A : memref<!tpu.dma_semaphore, #tpu.memory_space<semaphore_mem>>)
        %dma_wait3A = arith.constant 6400 : i32
        %dma_wait3A_94 = arith.constant 0 : i32
        %dma_wait3A_95 = tpu.memref_slice %arg6[%arg0, %dma_wait3A, %dma_wait3A_94] : memref<2x10240x128xf32, #tpu.memory_space<hbm>> -> memref<1x640x128xf32, #tpu.memory_space<hbm>>
        %dma_wait3A_96 = tpu.memref_squeeze %dma_wait3A_95 : memref<1x640x128xf32, #tpu.memory_space<hbm>> -> memref<640x128xf32, #tpu.memory_space<hbm>>
        %dma_wait3A_97 = arith.constant 6400 : i32
        %dma_wait3A_98 = arith.constant 0 : i32
        %dma_wait3A_99 = tpu.memref_slice %arg10[%dma_wait3A_97, %dma_wait3A_98] : memref<10240x128xf32, #tpu.memory_space<vmem_shared>> -> memref<640x128xf32, #tpu.memory_space<vmem_shared>>
        tpu.wait_dma2 semaphore(%run_scoped3A : memref<!tpu.dma_semaphore, #tpu.memory_space<semaphore_mem>>) src(%dma_wait3A_99 : memref<640x128xf32, #tpu.memory_space<vmem_shared>>) dst(%dma_wait3A_96 : memref<640x128xf32, #tpu.memory_space<hbm>>)
        tpu.yield
      }) : () -> ()
    } else {
    }
    %eq3A_63 = arith.constant 11 : i32
    %eq3A_64 = arith.cmpi eq, %arg1, %eq3A_63 : i32
    %convert_element_type3A_65 = arith.extui %eq3A_64 : i1 to i32
    %cond3A_66 = arith.constant 0 : i32
    %cond3A_67 = arith.cmpi ne, %convert_element_type3A_65, %cond3A_66 : i32
    scf.if %cond3A_67 {
      "tpu.region"() ({
        %run_scoped3A = tpu.sem_alloc : memref<!tpu.dma_semaphore, #tpu.memory_space<semaphore_mem>>
        %dma_start3A = arith.constant 7040 : i32
        %dma_start3A_88 = arith.constant 0 : i32
        %dma_start3A_89 = tpu.memref_slice %arg6[%arg0, %dma_start3A, %dma_start3A_88] : memref<2x10240x128xf32, #tpu.memory_space<hbm>> -> memref<1x640x128xf32, #tpu.memory_space<hbm>>
        %dma_start3A_90 = tpu.memref_squeeze %dma_start3A_89 : memref<1x640x128xf32, #tpu.memory_space<hbm>> -> memref<640x128xf32, #tpu.memory_space<hbm>>
        %dma_start3A_91 = arith.constant 7040 : i32
        %dma_start3A_92 = arith.constant 0 : i32
        %dma_start3A_93 = tpu.memref_slice %arg10[%dma_start3A_91, %dma_start3A_92] : memref<10240x128xf32, #tpu.memory_space<vmem_shared>> -> memref<640x128xf32, #tpu.memory_space<vmem_shared>>
        tpu.enqueue_dma source(%dma_start3A_93 : memref<640x128xf32, #tpu.memory_space<vmem_shared>>) target(%dma_start3A_90 : memref<640x128xf32, #tpu.memory_space<hbm>>) target_semaphore(%run_scoped3A : memref<!tpu.dma_semaphore, #tpu.memory_space<semaphore_mem>>)
        %dma_wait3A = arith.constant 7040 : i32
        %dma_wait3A_94 = arith.constant 0 : i32
        %dma_wait3A_95 = tpu.memref_slice %arg6[%arg0, %dma_wait3A, %dma_wait3A_94] : memref<2x10240x128xf32, #tpu.memory_space<hbm>> -> memref<1x640x128xf32, #tpu.memory_space<hbm>>
        %dma_wait3A_96 = tpu.memref_squeeze %dma_wait3A_95 : memref<1x640x128xf32, #tpu.memory_space<hbm>> -> memref<640x128xf32, #tpu.memory_space<hbm>>
        %dma_wait3A_97 = arith.constant 7040 : i32
        %dma_wait3A_98 = arith.constant 0 : i32
        %dma_wait3A_99 = tpu.memref_slice %arg10[%dma_wait3A_97, %dma_wait3A_98] : memref<10240x128xf32, #tpu.memory_space<vmem_shared>> -> memref<640x128xf32, #tpu.memory_space<vmem_shared>>
        tpu.wait_dma2 semaphore(%run_scoped3A : memref<!tpu.dma_semaphore, #tpu.memory_space<semaphore_mem>>) src(%dma_wait3A_99 : memref<640x128xf32, #tpu.memory_space<vmem_shared>>) dst(%dma_wait3A_96 : memref<640x128xf32, #tpu.memory_space<hbm>>)
        tpu.yield
      }) : () -> ()
    } else {
    }
    %eq3A_68 = arith.constant 12 : i32
    %eq3A_69 = arith.cmpi eq, %arg1, %eq3A_68 : i32
    %convert_element_type3A_70 = arith.extui %eq3A_69 : i1 to i32
    %cond3A_71 = arith.constant 0 : i32
    %cond3A_72 = arith.cmpi ne, %convert_element_type3A_70, %cond3A_71 : i32
    scf.if %cond3A_72 {
      "tpu.region"() ({
        %run_scoped3A = tpu.sem_alloc : memref<!tpu.dma_semaphore, #tpu.memory_space<semaphore_mem>>
        %dma_start3A = arith.constant 7680 : i32
        %dma_start3A_88 = arith.constant 0 : i32
        %dma_start3A_89 = tpu.memref_slice %arg6[%arg0, %dma_start3A, %dma_start3A_88] : memref<2x10240x128xf32, #tpu.memory_space<hbm>> -> memref<1x640x128xf32, #tpu.memory_space<hbm>>
        %dma_start3A_90 = tpu.memref_squeeze %dma_start3A_89 : memref<1x640x128xf32, #tpu.memory_space<hbm>> -> memref<640x128xf32, #tpu.memory_space<hbm>>
        %dma_start3A_91 = arith.constant 7680 : i32
        %dma_start3A_92 = arith.constant 0 : i32
        %dma_start3A_93 = tpu.memref_slice %arg10[%dma_start3A_91, %dma_start3A_92] : memref<10240x128xf32, #tpu.memory_space<vmem_shared>> -> memref<640x128xf32, #tpu.memory_space<vmem_shared>>
        tpu.enqueue_dma source(%dma_start3A_93 : memref<640x128xf32, #tpu.memory_space<vmem_shared>>) target(%dma_start3A_90 : memref<640x128xf32, #tpu.memory_space<hbm>>) target_semaphore(%run_scoped3A : memref<!tpu.dma_semaphore, #tpu.memory_space<semaphore_mem>>)
        %dma_wait3A = arith.constant 7680 : i32
        %dma_wait3A_94 = arith.constant 0 : i32
        %dma_wait3A_95 = tpu.memref_slice %arg6[%arg0, %dma_wait3A, %dma_wait3A_94] : memref<2x10240x128xf32, #tpu.memory_space<hbm>> -> memref<1x640x128xf32, #tpu.memory_space<hbm>>
        %dma_wait3A_96 = tpu.memref_squeeze %dma_wait3A_95 : memref<1x640x128xf32, #tpu.memory_space<hbm>> -> memref<640x128xf32, #tpu.memory_space<hbm>>
        %dma_wait3A_97 = arith.constant 7680 : i32
        %dma_wait3A_98 = arith.constant 0 : i32
        %dma_wait3A_99 = tpu.memref_slice %arg10[%dma_wait3A_97, %dma_wait3A_98] : memref<10240x128xf32, #tpu.memory_space<vmem_shared>> -> memref<640x128xf32, #tpu.memory_space<vmem_shared>>
        tpu.wait_dma2 semaphore(%run_scoped3A : memref<!tpu.dma_semaphore, #tpu.memory_space<semaphore_mem>>) src(%dma_wait3A_99 : memref<640x128xf32, #tpu.memory_space<vmem_shared>>) dst(%dma_wait3A_96 : memref<640x128xf32, #tpu.memory_space<hbm>>)
        tpu.yield
      }) : () -> ()
    } else {
    }
    %eq3A_73 = arith.constant 13 : i32
    %eq3A_74 = arith.cmpi eq, %arg1, %eq3A_73 : i32
    %convert_element_type3A_75 = arith.extui %eq3A_74 : i1 to i32
    %cond3A_76 = arith.constant 0 : i32
    %cond3A_77 = arith.cmpi ne, %convert_element_type3A_75, %cond3A_76 : i32
    scf.if %cond3A_77 {
      "tpu.region"() ({
        %run_scoped3A = tpu.sem_alloc : memref<!tpu.dma_semaphore, #tpu.memory_space<semaphore_mem>>
        %dma_start3A = arith.constant 8320 : i32
        %dma_start3A_88 = arith.constant 0 : i32
        %dma_start3A_89 = tpu.memref_slice %arg6[%arg0, %dma_start3A, %dma_start3A_88] : memref<2x10240x128xf32, #tpu.memory_space<hbm>> -> memref<1x640x128xf32, #tpu.memory_space<hbm>>
        %dma_start3A_90 = tpu.memref_squeeze %dma_start3A_89 : memref<1x640x128xf32, #tpu.memory_space<hbm>> -> memref<640x128xf32, #tpu.memory_space<hbm>>
        %dma_start3A_91 = arith.constant 8320 : i32
        %dma_start3A_92 = arith.constant 0 : i32
        %dma_start3A_93 = tpu.memref_slice %arg10[%dma_start3A_91, %dma_start3A_92] : memref<10240x128xf32, #tpu.memory_space<vmem_shared>> -> memref<640x128xf32, #tpu.memory_space<vmem_shared>>
        tpu.enqueue_dma source(%dma_start3A_93 : memref<640x128xf32, #tpu.memory_space<vmem_shared>>) target(%dma_start3A_90 : memref<640x128xf32, #tpu.memory_space<hbm>>) target_semaphore(%run_scoped3A : memref<!tpu.dma_semaphore, #tpu.memory_space<semaphore_mem>>)
        %dma_wait3A = arith.constant 8320 : i32
        %dma_wait3A_94 = arith.constant 0 : i32
        %dma_wait3A_95 = tpu.memref_slice %arg6[%arg0, %dma_wait3A, %dma_wait3A_94] : memref<2x10240x128xf32, #tpu.memory_space<hbm>> -> memref<1x640x128xf32, #tpu.memory_space<hbm>>
        %dma_wait3A_96 = tpu.memref_squeeze %dma_wait3A_95 : memref<1x640x128xf32, #tpu.memory_space<hbm>> -> memref<640x128xf32, #tpu.memory_space<hbm>>
        %dma_wait3A_97 = arith.constant 8320 : i32
        %dma_wait3A_98 = arith.constant 0 : i32
        %dma_wait3A_99 = tpu.memref_slice %arg10[%dma_wait3A_97, %dma_wait3A_98] : memref<10240x128xf32, #tpu.memory_space<vmem_shared>> -> memref<640x128xf32, #tpu.memory_space<vmem_shared>>
        tpu.wait_dma2 semaphore(%run_scoped3A : memref<!tpu.dma_semaphore, #tpu.memory_space<semaphore_mem>>) src(%dma_wait3A_99 : memref<640x128xf32, #tpu.memory_space<vmem_shared>>) dst(%dma_wait3A_96 : memref<640x128xf32, #tpu.memory_space<hbm>>)
        tpu.yield
      }) : () -> ()
    } else {
    }
    %eq3A_78 = arith.constant 14 : i32
    %eq3A_79 = arith.cmpi eq, %arg1, %eq3A_78 : i32
    %convert_element_type3A_80 = arith.extui %eq3A_79 : i1 to i32
    %cond3A_81 = arith.constant 0 : i32
    %cond3A_82 = arith.cmpi ne, %convert_element_type3A_80, %cond3A_81 : i32
    scf.if %cond3A_82 {
      "tpu.region"() ({
        %run_scoped3A = tpu.sem_alloc : memref<!tpu.dma_semaphore, #tpu.memory_space<semaphore_mem>>
        %dma_start3A = arith.constant 8960 : i32
        %dma_start3A_88 = arith.constant 0 : i32
        %dma_start3A_89 = tpu.memref_slice %arg6[%arg0, %dma_start3A, %dma_start3A_88] : memref<2x10240x128xf32, #tpu.memory_space<hbm>> -> memref<1x640x128xf32, #tpu.memory_space<hbm>>
        %dma_start3A_90 = tpu.memref_squeeze %dma_start3A_89 : memref<1x640x128xf32, #tpu.memory_space<hbm>> -> memref<640x128xf32, #tpu.memory_space<hbm>>
        %dma_start3A_91 = arith.constant 8960 : i32
        %dma_start3A_92 = arith.constant 0 : i32
        %dma_start3A_93 = tpu.memref_slice %arg10[%dma_start3A_91, %dma_start3A_92] : memref<10240x128xf32, #tpu.memory_space<vmem_shared>> -> memref<640x128xf32, #tpu.memory_space<vmem_shared>>
        tpu.enqueue_dma source(%dma_start3A_93 : memref<640x128xf32, #tpu.memory_space<vmem_shared>>) target(%dma_start3A_90 : memref<640x128xf32, #tpu.memory_space<hbm>>) target_semaphore(%run_scoped3A : memref<!tpu.dma_semaphore, #tpu.memory_space<semaphore_mem>>)
        %dma_wait3A = arith.constant 8960 : i32
        %dma_wait3A_94 = arith.constant 0 : i32
        %dma_wait3A_95 = tpu.memref_slice %arg6[%arg0, %dma_wait3A, %dma_wait3A_94] : memref<2x10240x128xf32, #tpu.memory_space<hbm>> -> memref<1x640x128xf32, #tpu.memory_space<hbm>>
        %dma_wait3A_96 = tpu.memref_squeeze %dma_wait3A_95 : memref<1x640x128xf32, #tpu.memory_space<hbm>> -> memref<640x128xf32, #tpu.memory_space<hbm>>
        %dma_wait3A_97 = arith.constant 8960 : i32
        %dma_wait3A_98 = arith.constant 0 : i32
        %dma_wait3A_99 = tpu.memref_slice %arg10[%dma_wait3A_97, %dma_wait3A_98] : memref<10240x128xf32, #tpu.memory_space<vmem_shared>> -> memref<640x128xf32, #tpu.memory_space<vmem_shared>>
        tpu.wait_dma2 semaphore(%run_scoped3A : memref<!tpu.dma_semaphore, #tpu.memory_space<semaphore_mem>>) src(%dma_wait3A_99 : memref<640x128xf32, #tpu.memory_space<vmem_shared>>) dst(%dma_wait3A_96 : memref<640x128xf32, #tpu.memory_space<hbm>>)
        tpu.yield
      }) : () -> ()
    } else {
    }
    %eq3A_83 = arith.constant 15 : i32
    %eq3A_84 = arith.cmpi eq, %arg1, %eq3A_83 : i32
    %convert_element_type3A_85 = arith.extui %eq3A_84 : i1 to i32
    %cond3A_86 = arith.constant 0 : i32
    %cond3A_87 = arith.cmpi ne, %convert_element_type3A_85, %cond3A_86 : i32
    scf.if %cond3A_87 {
      "tpu.region"() ({
        %run_scoped3A = tpu.sem_alloc : memref<!tpu.dma_semaphore, #tpu.memory_space<semaphore_mem>>
        %dma_start3A = arith.constant 9600 : i32
        %dma_start3A_88 = arith.constant 0 : i32
        %dma_start3A_89 = tpu.memref_slice %arg6[%arg0, %dma_start3A, %dma_start3A_88] : memref<2x10240x128xf32, #tpu.memory_space<hbm>> -> memref<1x640x128xf32, #tpu.memory_space<hbm>>
        %dma_start3A_90 = tpu.memref_squeeze %dma_start3A_89 : memref<1x640x128xf32, #tpu.memory_space<hbm>> -> memref<640x128xf32, #tpu.memory_space<hbm>>
        %dma_start3A_91 = arith.constant 9600 : i32
        %dma_start3A_92 = arith.constant 0 : i32
        %dma_start3A_93 = tpu.memref_slice %arg10[%dma_start3A_91, %dma_start3A_92] : memref<10240x128xf32, #tpu.memory_space<vmem_shared>> -> memref<640x128xf32, #tpu.memory_space<vmem_shared>>
        tpu.enqueue_dma source(%dma_start3A_93 : memref<640x128xf32, #tpu.memory_space<vmem_shared>>) target(%dma_start3A_90 : memref<640x128xf32, #tpu.memory_space<hbm>>) target_semaphore(%run_scoped3A : memref<!tpu.dma_semaphore, #tpu.memory_space<semaphore_mem>>)
        %dma_wait3A = arith.constant 9600 : i32
        %dma_wait3A_94 = arith.constant 0 : i32
        %dma_wait3A_95 = tpu.memref_slice %arg6[%arg0, %dma_wait3A, %dma_wait3A_94] : memref<2x10240x128xf32, #tpu.memory_space<hbm>> -> memref<1x640x128xf32, #tpu.memory_space<hbm>>
        %dma_wait3A_96 = tpu.memref_squeeze %dma_wait3A_95 : memref<1x640x128xf32, #tpu.memory_space<hbm>> -> memref<640x128xf32, #tpu.memory_space<hbm>>
        %dma_wait3A_97 = arith.constant 9600 : i32
        %dma_wait3A_98 = arith.constant 0 : i32
        %dma_wait3A_99 = tpu.memref_slice %arg10[%dma_wait3A_97, %dma_wait3A_98] : memref<10240x128xf32, #tpu.memory_space<vmem_shared>> -> memref<640x128xf32, #tpu.memory_space<vmem_shared>>
        tpu.wait_dma2 semaphore(%run_scoped3A : memref<!tpu.dma_semaphore, #tpu.memory_space<semaphore_mem>>) src(%dma_wait3A_99 : memref<640x128xf32, #tpu.memory_space<vmem_shared>>) dst(%dma_wait3A_96 : memref<640x128xf32, #tpu.memory_space<hbm>>)
        tpu.yield
      }) : () -> ()
    } else {
    }
    return
  }
}

#map = affine_map<(d0, d1) -> (0, 0, 0)>
#map1 = affine_map<(d0, d1) -> (0, 0)>
module attributes {stable_mosaic.version = 14 : i64} {
  func.func @hist_kernel(%arg0: i32, %arg1: i32, %arg2: memref<32x80x128xi32, #tpu.memory_space<hbm>>, %arg3: memref<128x128xf32, #tpu.memory_space<hbm>>, %arg4: memref<10240x128xf32, #tpu.memory_space<hbm>>, %arg5: memref<2x10240x128xf32, #tpu.memory_space<hbm>>, %arg6: memref<80x128xi32, #tpu.memory_space<vmem>>, %arg7: memref<128x128xf32, #tpu.memory_space<vmem>>, %arg8: memref<10240x128xf32, #tpu.memory_space<vmem_shared>>) attributes {dimension_semantics = [#tpu.dimension_semantics<core_parallel>, #tpu.dimension_semantics<subcore_parallel>], iteration_bounds = array<i64: 2, 16>, scalar_prefetch = 0 : i64, scratch_operands = 3 : i64, tpu.core_type = #tpu.core_type<sc_vector_subcore>, window_params = [{transform_indices = #map}, {transform_indices = #map1}, {transform_indices = #map1}, {transform_indices = #map}]} {
    %mul3A = arith.constant 16 : i32
    %mul3A_0 = arith.muli %arg0, %mul3A : i32
    %add3A = arith.addi %mul3A_0, %arg1 : i32
    "tpu.region"() ({
      %run_scoped3A = tpu.sem_alloc : memref<!tpu.dma_semaphore, #tpu.memory_space<semaphore_mem>>
      %dma_start3A = arith.constant 0 : i32
      %dma_start3A_88 = arith.constant 0 : i32
      %dma_start3A_89 = tpu.memref_slice %arg2[%add3A, %dma_start3A, %dma_start3A_88] : memref<32x80x128xi32, #tpu.memory_space<hbm>> -> memref<1x80x128xi32, #tpu.memory_space<hbm>>
      %dma_start3A_90 = tpu.memref_squeeze %dma_start3A_89 : memref<1x80x128xi32, #tpu.memory_space<hbm>> -> memref<80x128xi32, #tpu.memory_space<hbm>>
      %dma_start3A_91 = arith.constant 0 : i32
      %dma_start3A_92 = arith.constant 0 : i32
      %dma_start3A_93 = tpu.memref_slice %arg2[%add3A, %dma_start3A_91, %dma_start3A_92] : memref<32x80x128xi32, #tpu.memory_space<hbm>> -> memref<1x80x128xi32, #tpu.memory_space<hbm>>
      %dma_start3A_94 = tpu.memref_squeeze %dma_start3A_93 : memref<1x80x128xi32, #tpu.memory_space<hbm>> -> memref<80x128xi32, #tpu.memory_space<hbm>>
      tpu.enqueue_dma source(%dma_start3A_94 : memref<80x128xi32, #tpu.memory_space<hbm>>) target(%arg6 : memref<80x128xi32, #tpu.memory_space<vmem>>) target_semaphore(%run_scoped3A : memref<!tpu.dma_semaphore, #tpu.memory_space<semaphore_mem>>)
      %dma_wait3A = arith.constant 0 : i32
      %dma_wait3A_95 = arith.constant 0 : i32
      %dma_wait3A_96 = tpu.memref_slice %arg2[%add3A, %dma_wait3A, %dma_wait3A_95] : memref<32x80x128xi32, #tpu.memory_space<hbm>> -> memref<1x80x128xi32, #tpu.memory_space<hbm>>
      %dma_wait3A_97 = tpu.memref_squeeze %dma_wait3A_96 : memref<1x80x128xi32, #tpu.memory_space<hbm>> -> memref<80x128xi32, #tpu.memory_space<hbm>>
      %dma_wait3A_98 = arith.constant 0 : i32
      %dma_wait3A_99 = arith.constant 0 : i32
      %dma_wait3A_100 = tpu.memref_slice %arg2[%add3A, %dma_wait3A_98, %dma_wait3A_99] : memref<32x80x128xi32, #tpu.memory_space<hbm>> -> memref<1x80x128xi32, #tpu.memory_space<hbm>>
      %dma_wait3A_101 = tpu.memref_squeeze %dma_wait3A_100 : memref<1x80x128xi32, #tpu.memory_space<hbm>> -> memref<80x128xi32, #tpu.memory_space<hbm>>
      tpu.wait_dma2 semaphore(%run_scoped3A : memref<!tpu.dma_semaphore, #tpu.memory_space<semaphore_mem>>) src(%dma_wait3A_101 : memref<80x128xi32, #tpu.memory_space<hbm>>) dst(%arg6 : memref<80x128xi32, #tpu.memory_space<vmem>>)
      tpu.yield
    }) : () -> ()
    "tpu.region"() ({
      %run_scoped3A = tpu.sem_alloc : memref<!tpu.dma_semaphore, #tpu.memory_space<semaphore_mem>>
      tpu.enqueue_dma source(%arg3 : memref<128x128xf32, #tpu.memory_space<hbm>>) target(%arg7 : memref<128x128xf32, #tpu.memory_space<vmem>>) target_semaphore(%run_scoped3A : memref<!tpu.dma_semaphore, #tpu.memory_space<semaphore_mem>>)
      tpu.wait_dma2 semaphore(%run_scoped3A : memref<!tpu.dma_semaphore, #tpu.memory_space<semaphore_mem>>) src(%arg3 : memref<128x128xf32, #tpu.memory_space<hbm>>) dst(%arg7 : memref<128x128xf32, #tpu.memory_space<vmem>>)
      tpu.yield
    }) : () -> ()
    %eq3A = arith.constant 0 : i32
    %eq3A_1 = arith.cmpi eq, %arg1, %eq3A : i32
    %convert_element_type3A = arith.extui %eq3A_1 : i1 to i32
    %cond3A = arith.constant 0 : i32
    %cond3A_2 = arith.cmpi ne, %convert_element_type3A, %cond3A : i32
    scf.if %cond3A_2 {
      "tpu.region"() ({
        %run_scoped3A = tpu.sem_alloc : memref<!tpu.dma_semaphore, #tpu.memory_space<semaphore_mem>>
        tpu.enqueue_dma source(%arg4 : memref<10240x128xf32, #tpu.memory_space<hbm>>) target(%arg8 : memref<10240x128xf32, #tpu.memory_space<vmem_shared>>) target_semaphore(%run_scoped3A : memref<!tpu.dma_semaphore, #tpu.memory_space<semaphore_mem>>)
        tpu.wait_dma2 semaphore(%run_scoped3A : memref<!tpu.dma_semaphore, #tpu.memory_space<semaphore_mem>>) src(%arg4 : memref<10240x128xf32, #tpu.memory_space<hbm>>) dst(%arg8 : memref<10240x128xf32, #tpu.memory_space<vmem_shared>>)
        tpu.yield
      }) : () -> ()
    } else {
    }
    %barrier3A = arith.constant 0 : index
    tpu.barrier barrier_id(%barrier3A)
    %scan3A = arith.constant 0 : i32
    %scan3A_3 = arith.constant 80 : i32
    %scan3A_4 = arith.addi %scan3A, %scan3A_3 : i32
    %scan3A_5 = arith.constant 1 : i32
    scf.for %scan3A_88 = %scan3A to %scan3A_4 step %scan3A_5  : i32 {
      %mul3A_89 = arith.constant 1 : i32
      %mul3A_90 = arith.muli %scan3A_88, %mul3A_89 : i32
      %add3A_91 = arith.constant 0 : i32
      %add3A_92 = arith.addi %add3A_91, %mul3A_90 : i32
      "tpu.region"() ({
        %run_scoped3A = tpu.sem_alloc : memref<!tpu.dma_semaphore, #tpu.memory_space<semaphore_mem>>
        %dma_start3A = arith.constant 0 : i32
        %dma_start3A_93 = tpu.memref_slice %arg6[%add3A_92, %dma_start3A] : memref<80x128xi32, #tpu.memory_space<vmem>> -> memref<1x128xi32, #tpu.memory_space<vmem>>
        %dma_start3A_94 = tpu.memref_squeeze %dma_start3A_93 : memref<1x128xi32, #tpu.memory_space<vmem>> -> memref<128xi32, #tpu.memory_space<vmem>>
        %dma_start3A_95 = arith.constant 0 : i32
        %dma_start3A_96 = arith.constant 0 : i32
        %dma_start3A_97 = tpu.memref_slice %arg8[%dma_start3A_95, %dma_start3A_96] : memref<10240x128xf32, #tpu.memory_space<vmem_shared>> -> memref<10240x128xf32, #tpu.memory_space<vmem_shared>>
        tpu.enqueue_indirect_dma source(%arg7 : memref<128x128xf32, #tpu.memory_space<vmem>>) target(%dma_start3A_97 : memref<10240x128xf32, #tpu.memory_space<vmem_shared>>) offsets(%dma_start3A_94 : memref<128xi32, #tpu.memory_space<vmem>>) semaphore(%run_scoped3A : memref<!tpu.dma_semaphore, #tpu.memory_space<semaphore_mem>>) {add = true}
        %dma_wait3A = arith.constant 0 : i32
        %dma_wait3A_98 = tpu.memref_slice %arg6[%add3A_92, %dma_wait3A] : memref<80x128xi32, #tpu.memory_space<vmem>> -> memref<1x128xi32, #tpu.memory_space<vmem>>
        %dma_wait3A_99 = tpu.memref_squeeze %dma_wait3A_98 : memref<1x128xi32, #tpu.memory_space<vmem>> -> memref<128xi32, #tpu.memory_space<vmem>>
        %dma_wait3A_100 = arith.constant 0 : i32
        %dma_wait3A_101 = arith.constant 0 : i32
        %dma_wait3A_102 = tpu.memref_slice %arg8[%dma_wait3A_100, %dma_wait3A_101] : memref<10240x128xf32, #tpu.memory_space<vmem_shared>> -> memref<10240x128xf32, #tpu.memory_space<vmem_shared>>
        tpu.wait_indirect_dma semaphore(%run_scoped3A : memref<!tpu.dma_semaphore, #tpu.memory_space<semaphore_mem>>) src(%arg7 : memref<128x128xf32, #tpu.memory_space<vmem>>) dst(%dma_wait3A_102 : memref<10240x128xf32, #tpu.memory_space<vmem_shared>>)
        tpu.yield
      }) : () -> ()
    }
    %scan3A_6 = arith.constant 80 : i32
    %barrier3A_7 = arith.constant 0 : index
    tpu.barrier barrier_id(%barrier3A_7)
    %eq3A_8 = arith.constant 0 : i32
    %eq3A_9 = arith.cmpi eq, %arg1, %eq3A_8 : i32
    %convert_element_type3A_10 = arith.extui %eq3A_9 : i1 to i32
    %cond3A_11 = arith.constant 0 : i32
    %cond3A_12 = arith.cmpi ne, %convert_element_type3A_10, %cond3A_11 : i32
    scf.if %cond3A_12 {
      "tpu.region"() ({
        %run_scoped3A = tpu.sem_alloc : memref<!tpu.dma_semaphore, #tpu.memory_space<semaphore_mem>>
        %dma_start3A = arith.constant 0 : i32
        %dma_start3A_88 = arith.constant 0 : i32
        %dma_start3A_89 = tpu.memref_slice %arg5[%arg0, %dma_start3A, %dma_start3A_88] : memref<2x10240x128xf32, #tpu.memory_space<hbm>> -> memref<1x640x128xf32, #tpu.memory_space<hbm>>
        %dma_start3A_90 = tpu.memref_squeeze %dma_start3A_89 : memref<1x640x128xf32, #tpu.memory_space<hbm>> -> memref<640x128xf32, #tpu.memory_space<hbm>>
        %dma_start3A_91 = arith.constant 0 : i32
        %dma_start3A_92 = arith.constant 0 : i32
        %dma_start3A_93 = tpu.memref_slice %arg8[%dma_start3A_91, %dma_start3A_92] : memref<10240x128xf32, #tpu.memory_space<vmem_shared>> -> memref<640x128xf32, #tpu.memory_space<vmem_shared>>
        tpu.enqueue_dma source(%dma_start3A_93 : memref<640x128xf32, #tpu.memory_space<vmem_shared>>) target(%dma_start3A_90 : memref<640x128xf32, #tpu.memory_space<hbm>>) target_semaphore(%run_scoped3A : memref<!tpu.dma_semaphore, #tpu.memory_space<semaphore_mem>>)
        %dma_wait3A = arith.constant 0 : i32
        %dma_wait3A_94 = arith.constant 0 : i32
        %dma_wait3A_95 = tpu.memref_slice %arg5[%arg0, %dma_wait3A, %dma_wait3A_94] : memref<2x10240x128xf32, #tpu.memory_space<hbm>> -> memref<1x640x128xf32, #tpu.memory_space<hbm>>
        %dma_wait3A_96 = tpu.memref_squeeze %dma_wait3A_95 : memref<1x640x128xf32, #tpu.memory_space<hbm>> -> memref<640x128xf32, #tpu.memory_space<hbm>>
        %dma_wait3A_97 = arith.constant 0 : i32
        %dma_wait3A_98 = arith.constant 0 : i32
        %dma_wait3A_99 = tpu.memref_slice %arg8[%dma_wait3A_97, %dma_wait3A_98] : memref<10240x128xf32, #tpu.memory_space<vmem_shared>> -> memref<640x128xf32, #tpu.memory_space<vmem_shared>>
        tpu.wait_dma2 semaphore(%run_scoped3A : memref<!tpu.dma_semaphore, #tpu.memory_space<semaphore_mem>>) src(%dma_wait3A_99 : memref<640x128xf32, #tpu.memory_space<vmem_shared>>) dst(%dma_wait3A_96 : memref<640x128xf32, #tpu.memory_space<hbm>>)
        tpu.yield
      }) : () -> ()
    } else {
    }
    %eq3A_13 = arith.constant 1 : i32
    %eq3A_14 = arith.cmpi eq, %arg1, %eq3A_13 : i32
    %convert_element_type3A_15 = arith.extui %eq3A_14 : i1 to i32
    %cond3A_16 = arith.constant 0 : i32
    %cond3A_17 = arith.cmpi ne, %convert_element_type3A_15, %cond3A_16 : i32
    scf.if %cond3A_17 {
      "tpu.region"() ({
        %run_scoped3A = tpu.sem_alloc : memref<!tpu.dma_semaphore, #tpu.memory_space<semaphore_mem>>
        %dma_start3A = arith.constant 640 : i32
        %dma_start3A_88 = arith.constant 0 : i32
        %dma_start3A_89 = tpu.memref_slice %arg5[%arg0, %dma_start3A, %dma_start3A_88] : memref<2x10240x128xf32, #tpu.memory_space<hbm>> -> memref<1x640x128xf32, #tpu.memory_space<hbm>>
        %dma_start3A_90 = tpu.memref_squeeze %dma_start3A_89 : memref<1x640x128xf32, #tpu.memory_space<hbm>> -> memref<640x128xf32, #tpu.memory_space<hbm>>
        %dma_start3A_91 = arith.constant 640 : i32
        %dma_start3A_92 = arith.constant 0 : i32
        %dma_start3A_93 = tpu.memref_slice %arg8[%dma_start3A_91, %dma_start3A_92] : memref<10240x128xf32, #tpu.memory_space<vmem_shared>> -> memref<640x128xf32, #tpu.memory_space<vmem_shared>>
        tpu.enqueue_dma source(%dma_start3A_93 : memref<640x128xf32, #tpu.memory_space<vmem_shared>>) target(%dma_start3A_90 : memref<640x128xf32, #tpu.memory_space<hbm>>) target_semaphore(%run_scoped3A : memref<!tpu.dma_semaphore, #tpu.memory_space<semaphore_mem>>)
        %dma_wait3A = arith.constant 640 : i32
        %dma_wait3A_94 = arith.constant 0 : i32
        %dma_wait3A_95 = tpu.memref_slice %arg5[%arg0, %dma_wait3A, %dma_wait3A_94] : memref<2x10240x128xf32, #tpu.memory_space<hbm>> -> memref<1x640x128xf32, #tpu.memory_space<hbm>>
        %dma_wait3A_96 = tpu.memref_squeeze %dma_wait3A_95 : memref<1x640x128xf32, #tpu.memory_space<hbm>> -> memref<640x128xf32, #tpu.memory_space<hbm>>
        %dma_wait3A_97 = arith.constant 640 : i32
        %dma_wait3A_98 = arith.constant 0 : i32
        %dma_wait3A_99 = tpu.memref_slice %arg8[%dma_wait3A_97, %dma_wait3A_98] : memref<10240x128xf32, #tpu.memory_space<vmem_shared>> -> memref<640x128xf32, #tpu.memory_space<vmem_shared>>
        tpu.wait_dma2 semaphore(%run_scoped3A : memref<!tpu.dma_semaphore, #tpu.memory_space<semaphore_mem>>) src(%dma_wait3A_99 : memref<640x128xf32, #tpu.memory_space<vmem_shared>>) dst(%dma_wait3A_96 : memref<640x128xf32, #tpu.memory_space<hbm>>)
        tpu.yield
      }) : () -> ()
    } else {
    }
    %eq3A_18 = arith.constant 2 : i32
    %eq3A_19 = arith.cmpi eq, %arg1, %eq3A_18 : i32
    %convert_element_type3A_20 = arith.extui %eq3A_19 : i1 to i32
    %cond3A_21 = arith.constant 0 : i32
    %cond3A_22 = arith.cmpi ne, %convert_element_type3A_20, %cond3A_21 : i32
    scf.if %cond3A_22 {
      "tpu.region"() ({
        %run_scoped3A = tpu.sem_alloc : memref<!tpu.dma_semaphore, #tpu.memory_space<semaphore_mem>>
        %dma_start3A = arith.constant 1280 : i32
        %dma_start3A_88 = arith.constant 0 : i32
        %dma_start3A_89 = tpu.memref_slice %arg5[%arg0, %dma_start3A, %dma_start3A_88] : memref<2x10240x128xf32, #tpu.memory_space<hbm>> -> memref<1x640x128xf32, #tpu.memory_space<hbm>>
        %dma_start3A_90 = tpu.memref_squeeze %dma_start3A_89 : memref<1x640x128xf32, #tpu.memory_space<hbm>> -> memref<640x128xf32, #tpu.memory_space<hbm>>
        %dma_start3A_91 = arith.constant 1280 : i32
        %dma_start3A_92 = arith.constant 0 : i32
        %dma_start3A_93 = tpu.memref_slice %arg8[%dma_start3A_91, %dma_start3A_92] : memref<10240x128xf32, #tpu.memory_space<vmem_shared>> -> memref<640x128xf32, #tpu.memory_space<vmem_shared>>
        tpu.enqueue_dma source(%dma_start3A_93 : memref<640x128xf32, #tpu.memory_space<vmem_shared>>) target(%dma_start3A_90 : memref<640x128xf32, #tpu.memory_space<hbm>>) target_semaphore(%run_scoped3A : memref<!tpu.dma_semaphore, #tpu.memory_space<semaphore_mem>>)
        %dma_wait3A = arith.constant 1280 : i32
        %dma_wait3A_94 = arith.constant 0 : i32
        %dma_wait3A_95 = tpu.memref_slice %arg5[%arg0, %dma_wait3A, %dma_wait3A_94] : memref<2x10240x128xf32, #tpu.memory_space<hbm>> -> memref<1x640x128xf32, #tpu.memory_space<hbm>>
        %dma_wait3A_96 = tpu.memref_squeeze %dma_wait3A_95 : memref<1x640x128xf32, #tpu.memory_space<hbm>> -> memref<640x128xf32, #tpu.memory_space<hbm>>
        %dma_wait3A_97 = arith.constant 1280 : i32
        %dma_wait3A_98 = arith.constant 0 : i32
        %dma_wait3A_99 = tpu.memref_slice %arg8[%dma_wait3A_97, %dma_wait3A_98] : memref<10240x128xf32, #tpu.memory_space<vmem_shared>> -> memref<640x128xf32, #tpu.memory_space<vmem_shared>>
        tpu.wait_dma2 semaphore(%run_scoped3A : memref<!tpu.dma_semaphore, #tpu.memory_space<semaphore_mem>>) src(%dma_wait3A_99 : memref<640x128xf32, #tpu.memory_space<vmem_shared>>) dst(%dma_wait3A_96 : memref<640x128xf32, #tpu.memory_space<hbm>>)
        tpu.yield
      }) : () -> ()
    } else {
    }
    %eq3A_23 = arith.constant 3 : i32
    %eq3A_24 = arith.cmpi eq, %arg1, %eq3A_23 : i32
    %convert_element_type3A_25 = arith.extui %eq3A_24 : i1 to i32
    %cond3A_26 = arith.constant 0 : i32
    %cond3A_27 = arith.cmpi ne, %convert_element_type3A_25, %cond3A_26 : i32
    scf.if %cond3A_27 {
      "tpu.region"() ({
        %run_scoped3A = tpu.sem_alloc : memref<!tpu.dma_semaphore, #tpu.memory_space<semaphore_mem>>
        %dma_start3A = arith.constant 1920 : i32
        %dma_start3A_88 = arith.constant 0 : i32
        %dma_start3A_89 = tpu.memref_slice %arg5[%arg0, %dma_start3A, %dma_start3A_88] : memref<2x10240x128xf32, #tpu.memory_space<hbm>> -> memref<1x640x128xf32, #tpu.memory_space<hbm>>
        %dma_start3A_90 = tpu.memref_squeeze %dma_start3A_89 : memref<1x640x128xf32, #tpu.memory_space<hbm>> -> memref<640x128xf32, #tpu.memory_space<hbm>>
        %dma_start3A_91 = arith.constant 1920 : i32
        %dma_start3A_92 = arith.constant 0 : i32
        %dma_start3A_93 = tpu.memref_slice %arg8[%dma_start3A_91, %dma_start3A_92] : memref<10240x128xf32, #tpu.memory_space<vmem_shared>> -> memref<640x128xf32, #tpu.memory_space<vmem_shared>>
        tpu.enqueue_dma source(%dma_start3A_93 : memref<640x128xf32, #tpu.memory_space<vmem_shared>>) target(%dma_start3A_90 : memref<640x128xf32, #tpu.memory_space<hbm>>) target_semaphore(%run_scoped3A : memref<!tpu.dma_semaphore, #tpu.memory_space<semaphore_mem>>)
        %dma_wait3A = arith.constant 1920 : i32
        %dma_wait3A_94 = arith.constant 0 : i32
        %dma_wait3A_95 = tpu.memref_slice %arg5[%arg0, %dma_wait3A, %dma_wait3A_94] : memref<2x10240x128xf32, #tpu.memory_space<hbm>> -> memref<1x640x128xf32, #tpu.memory_space<hbm>>
        %dma_wait3A_96 = tpu.memref_squeeze %dma_wait3A_95 : memref<1x640x128xf32, #tpu.memory_space<hbm>> -> memref<640x128xf32, #tpu.memory_space<hbm>>
        %dma_wait3A_97 = arith.constant 1920 : i32
        %dma_wait3A_98 = arith.constant 0 : i32
        %dma_wait3A_99 = tpu.memref_slice %arg8[%dma_wait3A_97, %dma_wait3A_98] : memref<10240x128xf32, #tpu.memory_space<vmem_shared>> -> memref<640x128xf32, #tpu.memory_space<vmem_shared>>
        tpu.wait_dma2 semaphore(%run_scoped3A : memref<!tpu.dma_semaphore, #tpu.memory_space<semaphore_mem>>) src(%dma_wait3A_99 : memref<640x128xf32, #tpu.memory_space<vmem_shared>>) dst(%dma_wait3A_96 : memref<640x128xf32, #tpu.memory_space<hbm>>)
        tpu.yield
      }) : () -> ()
    } else {
    }
    %eq3A_28 = arith.constant 4 : i32
    %eq3A_29 = arith.cmpi eq, %arg1, %eq3A_28 : i32
    %convert_element_type3A_30 = arith.extui %eq3A_29 : i1 to i32
    %cond3A_31 = arith.constant 0 : i32
    %cond3A_32 = arith.cmpi ne, %convert_element_type3A_30, %cond3A_31 : i32
    scf.if %cond3A_32 {
      "tpu.region"() ({
        %run_scoped3A = tpu.sem_alloc : memref<!tpu.dma_semaphore, #tpu.memory_space<semaphore_mem>>
        %dma_start3A = arith.constant 2560 : i32
        %dma_start3A_88 = arith.constant 0 : i32
        %dma_start3A_89 = tpu.memref_slice %arg5[%arg0, %dma_start3A, %dma_start3A_88] : memref<2x10240x128xf32, #tpu.memory_space<hbm>> -> memref<1x640x128xf32, #tpu.memory_space<hbm>>
        %dma_start3A_90 = tpu.memref_squeeze %dma_start3A_89 : memref<1x640x128xf32, #tpu.memory_space<hbm>> -> memref<640x128xf32, #tpu.memory_space<hbm>>
        %dma_start3A_91 = arith.constant 2560 : i32
        %dma_start3A_92 = arith.constant 0 : i32
        %dma_start3A_93 = tpu.memref_slice %arg8[%dma_start3A_91, %dma_start3A_92] : memref<10240x128xf32, #tpu.memory_space<vmem_shared>> -> memref<640x128xf32, #tpu.memory_space<vmem_shared>>
        tpu.enqueue_dma source(%dma_start3A_93 : memref<640x128xf32, #tpu.memory_space<vmem_shared>>) target(%dma_start3A_90 : memref<640x128xf32, #tpu.memory_space<hbm>>) target_semaphore(%run_scoped3A : memref<!tpu.dma_semaphore, #tpu.memory_space<semaphore_mem>>)
        %dma_wait3A = arith.constant 2560 : i32
        %dma_wait3A_94 = arith.constant 0 : i32
        %dma_wait3A_95 = tpu.memref_slice %arg5[%arg0, %dma_wait3A, %dma_wait3A_94] : memref<2x10240x128xf32, #tpu.memory_space<hbm>> -> memref<1x640x128xf32, #tpu.memory_space<hbm>>
        %dma_wait3A_96 = tpu.memref_squeeze %dma_wait3A_95 : memref<1x640x128xf32, #tpu.memory_space<hbm>> -> memref<640x128xf32, #tpu.memory_space<hbm>>
        %dma_wait3A_97 = arith.constant 2560 : i32
        %dma_wait3A_98 = arith.constant 0 : i32
        %dma_wait3A_99 = tpu.memref_slice %arg8[%dma_wait3A_97, %dma_wait3A_98] : memref<10240x128xf32, #tpu.memory_space<vmem_shared>> -> memref<640x128xf32, #tpu.memory_space<vmem_shared>>
        tpu.wait_dma2 semaphore(%run_scoped3A : memref<!tpu.dma_semaphore, #tpu.memory_space<semaphore_mem>>) src(%dma_wait3A_99 : memref<640x128xf32, #tpu.memory_space<vmem_shared>>) dst(%dma_wait3A_96 : memref<640x128xf32, #tpu.memory_space<hbm>>)
        tpu.yield
      }) : () -> ()
    } else {
    }
    %eq3A_33 = arith.constant 5 : i32
    %eq3A_34 = arith.cmpi eq, %arg1, %eq3A_33 : i32
    %convert_element_type3A_35 = arith.extui %eq3A_34 : i1 to i32
    %cond3A_36 = arith.constant 0 : i32
    %cond3A_37 = arith.cmpi ne, %convert_element_type3A_35, %cond3A_36 : i32
    scf.if %cond3A_37 {
      "tpu.region"() ({
        %run_scoped3A = tpu.sem_alloc : memref<!tpu.dma_semaphore, #tpu.memory_space<semaphore_mem>>
        %dma_start3A = arith.constant 3200 : i32
        %dma_start3A_88 = arith.constant 0 : i32
        %dma_start3A_89 = tpu.memref_slice %arg5[%arg0, %dma_start3A, %dma_start3A_88] : memref<2x10240x128xf32, #tpu.memory_space<hbm>> -> memref<1x640x128xf32, #tpu.memory_space<hbm>>
        %dma_start3A_90 = tpu.memref_squeeze %dma_start3A_89 : memref<1x640x128xf32, #tpu.memory_space<hbm>> -> memref<640x128xf32, #tpu.memory_space<hbm>>
        %dma_start3A_91 = arith.constant 3200 : i32
        %dma_start3A_92 = arith.constant 0 : i32
        %dma_start3A_93 = tpu.memref_slice %arg8[%dma_start3A_91, %dma_start3A_92] : memref<10240x128xf32, #tpu.memory_space<vmem_shared>> -> memref<640x128xf32, #tpu.memory_space<vmem_shared>>
        tpu.enqueue_dma source(%dma_start3A_93 : memref<640x128xf32, #tpu.memory_space<vmem_shared>>) target(%dma_start3A_90 : memref<640x128xf32, #tpu.memory_space<hbm>>) target_semaphore(%run_scoped3A : memref<!tpu.dma_semaphore, #tpu.memory_space<semaphore_mem>>)
        %dma_wait3A = arith.constant 3200 : i32
        %dma_wait3A_94 = arith.constant 0 : i32
        %dma_wait3A_95 = tpu.memref_slice %arg5[%arg0, %dma_wait3A, %dma_wait3A_94] : memref<2x10240x128xf32, #tpu.memory_space<hbm>> -> memref<1x640x128xf32, #tpu.memory_space<hbm>>
        %dma_wait3A_96 = tpu.memref_squeeze %dma_wait3A_95 : memref<1x640x128xf32, #tpu.memory_space<hbm>> -> memref<640x128xf32, #tpu.memory_space<hbm>>
        %dma_wait3A_97 = arith.constant 3200 : i32
        %dma_wait3A_98 = arith.constant 0 : i32
        %dma_wait3A_99 = tpu.memref_slice %arg8[%dma_wait3A_97, %dma_wait3A_98] : memref<10240x128xf32, #tpu.memory_space<vmem_shared>> -> memref<640x128xf32, #tpu.memory_space<vmem_shared>>
        tpu.wait_dma2 semaphore(%run_scoped3A : memref<!tpu.dma_semaphore, #tpu.memory_space<semaphore_mem>>) src(%dma_wait3A_99 : memref<640x128xf32, #tpu.memory_space<vmem_shared>>) dst(%dma_wait3A_96 : memref<640x128xf32, #tpu.memory_space<hbm>>)
        tpu.yield
      }) : () -> ()
    } else {
    }
    %eq3A_38 = arith.constant 6 : i32
    %eq3A_39 = arith.cmpi eq, %arg1, %eq3A_38 : i32
    %convert_element_type3A_40 = arith.extui %eq3A_39 : i1 to i32
    %cond3A_41 = arith.constant 0 : i32
    %cond3A_42 = arith.cmpi ne, %convert_element_type3A_40, %cond3A_41 : i32
    scf.if %cond3A_42 {
      "tpu.region"() ({
        %run_scoped3A = tpu.sem_alloc : memref<!tpu.dma_semaphore, #tpu.memory_space<semaphore_mem>>
        %dma_start3A = arith.constant 3840 : i32
        %dma_start3A_88 = arith.constant 0 : i32
        %dma_start3A_89 = tpu.memref_slice %arg5[%arg0, %dma_start3A, %dma_start3A_88] : memref<2x10240x128xf32, #tpu.memory_space<hbm>> -> memref<1x640x128xf32, #tpu.memory_space<hbm>>
        %dma_start3A_90 = tpu.memref_squeeze %dma_start3A_89 : memref<1x640x128xf32, #tpu.memory_space<hbm>> -> memref<640x128xf32, #tpu.memory_space<hbm>>
        %dma_start3A_91 = arith.constant 3840 : i32
        %dma_start3A_92 = arith.constant 0 : i32
        %dma_start3A_93 = tpu.memref_slice %arg8[%dma_start3A_91, %dma_start3A_92] : memref<10240x128xf32, #tpu.memory_space<vmem_shared>> -> memref<640x128xf32, #tpu.memory_space<vmem_shared>>
        tpu.enqueue_dma source(%dma_start3A_93 : memref<640x128xf32, #tpu.memory_space<vmem_shared>>) target(%dma_start3A_90 : memref<640x128xf32, #tpu.memory_space<hbm>>) target_semaphore(%run_scoped3A : memref<!tpu.dma_semaphore, #tpu.memory_space<semaphore_mem>>)
        %dma_wait3A = arith.constant 3840 : i32
        %dma_wait3A_94 = arith.constant 0 : i32
        %dma_wait3A_95 = tpu.memref_slice %arg5[%arg0, %dma_wait3A, %dma_wait3A_94] : memref<2x10240x128xf32, #tpu.memory_space<hbm>> -> memref<1x640x128xf32, #tpu.memory_space<hbm>>
        %dma_wait3A_96 = tpu.memref_squeeze %dma_wait3A_95 : memref<1x640x128xf32, #tpu.memory_space<hbm>> -> memref<640x128xf32, #tpu.memory_space<hbm>>
        %dma_wait3A_97 = arith.constant 3840 : i32
        %dma_wait3A_98 = arith.constant 0 : i32
        %dma_wait3A_99 = tpu.memref_slice %arg8[%dma_wait3A_97, %dma_wait3A_98] : memref<10240x128xf32, #tpu.memory_space<vmem_shared>> -> memref<640x128xf32, #tpu.memory_space<vmem_shared>>
        tpu.wait_dma2 semaphore(%run_scoped3A : memref<!tpu.dma_semaphore, #tpu.memory_space<semaphore_mem>>) src(%dma_wait3A_99 : memref<640x128xf32, #tpu.memory_space<vmem_shared>>) dst(%dma_wait3A_96 : memref<640x128xf32, #tpu.memory_space<hbm>>)
        tpu.yield
      }) : () -> ()
    } else {
    }
    %eq3A_43 = arith.constant 7 : i32
    %eq3A_44 = arith.cmpi eq, %arg1, %eq3A_43 : i32
    %convert_element_type3A_45 = arith.extui %eq3A_44 : i1 to i32
    %cond3A_46 = arith.constant 0 : i32
    %cond3A_47 = arith.cmpi ne, %convert_element_type3A_45, %cond3A_46 : i32
    scf.if %cond3A_47 {
      "tpu.region"() ({
        %run_scoped3A = tpu.sem_alloc : memref<!tpu.dma_semaphore, #tpu.memory_space<semaphore_mem>>
        %dma_start3A = arith.constant 4480 : i32
        %dma_start3A_88 = arith.constant 0 : i32
        %dma_start3A_89 = tpu.memref_slice %arg5[%arg0, %dma_start3A, %dma_start3A_88] : memref<2x10240x128xf32, #tpu.memory_space<hbm>> -> memref<1x640x128xf32, #tpu.memory_space<hbm>>
        %dma_start3A_90 = tpu.memref_squeeze %dma_start3A_89 : memref<1x640x128xf32, #tpu.memory_space<hbm>> -> memref<640x128xf32, #tpu.memory_space<hbm>>
        %dma_start3A_91 = arith.constant 4480 : i32
        %dma_start3A_92 = arith.constant 0 : i32
        %dma_start3A_93 = tpu.memref_slice %arg8[%dma_start3A_91, %dma_start3A_92] : memref<10240x128xf32, #tpu.memory_space<vmem_shared>> -> memref<640x128xf32, #tpu.memory_space<vmem_shared>>
        tpu.enqueue_dma source(%dma_start3A_93 : memref<640x128xf32, #tpu.memory_space<vmem_shared>>) target(%dma_start3A_90 : memref<640x128xf32, #tpu.memory_space<hbm>>) target_semaphore(%run_scoped3A : memref<!tpu.dma_semaphore, #tpu.memory_space<semaphore_mem>>)
        %dma_wait3A = arith.constant 4480 : i32
        %dma_wait3A_94 = arith.constant 0 : i32
        %dma_wait3A_95 = tpu.memref_slice %arg5[%arg0, %dma_wait3A, %dma_wait3A_94] : memref<2x10240x128xf32, #tpu.memory_space<hbm>> -> memref<1x640x128xf32, #tpu.memory_space<hbm>>
        %dma_wait3A_96 = tpu.memref_squeeze %dma_wait3A_95 : memref<1x640x128xf32, #tpu.memory_space<hbm>> -> memref<640x128xf32, #tpu.memory_space<hbm>>
        %dma_wait3A_97 = arith.constant 4480 : i32
        %dma_wait3A_98 = arith.constant 0 : i32
        %dma_wait3A_99 = tpu.memref_slice %arg8[%dma_wait3A_97, %dma_wait3A_98] : memref<10240x128xf32, #tpu.memory_space<vmem_shared>> -> memref<640x128xf32, #tpu.memory_space<vmem_shared>>
        tpu.wait_dma2 semaphore(%run_scoped3A : memref<!tpu.dma_semaphore, #tpu.memory_space<semaphore_mem>>) src(%dma_wait3A_99 : memref<640x128xf32, #tpu.memory_space<vmem_shared>>) dst(%dma_wait3A_96 : memref<640x128xf32, #tpu.memory_space<hbm>>)
        tpu.yield
      }) : () -> ()
    } else {
    }
    %eq3A_48 = arith.constant 8 : i32
    %eq3A_49 = arith.cmpi eq, %arg1, %eq3A_48 : i32
    %convert_element_type3A_50 = arith.extui %eq3A_49 : i1 to i32
    %cond3A_51 = arith.constant 0 : i32
    %cond3A_52 = arith.cmpi ne, %convert_element_type3A_50, %cond3A_51 : i32
    scf.if %cond3A_52 {
      "tpu.region"() ({
        %run_scoped3A = tpu.sem_alloc : memref<!tpu.dma_semaphore, #tpu.memory_space<semaphore_mem>>
        %dma_start3A = arith.constant 5120 : i32
        %dma_start3A_88 = arith.constant 0 : i32
        %dma_start3A_89 = tpu.memref_slice %arg5[%arg0, %dma_start3A, %dma_start3A_88] : memref<2x10240x128xf32, #tpu.memory_space<hbm>> -> memref<1x640x128xf32, #tpu.memory_space<hbm>>
        %dma_start3A_90 = tpu.memref_squeeze %dma_start3A_89 : memref<1x640x128xf32, #tpu.memory_space<hbm>> -> memref<640x128xf32, #tpu.memory_space<hbm>>
        %dma_start3A_91 = arith.constant 5120 : i32
        %dma_start3A_92 = arith.constant 0 : i32
        %dma_start3A_93 = tpu.memref_slice %arg8[%dma_start3A_91, %dma_start3A_92] : memref<10240x128xf32, #tpu.memory_space<vmem_shared>> -> memref<640x128xf32, #tpu.memory_space<vmem_shared>>
        tpu.enqueue_dma source(%dma_start3A_93 : memref<640x128xf32, #tpu.memory_space<vmem_shared>>) target(%dma_start3A_90 : memref<640x128xf32, #tpu.memory_space<hbm>>) target_semaphore(%run_scoped3A : memref<!tpu.dma_semaphore, #tpu.memory_space<semaphore_mem>>)
        %dma_wait3A = arith.constant 5120 : i32
        %dma_wait3A_94 = arith.constant 0 : i32
        %dma_wait3A_95 = tpu.memref_slice %arg5[%arg0, %dma_wait3A, %dma_wait3A_94] : memref<2x10240x128xf32, #tpu.memory_space<hbm>> -> memref<1x640x128xf32, #tpu.memory_space<hbm>>
        %dma_wait3A_96 = tpu.memref_squeeze %dma_wait3A_95 : memref<1x640x128xf32, #tpu.memory_space<hbm>> -> memref<640x128xf32, #tpu.memory_space<hbm>>
        %dma_wait3A_97 = arith.constant 5120 : i32
        %dma_wait3A_98 = arith.constant 0 : i32
        %dma_wait3A_99 = tpu.memref_slice %arg8[%dma_wait3A_97, %dma_wait3A_98] : memref<10240x128xf32, #tpu.memory_space<vmem_shared>> -> memref<640x128xf32, #tpu.memory_space<vmem_shared>>
        tpu.wait_dma2 semaphore(%run_scoped3A : memref<!tpu.dma_semaphore, #tpu.memory_space<semaphore_mem>>) src(%dma_wait3A_99 : memref<640x128xf32, #tpu.memory_space<vmem_shared>>) dst(%dma_wait3A_96 : memref<640x128xf32, #tpu.memory_space<hbm>>)
        tpu.yield
      }) : () -> ()
    } else {
    }
    %eq3A_53 = arith.constant 9 : i32
    %eq3A_54 = arith.cmpi eq, %arg1, %eq3A_53 : i32
    %convert_element_type3A_55 = arith.extui %eq3A_54 : i1 to i32
    %cond3A_56 = arith.constant 0 : i32
    %cond3A_57 = arith.cmpi ne, %convert_element_type3A_55, %cond3A_56 : i32
    scf.if %cond3A_57 {
      "tpu.region"() ({
        %run_scoped3A = tpu.sem_alloc : memref<!tpu.dma_semaphore, #tpu.memory_space<semaphore_mem>>
        %dma_start3A = arith.constant 5760 : i32
        %dma_start3A_88 = arith.constant 0 : i32
        %dma_start3A_89 = tpu.memref_slice %arg5[%arg0, %dma_start3A, %dma_start3A_88] : memref<2x10240x128xf32, #tpu.memory_space<hbm>> -> memref<1x640x128xf32, #tpu.memory_space<hbm>>
        %dma_start3A_90 = tpu.memref_squeeze %dma_start3A_89 : memref<1x640x128xf32, #tpu.memory_space<hbm>> -> memref<640x128xf32, #tpu.memory_space<hbm>>
        %dma_start3A_91 = arith.constant 5760 : i32
        %dma_start3A_92 = arith.constant 0 : i32
        %dma_start3A_93 = tpu.memref_slice %arg8[%dma_start3A_91, %dma_start3A_92] : memref<10240x128xf32, #tpu.memory_space<vmem_shared>> -> memref<640x128xf32, #tpu.memory_space<vmem_shared>>
        tpu.enqueue_dma source(%dma_start3A_93 : memref<640x128xf32, #tpu.memory_space<vmem_shared>>) target(%dma_start3A_90 : memref<640x128xf32, #tpu.memory_space<hbm>>) target_semaphore(%run_scoped3A : memref<!tpu.dma_semaphore, #tpu.memory_space<semaphore_mem>>)
        %dma_wait3A = arith.constant 5760 : i32
        %dma_wait3A_94 = arith.constant 0 : i32
        %dma_wait3A_95 = tpu.memref_slice %arg5[%arg0, %dma_wait3A, %dma_wait3A_94] : memref<2x10240x128xf32, #tpu.memory_space<hbm>> -> memref<1x640x128xf32, #tpu.memory_space<hbm>>
        %dma_wait3A_96 = tpu.memref_squeeze %dma_wait3A_95 : memref<1x640x128xf32, #tpu.memory_space<hbm>> -> memref<640x128xf32, #tpu.memory_space<hbm>>
        %dma_wait3A_97 = arith.constant 5760 : i32
        %dma_wait3A_98 = arith.constant 0 : i32
        %dma_wait3A_99 = tpu.memref_slice %arg8[%dma_wait3A_97, %dma_wait3A_98] : memref<10240x128xf32, #tpu.memory_space<vmem_shared>> -> memref<640x128xf32, #tpu.memory_space<vmem_shared>>
        tpu.wait_dma2 semaphore(%run_scoped3A : memref<!tpu.dma_semaphore, #tpu.memory_space<semaphore_mem>>) src(%dma_wait3A_99 : memref<640x128xf32, #tpu.memory_space<vmem_shared>>) dst(%dma_wait3A_96 : memref<640x128xf32, #tpu.memory_space<hbm>>)
        tpu.yield
      }) : () -> ()
    } else {
    }
    %eq3A_58 = arith.constant 10 : i32
    %eq3A_59 = arith.cmpi eq, %arg1, %eq3A_58 : i32
    %convert_element_type3A_60 = arith.extui %eq3A_59 : i1 to i32
    %cond3A_61 = arith.constant 0 : i32
    %cond3A_62 = arith.cmpi ne, %convert_element_type3A_60, %cond3A_61 : i32
    scf.if %cond3A_62 {
      "tpu.region"() ({
        %run_scoped3A = tpu.sem_alloc : memref<!tpu.dma_semaphore, #tpu.memory_space<semaphore_mem>>
        %dma_start3A = arith.constant 6400 : i32
        %dma_start3A_88 = arith.constant 0 : i32
        %dma_start3A_89 = tpu.memref_slice %arg5[%arg0, %dma_start3A, %dma_start3A_88] : memref<2x10240x128xf32, #tpu.memory_space<hbm>> -> memref<1x640x128xf32, #tpu.memory_space<hbm>>
        %dma_start3A_90 = tpu.memref_squeeze %dma_start3A_89 : memref<1x640x128xf32, #tpu.memory_space<hbm>> -> memref<640x128xf32, #tpu.memory_space<hbm>>
        %dma_start3A_91 = arith.constant 6400 : i32
        %dma_start3A_92 = arith.constant 0 : i32
        %dma_start3A_93 = tpu.memref_slice %arg8[%dma_start3A_91, %dma_start3A_92] : memref<10240x128xf32, #tpu.memory_space<vmem_shared>> -> memref<640x128xf32, #tpu.memory_space<vmem_shared>>
        tpu.enqueue_dma source(%dma_start3A_93 : memref<640x128xf32, #tpu.memory_space<vmem_shared>>) target(%dma_start3A_90 : memref<640x128xf32, #tpu.memory_space<hbm>>) target_semaphore(%run_scoped3A : memref<!tpu.dma_semaphore, #tpu.memory_space<semaphore_mem>>)
        %dma_wait3A = arith.constant 6400 : i32
        %dma_wait3A_94 = arith.constant 0 : i32
        %dma_wait3A_95 = tpu.memref_slice %arg5[%arg0, %dma_wait3A, %dma_wait3A_94] : memref<2x10240x128xf32, #tpu.memory_space<hbm>> -> memref<1x640x128xf32, #tpu.memory_space<hbm>>
        %dma_wait3A_96 = tpu.memref_squeeze %dma_wait3A_95 : memref<1x640x128xf32, #tpu.memory_space<hbm>> -> memref<640x128xf32, #tpu.memory_space<hbm>>
        %dma_wait3A_97 = arith.constant 6400 : i32
        %dma_wait3A_98 = arith.constant 0 : i32
        %dma_wait3A_99 = tpu.memref_slice %arg8[%dma_wait3A_97, %dma_wait3A_98] : memref<10240x128xf32, #tpu.memory_space<vmem_shared>> -> memref<640x128xf32, #tpu.memory_space<vmem_shared>>
        tpu.wait_dma2 semaphore(%run_scoped3A : memref<!tpu.dma_semaphore, #tpu.memory_space<semaphore_mem>>) src(%dma_wait3A_99 : memref<640x128xf32, #tpu.memory_space<vmem_shared>>) dst(%dma_wait3A_96 : memref<640x128xf32, #tpu.memory_space<hbm>>)
        tpu.yield
      }) : () -> ()
    } else {
    }
    %eq3A_63 = arith.constant 11 : i32
    %eq3A_64 = arith.cmpi eq, %arg1, %eq3A_63 : i32
    %convert_element_type3A_65 = arith.extui %eq3A_64 : i1 to i32
    %cond3A_66 = arith.constant 0 : i32
    %cond3A_67 = arith.cmpi ne, %convert_element_type3A_65, %cond3A_66 : i32
    scf.if %cond3A_67 {
      "tpu.region"() ({
        %run_scoped3A = tpu.sem_alloc : memref<!tpu.dma_semaphore, #tpu.memory_space<semaphore_mem>>
        %dma_start3A = arith.constant 7040 : i32
        %dma_start3A_88 = arith.constant 0 : i32
        %dma_start3A_89 = tpu.memref_slice %arg5[%arg0, %dma_start3A, %dma_start3A_88] : memref<2x10240x128xf32, #tpu.memory_space<hbm>> -> memref<1x640x128xf32, #tpu.memory_space<hbm>>
        %dma_start3A_90 = tpu.memref_squeeze %dma_start3A_89 : memref<1x640x128xf32, #tpu.memory_space<hbm>> -> memref<640x128xf32, #tpu.memory_space<hbm>>
        %dma_start3A_91 = arith.constant 7040 : i32
        %dma_start3A_92 = arith.constant 0 : i32
        %dma_start3A_93 = tpu.memref_slice %arg8[%dma_start3A_91, %dma_start3A_92] : memref<10240x128xf32, #tpu.memory_space<vmem_shared>> -> memref<640x128xf32, #tpu.memory_space<vmem_shared>>
        tpu.enqueue_dma source(%dma_start3A_93 : memref<640x128xf32, #tpu.memory_space<vmem_shared>>) target(%dma_start3A_90 : memref<640x128xf32, #tpu.memory_space<hbm>>) target_semaphore(%run_scoped3A : memref<!tpu.dma_semaphore, #tpu.memory_space<semaphore_mem>>)
        %dma_wait3A = arith.constant 7040 : i32
        %dma_wait3A_94 = arith.constant 0 : i32
        %dma_wait3A_95 = tpu.memref_slice %arg5[%arg0, %dma_wait3A, %dma_wait3A_94] : memref<2x10240x128xf32, #tpu.memory_space<hbm>> -> memref<1x640x128xf32, #tpu.memory_space<hbm>>
        %dma_wait3A_96 = tpu.memref_squeeze %dma_wait3A_95 : memref<1x640x128xf32, #tpu.memory_space<hbm>> -> memref<640x128xf32, #tpu.memory_space<hbm>>
        %dma_wait3A_97 = arith.constant 7040 : i32
        %dma_wait3A_98 = arith.constant 0 : i32
        %dma_wait3A_99 = tpu.memref_slice %arg8[%dma_wait3A_97, %dma_wait3A_98] : memref<10240x128xf32, #tpu.memory_space<vmem_shared>> -> memref<640x128xf32, #tpu.memory_space<vmem_shared>>
        tpu.wait_dma2 semaphore(%run_scoped3A : memref<!tpu.dma_semaphore, #tpu.memory_space<semaphore_mem>>) src(%dma_wait3A_99 : memref<640x128xf32, #tpu.memory_space<vmem_shared>>) dst(%dma_wait3A_96 : memref<640x128xf32, #tpu.memory_space<hbm>>)
        tpu.yield
      }) : () -> ()
    } else {
    }
    %eq3A_68 = arith.constant 12 : i32
    %eq3A_69 = arith.cmpi eq, %arg1, %eq3A_68 : i32
    %convert_element_type3A_70 = arith.extui %eq3A_69 : i1 to i32
    %cond3A_71 = arith.constant 0 : i32
    %cond3A_72 = arith.cmpi ne, %convert_element_type3A_70, %cond3A_71 : i32
    scf.if %cond3A_72 {
      "tpu.region"() ({
        %run_scoped3A = tpu.sem_alloc : memref<!tpu.dma_semaphore, #tpu.memory_space<semaphore_mem>>
        %dma_start3A = arith.constant 7680 : i32
        %dma_start3A_88 = arith.constant 0 : i32
        %dma_start3A_89 = tpu.memref_slice %arg5[%arg0, %dma_start3A, %dma_start3A_88] : memref<2x10240x128xf32, #tpu.memory_space<hbm>> -> memref<1x640x128xf32, #tpu.memory_space<hbm>>
        %dma_start3A_90 = tpu.memref_squeeze %dma_start3A_89 : memref<1x640x128xf32, #tpu.memory_space<hbm>> -> memref<640x128xf32, #tpu.memory_space<hbm>>
        %dma_start3A_91 = arith.constant 7680 : i32
        %dma_start3A_92 = arith.constant 0 : i32
        %dma_start3A_93 = tpu.memref_slice %arg8[%dma_start3A_91, %dma_start3A_92] : memref<10240x128xf32, #tpu.memory_space<vmem_shared>> -> memref<640x128xf32, #tpu.memory_space<vmem_shared>>
        tpu.enqueue_dma source(%dma_start3A_93 : memref<640x128xf32, #tpu.memory_space<vmem_shared>>) target(%dma_start3A_90 : memref<640x128xf32, #tpu.memory_space<hbm>>) target_semaphore(%run_scoped3A : memref<!tpu.dma_semaphore, #tpu.memory_space<semaphore_mem>>)
        %dma_wait3A = arith.constant 7680 : i32
        %dma_wait3A_94 = arith.constant 0 : i32
        %dma_wait3A_95 = tpu.memref_slice %arg5[%arg0, %dma_wait3A, %dma_wait3A_94] : memref<2x10240x128xf32, #tpu.memory_space<hbm>> -> memref<1x640x128xf32, #tpu.memory_space<hbm>>
        %dma_wait3A_96 = tpu.memref_squeeze %dma_wait3A_95 : memref<1x640x128xf32, #tpu.memory_space<hbm>> -> memref<640x128xf32, #tpu.memory_space<hbm>>
        %dma_wait3A_97 = arith.constant 7680 : i32
        %dma_wait3A_98 = arith.constant 0 : i32
        %dma_wait3A_99 = tpu.memref_slice %arg8[%dma_wait3A_97, %dma_wait3A_98] : memref<10240x128xf32, #tpu.memory_space<vmem_shared>> -> memref<640x128xf32, #tpu.memory_space<vmem_shared>>
        tpu.wait_dma2 semaphore(%run_scoped3A : memref<!tpu.dma_semaphore, #tpu.memory_space<semaphore_mem>>) src(%dma_wait3A_99 : memref<640x128xf32, #tpu.memory_space<vmem_shared>>) dst(%dma_wait3A_96 : memref<640x128xf32, #tpu.memory_space<hbm>>)
        tpu.yield
      }) : () -> ()
    } else {
    }
    %eq3A_73 = arith.constant 13 : i32
    %eq3A_74 = arith.cmpi eq, %arg1, %eq3A_73 : i32
    %convert_element_type3A_75 = arith.extui %eq3A_74 : i1 to i32
    %cond3A_76 = arith.constant 0 : i32
    %cond3A_77 = arith.cmpi ne, %convert_element_type3A_75, %cond3A_76 : i32
    scf.if %cond3A_77 {
      "tpu.region"() ({
        %run_scoped3A = tpu.sem_alloc : memref<!tpu.dma_semaphore, #tpu.memory_space<semaphore_mem>>
        %dma_start3A = arith.constant 8320 : i32
        %dma_start3A_88 = arith.constant 0 : i32
        %dma_start3A_89 = tpu.memref_slice %arg5[%arg0, %dma_start3A, %dma_start3A_88] : memref<2x10240x128xf32, #tpu.memory_space<hbm>> -> memref<1x640x128xf32, #tpu.memory_space<hbm>>
        %dma_start3A_90 = tpu.memref_squeeze %dma_start3A_89 : memref<1x640x128xf32, #tpu.memory_space<hbm>> -> memref<640x128xf32, #tpu.memory_space<hbm>>
        %dma_start3A_91 = arith.constant 8320 : i32
        %dma_start3A_92 = arith.constant 0 : i32
        %dma_start3A_93 = tpu.memref_slice %arg8[%dma_start3A_91, %dma_start3A_92] : memref<10240x128xf32, #tpu.memory_space<vmem_shared>> -> memref<640x128xf32, #tpu.memory_space<vmem_shared>>
        tpu.enqueue_dma source(%dma_start3A_93 : memref<640x128xf32, #tpu.memory_space<vmem_shared>>) target(%dma_start3A_90 : memref<640x128xf32, #tpu.memory_space<hbm>>) target_semaphore(%run_scoped3A : memref<!tpu.dma_semaphore, #tpu.memory_space<semaphore_mem>>)
        %dma_wait3A = arith.constant 8320 : i32
        %dma_wait3A_94 = arith.constant 0 : i32
        %dma_wait3A_95 = tpu.memref_slice %arg5[%arg0, %dma_wait3A, %dma_wait3A_94] : memref<2x10240x128xf32, #tpu.memory_space<hbm>> -> memref<1x640x128xf32, #tpu.memory_space<hbm>>
        %dma_wait3A_96 = tpu.memref_squeeze %dma_wait3A_95 : memref<1x640x128xf32, #tpu.memory_space<hbm>> -> memref<640x128xf32, #tpu.memory_space<hbm>>
        %dma_wait3A_97 = arith.constant 8320 : i32
        %dma_wait3A_98 = arith.constant 0 : i32
        %dma_wait3A_99 = tpu.memref_slice %arg8[%dma_wait3A_97, %dma_wait3A_98] : memref<10240x128xf32, #tpu.memory_space<vmem_shared>> -> memref<640x128xf32, #tpu.memory_space<vmem_shared>>
        tpu.wait_dma2 semaphore(%run_scoped3A : memref<!tpu.dma_semaphore, #tpu.memory_space<semaphore_mem>>) src(%dma_wait3A_99 : memref<640x128xf32, #tpu.memory_space<vmem_shared>>) dst(%dma_wait3A_96 : memref<640x128xf32, #tpu.memory_space<hbm>>)
        tpu.yield
      }) : () -> ()
    } else {
    }
    %eq3A_78 = arith.constant 14 : i32
    %eq3A_79 = arith.cmpi eq, %arg1, %eq3A_78 : i32
    %convert_element_type3A_80 = arith.extui %eq3A_79 : i1 to i32
    %cond3A_81 = arith.constant 0 : i32
    %cond3A_82 = arith.cmpi ne, %convert_element_type3A_80, %cond3A_81 : i32
    scf.if %cond3A_82 {
      "tpu.region"() ({
        %run_scoped3A = tpu.sem_alloc : memref<!tpu.dma_semaphore, #tpu.memory_space<semaphore_mem>>
        %dma_start3A = arith.constant 8960 : i32
        %dma_start3A_88 = arith.constant 0 : i32
        %dma_start3A_89 = tpu.memref_slice %arg5[%arg0, %dma_start3A, %dma_start3A_88] : memref<2x10240x128xf32, #tpu.memory_space<hbm>> -> memref<1x640x128xf32, #tpu.memory_space<hbm>>
        %dma_start3A_90 = tpu.memref_squeeze %dma_start3A_89 : memref<1x640x128xf32, #tpu.memory_space<hbm>> -> memref<640x128xf32, #tpu.memory_space<hbm>>
        %dma_start3A_91 = arith.constant 8960 : i32
        %dma_start3A_92 = arith.constant 0 : i32
        %dma_start3A_93 = tpu.memref_slice %arg8[%dma_start3A_91, %dma_start3A_92] : memref<10240x128xf32, #tpu.memory_space<vmem_shared>> -> memref<640x128xf32, #tpu.memory_space<vmem_shared>>
        tpu.enqueue_dma source(%dma_start3A_93 : memref<640x128xf32, #tpu.memory_space<vmem_shared>>) target(%dma_start3A_90 : memref<640x128xf32, #tpu.memory_space<hbm>>) target_semaphore(%run_scoped3A : memref<!tpu.dma_semaphore, #tpu.memory_space<semaphore_mem>>)
        %dma_wait3A = arith.constant 8960 : i32
        %dma_wait3A_94 = arith.constant 0 : i32
        %dma_wait3A_95 = tpu.memref_slice %arg5[%arg0, %dma_wait3A, %dma_wait3A_94] : memref<2x10240x128xf32, #tpu.memory_space<hbm>> -> memref<1x640x128xf32, #tpu.memory_space<hbm>>
        %dma_wait3A_96 = tpu.memref_squeeze %dma_wait3A_95 : memref<1x640x128xf32, #tpu.memory_space<hbm>> -> memref<640x128xf32, #tpu.memory_space<hbm>>
        %dma_wait3A_97 = arith.constant 8960 : i32
        %dma_wait3A_98 = arith.constant 0 : i32
        %dma_wait3A_99 = tpu.memref_slice %arg8[%dma_wait3A_97, %dma_wait3A_98] : memref<10240x128xf32, #tpu.memory_space<vmem_shared>> -> memref<640x128xf32, #tpu.memory_space<vmem_shared>>
        tpu.wait_dma2 semaphore(%run_scoped3A : memref<!tpu.dma_semaphore, #tpu.memory_space<semaphore_mem>>) src(%dma_wait3A_99 : memref<640x128xf32, #tpu.memory_space<vmem_shared>>) dst(%dma_wait3A_96 : memref<640x128xf32, #tpu.memory_space<hbm>>)
        tpu.yield
      }) : () -> ()
    } else {
    }
    %eq3A_83 = arith.constant 15 : i32
    %eq3A_84 = arith.cmpi eq, %arg1, %eq3A_83 : i32
    %convert_element_type3A_85 = arith.extui %eq3A_84 : i1 to i32
    %cond3A_86 = arith.constant 0 : i32
    %cond3A_87 = arith.cmpi ne, %convert_element_type3A_85, %cond3A_86 : i32
    scf.if %cond3A_87 {
      "tpu.region"() ({
        %run_scoped3A = tpu.sem_alloc : memref<!tpu.dma_semaphore, #tpu.memory_space<semaphore_mem>>
        %dma_start3A = arith.constant 9600 : i32
        %dma_start3A_88 = arith.constant 0 : i32
        %dma_start3A_89 = tpu.memref_slice %arg5[%arg0, %dma_start3A, %dma_start3A_88] : memref<2x10240x128xf32, #tpu.memory_space<hbm>> -> memref<1x640x128xf32, #tpu.memory_space<hbm>>
        %dma_start3A_90 = tpu.memref_squeeze %dma_start3A_89 : memref<1x640x128xf32, #tpu.memory_space<hbm>> -> memref<640x128xf32, #tpu.memory_space<hbm>>
        %dma_start3A_91 = arith.constant 9600 : i32
        %dma_start3A_92 = arith.constant 0 : i32
        %dma_start3A_93 = tpu.memref_slice %arg8[%dma_start3A_91, %dma_start3A_92] : memref<10240x128xf32, #tpu.memory_space<vmem_shared>> -> memref<640x128xf32, #tpu.memory_space<vmem_shared>>
        tpu.enqueue_dma source(%dma_start3A_93 : memref<640x128xf32, #tpu.memory_space<vmem_shared>>) target(%dma_start3A_90 : memref<640x128xf32, #tpu.memory_space<hbm>>) target_semaphore(%run_scoped3A : memref<!tpu.dma_semaphore, #tpu.memory_space<semaphore_mem>>)
        %dma_wait3A = arith.constant 9600 : i32
        %dma_wait3A_94 = arith.constant 0 : i32
        %dma_wait3A_95 = tpu.memref_slice %arg5[%arg0, %dma_wait3A, %dma_wait3A_94] : memref<2x10240x128xf32, #tpu.memory_space<hbm>> -> memref<1x640x128xf32, #tpu.memory_space<hbm>>
        %dma_wait3A_96 = tpu.memref_squeeze %dma_wait3A_95 : memref<1x640x128xf32, #tpu.memory_space<hbm>> -> memref<640x128xf32, #tpu.memory_space<hbm>>
        %dma_wait3A_97 = arith.constant 9600 : i32
        %dma_wait3A_98 = arith.constant 0 : i32
        %dma_wait3A_99 = tpu.memref_slice %arg8[%dma_wait3A_97, %dma_wait3A_98] : memref<10240x128xf32, #tpu.memory_space<vmem_shared>> -> memref<640x128xf32, #tpu.memory_space<vmem_shared>>
        tpu.wait_dma2 semaphore(%run_scoped3A : memref<!tpu.dma_semaphore, #tpu.memory_space<semaphore_mem>>) src(%dma_wait3A_99 : memref<640x128xf32, #tpu.memory_space<vmem_shared>>) dst(%dma_wait3A_96 : memref<640x128xf32, #tpu.memory_space<hbm>>)
        tpu.yield
      }) : () -> ()
    } else {
    }
    return
  }
}

module attributes {stable_mosaic.version = 14 : i64} {
  func.func @body(%arg0: i32, %arg1: memref<1024x128xf32, #tpu.memory_space<vmem>>, %arg2: memref<128x128xf32, #tpu.memory_space<vmem>>, %arg3: memref<1024x128xf32, #tpu.memory_space<vmem>>) attributes {dimension_semantics = [#tpu.dimension_semantics<arbitrary>], iteration_bounds = array<i64: 10>, scalar_prefetch = 0 : i64, scratch_operands = 0 : i64, tpu.core_type = #tpu.core_type<tc>, window_params = [{transform_indices = @transform_0, window_bounds = array<i64: 1024, 128>}, {pipeline_mode = #tpu.pipeline_mode<synchronous>, transform_indices = @transform_1, window_bounds = array<i64: 128, 128>}, {transform_indices = @transform_2, window_bounds = array<i64: 1024, 128>}]} {
    %get3A = arith.constant 0 : index
    %get3A_0 = arith.constant 0 : index
    %get3A_1 = vector.load %arg1[%get3A, %get3A_0] : memref<1024x128xf32, #tpu.memory_space<vmem>>, vector<1024x128xf32>
    %get3A_2 = arith.constant 0 : index
    %get3A_3 = arith.constant 0 : index
    %get3A_4 = vector.load %arg2[%get3A_2, %get3A_3] : memref<128x128xf32, #tpu.memory_space<vmem>>, vector<128x128xf32>
    %dot_general3A = arith.constant dense<0.000000e+00> : vector<1024x128xf32>
    %dot_general3A_5 = tpu.matmul %get3A_1, %get3A_4, %dot_general3A {dimension_numbers = #tpu.dot_dimension_numbers<[1], [0], [0], [1], [0, 0, 1, 1], [], []>, transpose_lhs_hint = false} : vector<1024x128xf32>, vector<128x128xf32>, vector<1024x128xf32> -> vector<1024x128xf32>
    %swap3A = arith.constant 0 : index
    %swap3A_6 = arith.constant 0 : index
    %swap3A_7 = vector.load %arg3[%swap3A, %swap3A_6] : memref<1024x128xf32, #tpu.memory_space<vmem>>, vector<1024x128xf32>
    tpu.vector_store %arg3[%swap3A, %swap3A_6], %dot_general3A_5 {strides = array<i32>} : memref<1024x128xf32, #tpu.memory_space<vmem>>, vector<1024x128xf32>,
    return
  }
  func.func @transform_0(%arg0: i32) -> (i32, i32) {
    %c0_i32 = arith.constant 0 : i32
    %c0_i32_0 = arith.constant 0 : i32
    return %arg0, %c0_i32 : i32, i32
  }
  func.func @transform_1(%arg0: i32) -> (i32, i32) {
    %c0_i32 = arith.constant 0 : i32
    %c0_i32_0 = arith.constant 0 : i32
    %c0_i32_1 = arith.constant 0 : i32
    return %c0_i32, %c0_i32_0 : i32, i32
  }
  func.func @transform_2(%arg0: i32) -> (i32, i32) {
    %c0_i32 = arith.constant 0 : i32
    %c0_i32_0 = arith.constant 0 : i32
    return %arg0, %c0_i32 : i32, i32
  }
}

module attributes {stable_mosaic.version = 14 : i64} {
  func.func @body(%arg0: i32, %arg1: memref<2x1024x128xf32, #tpu.memory_space<vmem>>, %arg2: memref<1024x128xf32, #tpu.memory_space<vmem>>, %arg3: memref<1024x1xf32, #tpu.memory_space<vmem>>, %arg4: memref<1x128xf32, #tpu.memory_space<vmem>>, %arg5: memref<128x128xf32, #tpu.memory_space<vmem>>, %arg6: memref<1024x128xf32, #tpu.memory_space<vmem>>) attributes {dimension_semantics = [#tpu.dimension_semantics<arbitrary>], iteration_bounds = array<i64: 10>, scalar_prefetch = 0 : i64, scratch_operands = 0 : i64, tpu.core_type = #tpu.core_type<tc>, window_params = [{transform_indices = @transform_0, window_bounds = array<i64: 2, 1024, 128>}, {transform_indices = @transform_1, window_bounds = array<i64: 1024, 128>}, {transform_indices = @transform_2, window_bounds = array<i64: 1024, 1>}, {pipeline_mode = #tpu.pipeline_mode<synchronous>, transform_indices = @transform_3, window_bounds = array<i64: 1, 128>}, {pipeline_mode = #tpu.pipeline_mode<synchronous>, transform_indices = @transform_4, window_bounds = array<i64: 128, 128>}, {transform_indices = @transform_5, window_bounds = array<i64: 1024, 128>}]} {
    %get3A = arith.constant 0 : index
    %get3A_0 = arith.constant 0 : index
    %get3A_1 = arith.constant 0 : index
    %get3A_2 = vector.load %arg1[%get3A, %get3A_0, %get3A_1] : memref<2x1024x128xf32, #tpu.memory_space<vmem>>, vector<1x1024x128xf32>
    %get3A_3 = vector.shape_cast %get3A_2 : vector<1x1024x128xf32> to vector<1024x128xf32>
    %get3A_4 = arith.constant 1 : index
    %get3A_5 = arith.constant 0 : index
    %get3A_6 = arith.constant 0 : index
    %get3A_7 = vector.load %arg1[%get3A_4, %get3A_5, %get3A_6] : memref<2x1024x128xf32, #tpu.memory_space<vmem>>, vector<1x1024x128xf32>
    %get3A_8 = vector.shape_cast %get3A_7 : vector<1x1024x128xf32> to vector<1024x128xf32>
    %add3A = arith.addf %get3A_3, %get3A_8 : vector<1024x128xf32>
    %get3A_9 = arith.constant 0 : index
    %get3A_10 = arith.constant 0 : index
    %get3A_11 = vector.load %arg2[%get3A_9, %get3A_10] : memref<1024x128xf32, #tpu.memory_space<vmem>>, vector<1024x128xf32>
    %add3A_12 = arith.addf %add3A, %get3A_11 : vector<1024x128xf32>
    %get3A_13 = arith.constant 0 : index
    %get3A_14 = arith.constant 0 : index
    %get3A_15 = vector.load %arg3[%get3A_13, %get3A_14] : memref<1024x1xf32, #tpu.memory_space<vmem>>, vector<1024x1xf32>
    %mul3A = vector.broadcast %get3A_15 : vector<1024x1xf32> to vector<1024x128xf32>
    %mul3A_16 = arith.mulf %add3A_12, %mul3A : vector<1024x128xf32>
    %get3A_17 = arith.constant 0 : index
    %get3A_18 = arith.constant 0 : index
    %get3A_19 = vector.load %arg4[%get3A_17, %get3A_18] : memref<1x128xf32, #tpu.memory_space<vmem>>, vector<1x128xf32>
    %add3A_20 = vector.broadcast %get3A_19 : vector<1x128xf32> to vector<1024x128xf32>
    %add3A_21 = arith.addf %mul3A_16, %add3A_20 : vector<1024x128xf32>
    %max3A = arith.constant 0.000000e+00 : f32
    %max3A_22 = vector.broadcast %max3A : f32 to vector<1024x128xf32>
    %max3A_23 = arith.maximumf %add3A_21, %max3A_22 : vector<1024x128xf32>
    %get3A_24 = arith.constant 0 : index
    %get3A_25 = arith.constant 0 : index
    %get3A_26 = vector.load %arg5[%get3A_24, %get3A_25] : memref<128x128xf32, #tpu.memory_space<vmem>>, vector<128x128xf32>
    %dot_general3A = arith.constant dense<0.000000e+00> : vector<1024x128xf32>
    %dot_general3A_27 = tpu.matmul %max3A_23, %get3A_26, %dot_general3A {dimension_numbers = #tpu.dot_dimension_numbers<[1], [0], [0], [1], [0, 0, 1, 1], [], []>, transpose_lhs_hint = false} : vector<1024x128xf32>, vector<128x128xf32>, vector<1024x128xf32> -> vector<1024x128xf32>
    %get3A_28 = arith.constant 0 : index
    %get3A_29 = arith.constant 0 : index
    %get3A_30 = vector.load %arg3[%get3A_28, %get3A_29] : memref<1024x1xf32, #tpu.memory_space<vmem>>, vector<1024x1xf32>
    %mul3A_31 = vector.broadcast %get3A_30 : vector<1024x1xf32> to vector<1024x128xf32>
    %mul3A_32 = arith.mulf %dot_general3A_27, %mul3A_31 : vector<1024x128xf32>
    %swap3A = arith.constant 0 : index
    %swap3A_33 = arith.constant 0 : index
    %swap3A_34 = vector.load %arg6[%swap3A, %swap3A_33] : memref<1024x128xf32, #tpu.memory_space<vmem>>, vector<1024x128xf32>
    tpu.vector_store %arg6[%swap3A, %swap3A_33], %mul3A_32 {strides = array<i32>} : memref<1024x128xf32, #tpu.memory_space<vmem>>, vector<1024x128xf32>,
    return
  }
  func.func @transform_0(%arg0: i32) -> (i32, i32, i32) {
    %c0_i32 = arith.constant 0 : i32
    %c0_i32_0 = arith.constant 0 : i32
    %c0_i32_1 = arith.constant 0 : i32
    return %c0_i32, %arg0, %c0_i32_0 : i32, i32, i32
  }
  func.func @transform_1(%arg0: i32) -> (i32, i32) {
    %c0_i32 = arith.constant 0 : i32
    %c0_i32_0 = arith.constant 0 : i32
    return %arg0, %c0_i32 : i32, i32
  }
  func.func @transform_2(%arg0: i32) -> (i32, i32) {
    %c0_i32 = arith.constant 0 : i32
    %c0_i32_0 = arith.constant 0 : i32
    return %arg0, %c0_i32 : i32, i32
  }
  func.func @transform_3(%arg0: i32) -> (i32, i32) {
    %c0_i32 = arith.constant 0 : i32
    %c0_i32_0 = arith.constant 0 : i32
    %c0_i32_1 = arith.constant 0 : i32
    return %c0_i32, %c0_i32_0 : i32, i32
  }
  func.func @transform_4(%arg0: i32) -> (i32, i32) {
    %c0_i32 = arith.constant 0 : i32
    %c0_i32_0 = arith.constant 0 : i32
    %c0_i32_1 = arith.constant 0 : i32
    return %c0_i32, %c0_i32_0 : i32, i32
  }
  func.func @transform_5(%arg0: i32) -> (i32, i32) {
    %c0_i32 = arith.constant 0 : i32
    %c0_i32_0 = arith.constant 0 : i32
    return %arg0, %c0_i32 : i32, i32
  }
}

module attributes {stable_mosaic.version = 14 : i64} {
  func.func @body(%arg0: i32, %arg1: memref<2x1024x128xf32, #tpu.memory_space<vmem>>, %arg2: memref<1024x128xf32, #tpu.memory_space<vmem>>, %arg3: memref<1024x128xf32, #tpu.memory_space<vmem>>, %arg4: memref<1024x1xf32, #tpu.memory_space<vmem>>) attributes {dimension_semantics = [#tpu.dimension_semantics<arbitrary>], iteration_bounds = array<i64: 10>, scalar_prefetch = 0 : i64, scratch_operands = 0 : i64, tpu.core_type = #tpu.core_type<tc>, window_params = [{transform_indices = @transform_0, window_bounds = array<i64: 2, 1024, 128>}, {transform_indices = @transform_1, window_bounds = array<i64: 1024, 128>}, {transform_indices = @transform_2, window_bounds = array<i64: 1024, 128>}, {transform_indices = @transform_3, window_bounds = array<i64: 1024, 1>}]} {
    %get3A = arith.constant 0 : index
    %get3A_0 = arith.constant 0 : index
    %get3A_1 = arith.constant 0 : index
    %get3A_2 = vector.load %arg1[%get3A, %get3A_0, %get3A_1] : memref<2x1024x128xf32, #tpu.memory_space<vmem>>, vector<1x1024x1xf32>
    %get3A_3 = vector.shape_cast %get3A_2 : vector<1x1024x1xf32> to vector<1024x1xf32>
    %get3A_4 = arith.constant 1 : index
    %get3A_5 = arith.constant 0 : index
    %get3A_6 = arith.constant 0 : index
    %get3A_7 = vector.load %arg1[%get3A_4, %get3A_5, %get3A_6] : memref<2x1024x128xf32, #tpu.memory_space<vmem>>, vector<1x1024x1xf32>
    %get3A_8 = vector.shape_cast %get3A_7 : vector<1x1024x1xf32> to vector<1024x1xf32>
    %add3A = arith.addf %get3A_3, %get3A_8 : vector<1024x1xf32>
    %add3A_9 = arith.constant 1.000000e+00 : f32
    %add3A_10 = vector.broadcast %add3A_9 : f32 to vector<1024x1xf32>
    %add3A_11 = arith.addf %add3A, %add3A_10 : vector<1024x1xf32>
    %rsqrt3A = math.rsqrt %add3A_11 : vector<1024x1xf32>
    %get3A_12 = arith.constant 0 : index
    %get3A_13 = arith.constant 0 : index
    %get3A_14 = vector.load %arg2[%get3A_12, %get3A_13] : memref<1024x128xf32, #tpu.memory_space<vmem>>, vector<1024x128xf32>
    %mul3A = vector.broadcast %rsqrt3A : vector<1024x1xf32> to vector<1024x128xf32>
    %mul3A_15 = arith.mulf %get3A_14, %mul3A : vector<1024x128xf32>
    %swap3A = arith.constant 0 : index
    %swap3A_16 = arith.constant 0 : index
    %swap3A_17 = vector.load %arg3[%swap3A, %swap3A_16] : memref<1024x128xf32, #tpu.memory_space<vmem>>, vector<1024x128xf32>
    tpu.vector_store %arg3[%swap3A, %swap3A_16], %mul3A_15 {strides = array<i32>} : memref<1024x128xf32, #tpu.memory_space<vmem>>, vector<1024x128xf32>,
    %swap3A_18 = arith.constant 0 : index
    %swap3A_19 = arith.constant 0 : index
    %swap3A_20 = vector.load %arg4[%swap3A_18, %swap3A_19] : memref<1024x1xf32, #tpu.memory_space<vmem>>, vector<1024x1xf32>
    tpu.vector_store %arg4[%swap3A_18, %swap3A_19], %rsqrt3A {strides = array<i32>} : memref<1024x1xf32, #tpu.memory_space<vmem>>, vector<1024x1xf32>,
    return
  }
  func.func @transform_0(%arg0: i32) -> (i32, i32, i32) {
    %c0_i32 = arith.constant 0 : i32
    %c0_i32_0 = arith.constant 0 : i32
    %c0_i32_1 = arith.constant 0 : i32
    return %c0_i32, %arg0, %c0_i32_0 : i32, i32, i32
  }
  func.func @transform_1(%arg0: i32) -> (i32, i32) {
    %c0_i32 = arith.constant 0 : i32
    %c0_i32_0 = arith.constant 0 : i32
    return %arg0, %c0_i32 : i32, i32
  }
  func.func @transform_2(%arg0: i32) -> (i32, i32) {
    %c0_i32 = arith.constant 0 : i32
    %c0_i32_0 = arith.constant 0 : i32
    return %arg0, %c0_i32 : i32, i32
  }
  func.func @transform_3(%arg0: i32) -> (i32, i32) {
    %c0_i32 = arith.constant 0 : i32
    %c0_i32_0 = arith.constant 0 : i32
    return %arg0, %c0_i32 : i32, i32
  }
}

module attributes {stable_mosaic.version = 14 : i64} {
  func.func @body(%arg0: i32, %arg1: memref<2x1024x128xf32, #tpu.memory_space<vmem>>, %arg2: memref<1024x128xf32, #tpu.memory_space<vmem>>, %arg3: memref<1024x1xf32, #tpu.memory_space<vmem>>, %arg4: memref<1x128xf32, #tpu.memory_space<vmem>>, %arg5: memref<128x1xf32, #tpu.memory_space<vmem>>, %arg6: memref<1x1xf32, #tpu.memory_space<vmem>>, %arg7: memref<1024x1xf32, #tpu.memory_space<vmem>>) attributes {dimension_semantics = [#tpu.dimension_semantics<arbitrary>], iteration_bounds = array<i64: 10>, scalar_prefetch = 0 : i64, scratch_operands = 0 : i64, tpu.core_type = #tpu.core_type<tc>, window_params = [{transform_indices = @transform_0, window_bounds = array<i64: 2, 1024, 128>}, {transform_indices = @transform_1, window_bounds = array<i64: 1024, 128>}, {transform_indices = @transform_2, window_bounds = array<i64: 1024, 1>}, {pipeline_mode = #tpu.pipeline_mode<synchronous>, transform_indices = @transform_3, window_bounds = array<i64: 1, 128>}, {pipeline_mode = #tpu.pipeline_mode<synchronous>, transform_indices = @transform_4, window_bounds = array<i64: 128, 1>}, {pipeline_mode = #tpu.pipeline_mode<synchronous>, transform_indices = @transform_5, window_bounds = array<i64: 1, 1>}, {transform_indices = @transform_6, window_bounds = array<i64: 1024, 1>}]} {
    %get3A = arith.constant 0 : index
    %get3A_0 = arith.constant 0 : index
    %get3A_1 = arith.constant 0 : index
    %get3A_2 = vector.load %arg1[%get3A, %get3A_0, %get3A_1] : memref<2x1024x128xf32, #tpu.memory_space<vmem>>, vector<1x1024x128xf32>
    %get3A_3 = vector.shape_cast %get3A_2 : vector<1x1024x128xf32> to vector<1024x128xf32>
    %get3A_4 = arith.constant 1 : index
    %get3A_5 = arith.constant 0 : index
    %get3A_6 = arith.constant 0 : index
    %get3A_7 = vector.load %arg1[%get3A_4, %get3A_5, %get3A_6] : memref<2x1024x128xf32, #tpu.memory_space<vmem>>, vector<1x1024x128xf32>
    %get3A_8 = vector.shape_cast %get3A_7 : vector<1x1024x128xf32> to vector<1024x128xf32>
    %add3A = arith.addf %get3A_3, %get3A_8 : vector<1024x128xf32>
    %get3A_9 = arith.constant 0 : index
    %get3A_10 = arith.constant 0 : index
    %get3A_11 = vector.load %arg2[%get3A_9, %get3A_10] : memref<1024x128xf32, #tpu.memory_space<vmem>>, vector<1024x128xf32>
    %add3A_12 = arith.addf %add3A, %get3A_11 : vector<1024x128xf32>
    %get3A_13 = arith.constant 0 : index
    %get3A_14 = arith.constant 0 : index
    %get3A_15 = vector.load %arg3[%get3A_13, %get3A_14] : memref<1024x1xf32, #tpu.memory_space<vmem>>, vector<1024x1xf32>
    %mul3A = vector.broadcast %get3A_15 : vector<1024x1xf32> to vector<1024x128xf32>
    %mul3A_16 = arith.mulf %add3A_12, %mul3A : vector<1024x128xf32>
    %get3A_17 = arith.constant 0 : index
    %get3A_18 = arith.constant 0 : index
    %get3A_19 = vector.load %arg4[%get3A_17, %get3A_18] : memref<1x128xf32, #tpu.memory_space<vmem>>, vector<1x128xf32>
    %add3A_20 = vector.broadcast %get3A_19 : vector<1x128xf32> to vector<1024x128xf32>
    %add3A_21 = arith.addf %mul3A_16, %add3A_20 : vector<1024x128xf32>
    %max3A = arith.constant 0.000000e+00 : f32
    %max3A_22 = vector.broadcast %max3A : f32 to vector<1024x128xf32>
    %max3A_23 = arith.maximumf %add3A_21, %max3A_22 : vector<1024x128xf32>
    %get3A_24 = arith.constant 0 : index
    %get3A_25 = arith.constant 0 : index
    %get3A_26 = vector.load %arg5[%get3A_24, %get3A_25] : memref<128x1xf32, #tpu.memory_space<vmem>>, vector<128x1xf32>
    %dot_general3A = arith.constant dense<0.000000e+00> : vector<1024x1xf32>
    %dot_general3A_27 = tpu.matmul %max3A_23, %get3A_26, %dot_general3A {dimension_numbers = #tpu.dot_dimension_numbers<[1], [0], [0], [1], [0, 0, 1, 1], [], []>, transpose_lhs_hint = false} : vector<1024x128xf32>, vector<128x1xf32>, vector<1024x1xf32> -> vector<1024x1xf32>
    %get3A_28 = arith.constant 0 : index
    %get3A_29 = arith.constant 0 : index
    %get3A_30 = vector.load %arg6[%get3A_28, %get3A_29] : memref<1x1xf32, #tpu.memory_space<vmem>>, vector<1x1xf32>
    %add3A_31 = vector.broadcast %get3A_30 : vector<1x1xf32> to vector<1024x1xf32>
    %add3A_32 = arith.addf %dot_general3A_27, %add3A_31 : vector<1024x1xf32>
    %swap3A = arith.constant 0 : index
    %swap3A_33 = arith.constant 0 : index
    %swap3A_34 = vector.load %arg7[%swap3A, %swap3A_33] : memref<1024x1xf32, #tpu.memory_space<vmem>>, vector<1024x1xf32>
    tpu.vector_store %arg7[%swap3A, %swap3A_33], %add3A_32 {strides = array<i32>} : memref<1024x1xf32, #tpu.memory_space<vmem>>, vector<1024x1xf32>,
    return
  }
  func.func @transform_0(%arg0: i32) -> (i32, i32, i32) {
    %c0_i32 = arith.constant 0 : i32
    %c0_i32_0 = arith.constant 0 : i32
    %c0_i32_1 = arith.constant 0 : i32
    return %c0_i32, %arg0, %c0_i32_0 : i32, i32, i32
  }
  func.func @transform_1(%arg0: i32) -> (i32, i32) {
    %c0_i32 = arith.constant 0 : i32
    %c0_i32_0 = arith.constant 0 : i32
    return %arg0, %c0_i32 : i32, i32
  }
  func.func @transform_2(%arg0: i32) -> (i32, i32) {
    %c0_i32 = arith.constant 0 : i32
    %c0_i32_0 = arith.constant 0 : i32
    return %arg0, %c0_i32 : i32, i32
  }
  func.func @transform_3(%arg0: i32) -> (i32, i32) {
    %c0_i32 = arith.constant 0 : i32
    %c0_i32_0 = arith.constant 0 : i32
    %c0_i32_1 = arith.constant 0 : i32
    return %c0_i32, %c0_i32_0 : i32, i32
  }
  func.func @transform_4(%arg0: i32) -> (i32, i32) {
    %c0_i32 = arith.constant 0 : i32
    %c0_i32_0 = arith.constant 0 : i32
    %c0_i32_1 = arith.constant 0 : i32
    return %c0_i32, %c0_i32_0 : i32, i32
  }
  func.func @transform_5(%arg0: i32) -> (i32, i32) {
    %c0_i32 = arith.constant 0 : i32
    %c0_i32_0 = arith.constant 0 : i32
    %c0_i32_1 = arith.constant 0 : i32
    return %c0_i32, %c0_i32_0 : i32, i32
  }
  func.func @transform_6(%arg0: i32) -> (i32, i32) {
    %c0_i32 = arith.constant 0 : i32
    %c0_i32_0 = arith.constant 0 : i32
    return %arg0, %c0_i32 : i32, i32
  }
}

</mosaic_0001>

<sc_bundles>
// kernel: kernel.12.cloned.1.call-start
scs
__scs_entry_jumppad:
0x0: {  	(pc) =	sbr.rel $0x88, $3  }
0x1: {  	(tag) =	ssettag $0x0;
	lr =	simm.s32 $0x1  }
0x2: {  	[smem:$0x3F99] =	sst lr;
	_ =	strace $0xD0000000  }
0x3: {  	_ = 	snop  }
0x4: {  	_ = 	snop  }
0x5: {  	_ = 	snop  }
0x6: {  	_ = 	snop  }
0x7: {  	_ = 	snop  }
__scs_overlays_trampoline_lowered:
0x8: {  	[smem:$0x3FA8] =	sst s0  }
0x9: {  	[smem:$0x3FA9] =	sst s1  }
0xa: {  	[smem:$0x3FAA] =	sst s2  }
0xb: {  	[smem:$0x3FAB] =	sst s3  }
0xc: {  	[smem:$0x3FAC] =	sst s4  }
0xd: {  	[smem:$0x3FAD] =	sst s5  }
0xe: {  	[smem:$0x3FAE] =	sst s6  }
0xf: {  	[smem:$0x3FAF] =	sst s7  }
0x10: {  	[smem:$0x3FB0] =	sst s8  }
0x11: {  	[smem:$0x3FB1] =	sst s9;
	s0 =	simm.s32 @!p0 $0x0  }
0x12: {  	s1 =	sld [smem:$0x3F97];
	s0 =	simm.s32 @p0 $0x1  }
0x13: {  	[smem:$0x3FB2] =	sst s0;
	s0 =	simm.s32 @!p1 $0x0  }
0x14: {  	s2 =	sld [smem:$0x3F96];
	s0 =	simm.s32 @p1 $0x1  }
0x15: {  	[smem:$0x3FB3] =	sst s0;
	s0 =	simm.s32 @!p2 $0x0  }
0x16: {  	s3 =	sld [smem:$0x3FDB];
	s0 =	simm.s32 @p2 $0x1  }
0x17: {  	s4 =	simm.s32 $0x1BF5;
	[smem:$0x3FB5] =	sst s0  }
0x18: {  	s0 =	sld [smem:$0x3F98];
	_ =	swait.ge [sflag:s4], $0x0  }
0x19: {  	s7 =	sld [smem:$0x3F99]  }
0x1a: {  	s8 =	sadd.s32 $0xFFFFE003, lr  }
0x1b: {  	s9 =	sadd.s32 $0xFFFFFEF7, lr;
	s5 =	simm.s32 $0xFFFFFFFF;
	p2 =	slt.u32 s8, $0xFFFFF086  }
0x1c: {  	p1 =	slt.u32 s9, $0xF7A;
	s5 =	simm.s32 @!p2 $0x0  }
0x1d: {  	s5 =	simm.s32 @p1 $0x1;
	p0 =	seq.s32 s7, s2  }
0x1e: {  	s7 =	smul.u32 @!p0 $0xF7A, s2;
	p2 =	seq.s32 @!p0 s5, $0x0  }
0x1f: {  	s9 =	smul.u32 $0xF7A, s1;
	s8 =	simm.s32 @!p0 $0x1BF5;
	p2 =	por !p2, p0  }
0x20: {  	[sflag:s8] =	ssyncset.s32 @!p0 $0xFFFFF086;
	s6 =	sadd.s32 @!p0 s3, s7;
	s7 =	simm.s32 @!p0 $0x108  }
0x21: {  	s3 =	sadd.s32 s3, s9;
	s6 =	sadd.s32 @!p0 $0x88, s6;
	s7 =	simm.s32 @p2 $0x1082  }
0x22: {  	[simem:s7], [sflag:s8] =	dma.local @!p0 [hbm:s6], $0xF7A  }
0x23: {  	s9 =	sor.u32 $0xD0000000, s2;
	s6 =	simm.s32 $0x108;
	_ =	swait.ge @!p0 [sflag:s8], $0x0  }
0x24: {  	s3 =	sadd.s32 $0x88, s3;
	s6 =	simm.s32 @!p1 $0x1082;
	[sflag:s4] =	ssyncset.s32 $0xFFFFF086  }
0x25: {  	[simem:s6], [sflag:s4] =	dma.local [hbm:s3], $0xF7A  }
0x26: {  	[smem:$0x3F99] =	sst s1;
	(tag) =	ssettag s2;
	_ =	strace s9  }
0x27: {  	s1 =	sld [smem:$0x3FA9]  }
0x28: {  	s2 =	sld [smem:$0x3FAA]  }
0x29: {  	s4 =	sld [smem:$0x3FAC]  }
0x2a: {  	p0 =	seq.s32 s5, $0x0;
	s5 =	sld [smem:$0x3FAD]  }
0x2b: {  	s6 =	sld [smem:$0x3FAE]  }
0x2c: {  	s7 =	sld [smem:$0x3FAF]  }
0x2d: {  	s3 =	simm.s32 $0x108;
	s8 =	sld [smem:$0x3FB0]  }
0x2e: {  	s3 =	simm.s32 @!p0 $0x1082;
	s9 =	sld [smem:$0x3FB1]  }
0x2f: {  	lr =	sadd.s32 s0, s3;
	s0 =	sld [smem:$0x3FA8]  }
0x30: {  	s3 =	sld [smem:$0x3FAB]  }
0x31: {  	[smem:$0x3FB4] =	sst s10  }
0x32: {  	s10 =	sld [smem:$0x3FB2];
	_ =	sdelay $0x3  }
0x33: {  	p0 =	seq.s32 s10, $0x1;
	s10 =	sld [smem:$0x3FB4];
	_ =	sdelay $0x3  }
0x34: {  	[smem:$0x3FB4] =	sst s10  }
0x35: {  	s10 =	sld [smem:$0x3FB3];
	_ =	sdelay $0x3  }
0x36: {  	p1 =	seq.s32 s10, $0x1;
	s10 =	sld [smem:$0x3FB4];
	_ =	sdelay $0x3  }
0x37: {  	[smem:$0x3FB4] =	sst s10  }
0x38: {  	s10 =	sld [smem:$0x3FB5]  }
0x39: {  	_ = 	snop;
	(pc) =	sbr.ind lr, $3  }
0x3a: {  	_ = 	snop  }
0x3b: {  	_ = 	snop  }
0x3c: {  	p2 =	seq.s32 s10, $0x1;
	s10 =	sld [smem:$0x3FB4]  }
0x3d: {  	_ =	shalt  }
0x3e: {  	_ =	shalt  }
0x3f: {  	_ =	shalt  }
0x40: {  	_ =	shalt  }
0x41: {  	_ =	shalt  }
0x42: {  	_ =	shalt  }
0x43: {  	_ =	shalt  }
0x44: {  	_ =	shalt  }
0x45: {  	_ =	shalt  }
0x46: {  	_ =	shalt  }
0x47: {  	_ =	shalt  }
0x48: {  	_ =	shalt  }
0x49: {  	_ =	shalt  }
0x4a: {  	_ =	shalt  }
0x4b: {  	_ =	shalt  }
0x4c: {  	_ =	shalt  }
0x4d: {  	_ =	shalt  }
0x4e: {  	_ =	shalt  }
0x4f: {  	_ =	shalt  }
0x50: {  	_ =	shalt  }
0x51: {  	_ =	shalt  }
0x52: {  	_ =	shalt  }
0x53: {  	_ =	shalt  }
0x54: {  	_ =	shalt  }
0x55: {  	_ =	shalt  }
0x56: {  	_ =	shalt  }
0x57: {  	_ =	shalt  }
0x58: {  	_ =	shalt  }
0x59: {  	_ =	shalt  }
0x5a: {  	_ =	shalt  }
0x5b: {  	_ =	shalt  }
0x5c: {  	_ =	shalt  }
0x5d: {  	_ =	shalt  }
0x5e: {  	_ =	shalt  }
0x5f: {  	_ =	shalt  }
0x60: {  	_ =	shalt  }
0x61: {  	_ =	shalt  }
0x62: {  	_ =	shalt  }
0x63: {  	_ =	shalt  }
0x64: {  	_ =	shalt  }
0x65: {  	_ =	shalt  }
0x66: {  	_ =	shalt  }
0x67: {  	_ =	shalt  }
0x68: {  	_ =	shalt  }
0x69: {  	_ =	shalt  }
0x6a: {  	_ =	shalt  }
0x6b: {  	_ =	shalt  }
0x6c: {  	_ =	shalt  }
0x6d: {  	_ =	shalt  }
0x6e: {  	_ =	shalt  }
0x6f: {  	_ =	shalt  }
0x70: {  	_ =	shalt  }
0x71: {  	_ =	shalt  }
0x72: {  	_ =	shalt  }
0x73: {  	_ =	shalt  }
0x74: {  	_ =	shalt  }
0x75: {  	_ =	shalt  }
0x76: {  	_ =	shalt  }
0x77: {  	_ =	shalt  }
0x78: {  	_ =	shalt  }
0x79: {  	_ =	shalt  }
0x7a: {  	_ =	shalt  }
0x7b: {  	_ =	shalt  }
0x7c: {  	_ =	shalt  }
0x7d: {  	_ =	shalt  }
0x7e: {  	_ =	shalt  }
0x7f: {  	_ =	shalt  }
0x80: {  	_ =	shalt  }
0x81: {  	_ =	shalt  }
0x82: {  	_ =	shalt  }
0x83: {  	_ =	shalt  }
0x84: {  	_ =	shalt  }
0x85: {  	_ =	shalt  }
0x86: {  	_ =	shalt  }
0x87: {  	_ =	shalt  }
.Lfunc_end0:
.L_simem_size_0:
called_computation.1_lowered:
.L_overlay_start_0:
0x88: {  	s2 =	sld [smem:$0x3FD9]  }
0x89: {  	s3 =	sld [smem:$0x3FFE];
	_ =	sdelay $0x1  }
0x8a: {  	s1 =	srdreg.scid  }
0x8b: {  	s0 =	sand.u32 $0x1, s1  }
0x8c: {  	s16 =	sshll.u32 s0, $0xA;
	s2 =	sadd.s32 s3, s2  }
0x8d: {  	s2 =	sadd.s32 s2, s16  }
0x8e: {  	[smem:$0x3FC0] =	sst s2  }
0x8f: {  	_ = 	snop  }
0x90: {  	(tm) =	ssettm $0x1  }
0x91: {  	s17 =	sld [smem:$0x3FFB];
	_ =	sdelay $0x3  }
0x92: {  	_ =	strace s17  }
0x93: {  	s2 =	sld [smem:$0x3FFC];
	_ =	sdelay $0x3  }
0x94: {  	_ =	strace s2  }
0x95: {  	s2 =	sld [smem:$0x3FFD];
	_ =	sdelay $0x3  }
0x96: {  	_ =	strace s2  }
0x97: {  	_ =	strace $0x8FFFFFFF  }
0x98: {  	s18 =	sld [smem:$0x3FDB];
	_ =	sdelay $0x1  }
0x99: {  	s19 =	simm.s32 $_scs_section_size  }
0x9a: {  	s4 =	simm.s32 $_size__tile_overlayer_lowered;
	s5 =	simm.s32 $_tile_overlayer_lowered  }
0x9b: {  	s22 =	simm.s32 $0x1BFF;
	s21 =	sshll.u32 s5, $0x1;
	s2 =	sadd.s32 s19, s18  }
0x9c: {  	s6 =	simm.s32 $0x0;
	s20 =	sshll.u32 s4, $0x1;
	s4 =	sadd.s32 s21, s2  }
0x9d: {  	[timem:s6], [sflag:s22] =	dma.local [hbm:s4], s20  }
0x9e: {  	_ =	swait.ge [sflag:s22], s20  }
0x9f: {  	s3 =	ssub.s32 $0x0, s20;
	[sflag:s22] =	ssyncset.done $0x0  }
0xa0: {  	[sflag:s22] =	ssyncadd.s32 s3;
	_ =	sdelay $0x1  }
0xa1: {  	s23 =	simm.s32 $0x1B8B  }
0xa2: {  	_ =	swait.ge [sflag:s23], $0x1  }
0xa3: {  	[sflag:s23] =	ssyncset.done $0x0  }
0xa4: {  	s25 =	simm.s32 $0x1B8E;
	s24 =	sld [smem:$0x3FFE];
	[sflag:s23] =	ssyncadd.s32 $0xFFFFFFFF  }
0xa5: {  	s26 =	simm.s32 $execute0_lowered;
	[smem:$0x3FD2] =	sst s25  }
0xa6: {  	s4 =	sshll.u32 s26, $0x1;
	_ =	strace $0x80000049;
	[dreg:$0x1] =	wrdreg $0xFFFFFFFF  }
0xa7: {  	s28 =	simm.s32 $_size_execute0_lowered;
	s2 =	sadd.s32 s2, s4;
	[dreg:$0x0] =	wrdreg $0x0  }
0xa8: {  	s4 =	sshll.u32 s28, $0x1;
	[dreg:$0x2] =	wrdreg s2  }
0xa9: {  	[dreg:$0x3] =	wrdreg s4  }
0xaa: {  	[dreg:$0x4] =	wrdreg $0xC0  }
0xab: {  	_ =	task [dreg:s6], $0x5FFFF  }
0xac: {  	[dreg:$0x1] =	wrdreg $0xFFFFFFFF  }
0xad: {  	[dreg:$0x0] =	wrdreg $0x60  }
0xae: {  	[dreg:$0x2] =	wrdreg s24  }
0xaf: {  	[dreg:$0x3] =	wrdreg $0x90000  }
0xb0: {  	[dreg:$0x4] =	wrdreg $0x9  }
0xb1: {  	_ =	task.clear_ibuf [dreg:s6], $0x5FFFF;
	_ =	strace $0x90000049  }
0xb2: {  	s29 =	simm.s32 $0x9;
	_ =	strace $0x8000004B  }
0xb3: {  	_ =	swait.ge [sflag:s29], $0x1  }
0xb4: {  	[sflag:s29] =	ssyncadd.s32 $0xFFFFFFFF  }
0xb5: {  	_ =	strace $0x9000004B  }
0xb6: {  	_ =	sfence  }
0xb7: {  	s30 =	sld [smem:$0x0];
	_ =	sdelay $0x2  }
0xb8: {  	s31 =	sshll.u32 s1, $0xD;
	s1 =	sshrl.u32 s1, $0x2  }
0xb9: {  	s3 =	sand.u32 $0x4000, s31;
	s1 =	sadd.s32 s1, s30  }
0xba: {  	s0 =	sor.u32 s3, s0;
	s1 =	sshll.u32 s1, $0x11  }
0xbb: {  	s0 =	sor.u32 s1, s0  }
0xbc: {  	s0 =	sadd.s32 $0x8F2B, s0  }
0xbd: {  	[sflag:s0] =	ssyncadd.remote.s32 $0x1  }
0xbe: {  	_ =	sfence.sel $0xFFFF  }
0xbf: {  	[dreg:$0x0] =	wrdreg $0xFFFFFFFF;
	(pc) =	sbr.abs _section_cstart, $3  }
0xc0: {  	[dreg:$0x1] =	wrdreg $0xFFFFFFFF  }
0xc1: {  	_ =	task.clear_ibuf [dreg:s6], $0x2FFFF;
	_ =	strace $0x9FFFFFFF  }
0xc2: {  	(tm) =	ssettm $0x7FFFFFFF  }
0xc3: {  	_ =	shalt  }
tec
execute0_lowered:
.L_overlay_start_1:
0x0: {  	(tag) =	ssettag $0x1  }
0x1: {  	s0 =	stileid.u32  }
0x2: {  	p0 =	sgt.s32 s0, $0x3  }
0x3: {  	p2 =	sgt.s32 @p0 s0, $0x5  }
0x4: {  	p1 =	por !p2, !p0  }
0x5: {  	p3 =	seq.s32 @!p1 s0, $0x6  }
0x6: {  	p4 =	por p2, !p0;
	p1 =	por @p0 !p3, !p2  }
0x7: {  	p5 =	sgt.s32 @!p0 s0, $0x1;
	p4 =	seq.s32 @!p4 s0, $0x4;
	s1 =	simm.s32 @!p1 $0x0  }
0x8: {  	s1 =	simm.s32 @p1 $0x1;
	p1 =	por @p0 p3, !p2;
	p3 =	por p5, p0  }
0x9: {  	[smem:$0x7EB] =	sst s1;
	s1 =	simm.s32 @!p1 $0x0;
	p3 =	seq.s32 @!p3 s0, $0x0  }
0xa: {  	s1 =	simm.s32 @p1 $0x1;
	p1 =	por @p0 !p4, p2;
	s9 =	sld [smem:$0x7EB]  }
0xb: {  	p2 =	por @p0 p4, p2;
	[smem:$0x7EC] =	sst s1;
	s1 =	simm.s32 @!p1 $0x0  }
0xc: {  	p6 =	por @!p0 !p3, p5;
	s1 =	simm.s32 @p1 $0x1;
	p1 =	por !p5, p0  }
0xd: {  	p3 =	por @!p0 p3, p5;
	s10 =	sld [smem:$0x7EC];
	p1 =	seq.s32 @!p1 s0, $0x2  }
0xe: {  	p4 =	por @!p0 !p1, !p5;
	p1 =	por @!p0 p1, !p5;
	p5 =	seq.s32 s9, $0x1  }
0xf: {  	p5 =	por p5, !p0  }
0x10: {  	[smem:$0x7ED] =	sst s1;
	s1 =	simm.s32 @!p5 $0x0  }
0x11: {  	s11 =	sld [smem:$0x7ED];
	s1 =	simm.s32 @p5 $0x1;
	p5 =	seq.s32 s10, $0x1  }
0x12: {  	p5 =	por p5, !p0  }
0x13: {  	[smem:$0x7F2] =	sst s1;
	s1 =	simm.s32 @!p5 $0x0  }
0x14: {  	s1 =	simm.s32 @p5 $0x1;
	p5 =	seq.s32 s11, $0x1  }
0x15: {  	p5 =	por p5, !p0  }
0x16: {  	[smem:$0x7F3] =	sst s1;
	s1 =	simm.s32 @!p5 $0x0  }
0x17: {  	p2 =	por p2, !p0;
	s1 =	simm.s32 @p5 $0x1  }
0x18: {  	[smem:$0x7F4] =	sst s1;
	s1 =	simm.s32 @!p2 $0x0  }
0x19: {  	p4 =	por p4, p0;
	s1 =	simm.s32 @p2 $0x1  }
0x1a: {  	[smem:$0x7F5] =	sst s1;
	s1 =	simm.s32 @!p4 $0x0  }
0x1b: {  	p6 =	por p6, p0;
	p1 =	por p1, p0;
	s1 =	simm.s32 @p4 $0x1  }
0x1c: {  	p2 =	sgt.s32 s0, $0xB;
	[smem:$0x7F6] =	sst s1;
	s1 =	simm.s32 @!p1 $0x0  }
0x1d: {  	p0 =	por p3, p0;
	s1 =	simm.s32 @p1 $0x1;
	p1 =	sgt.s32 @p2 s0, $0xD  }
0x1e: {  	[smem:$0x7F7] =	sst s1;
	p4 =	por !p1, !p2;
	s1 =	simm.s32 @!p0 $0x0  }
0x1f: {  	s1 =	simm.s32 @p0 $0x1;
	p0 =	seq.s32 @!p4 s0, $0xE  }
0x20: {  	p4 =	por @p2 !p0, !p1  }
0x21: {  	[smem:$0x7F8] =	sst s1;
	s1 =	simm.s32 @!p4 $0x0  }
0x22: {  	p5 =	por p1, !p2;
	p0 =	por @p2 p0, !p1;
	s1 =	simm.s32 @p4 $0x1  }
0x23: {  	p3 =	seq.s32 @!p5 s0, $0xC;
	[smem:$0x7EE] =	sst s1;
	s1 =	simm.s32 @!p0 $0x0  }
0x24: {  	s12 =	srdreg.scid;
	s1 =	simm.s32 @p0 $0x1;
	p0 =	por @p2 !p3, p1  }
0x25: {  	s7 =	sand.u32 $0x1, s12;
	[smem:$0x7EF] =	sst s1;
	s1 =	simm.s32 @!p0 $0x0  }
0x26: {  	s13 =	sld [smem:$0x7EE];
	s1 =	simm.s32 @p0 $0x1;
	p0 =	por @p2 p3, p1  }
0x27: {  	p3 =	sgt.s32 @!p2 s0, $0x9;
	[smem:$0x7F0] =	sst s1;
	s1 =	simm.s32 @!p0 $0x0  }
0x28: {  	p1 =	por p3, p2;
	s1 =	simm.s32 @p0 $0x1;
	p0 =	por !p3, p2  }
0x29: {  	s3 =	sshll.u32 s7, $0x4;
	p1 =	seq.s32 @!p1 s0, $0x8;
	p0 =	seq.s32 @!p0 s0, $0xA  }
0x2a: {  	s14 =	sld [smem:$0x7EF];
	p4 =	por @!p2 !p1, p3;
	p5 =	por @!p2 !p0, !p3  }
0x2b: {  	p0 =	por @!p2 p0, !p3;
	p3 =	por @!p2 p1, p3;
	p1 =	seq.s32 s13, $0x1  }
0x2c: {  	s3 =	sor.u32 s0, s3;
	p1 =	por p1, !p2  }
0x2d: {  	s5 =	smul.u32 $0x500, s3;
	s3 =	simm.s32 @!p1 $0x0  }
0x2e: {  	s15 =	sld [smem:$0x7F0];
	s3 =	simm.s32 @p1 $0x1;
	p1 =	seq.s32 s14, $0x1  }
0x2f: {  	[smem:$0x7F1] =	sst s1;
	p1 =	por p1, !p2  }
0x30: {  	[smem:$0x7F9] =	sst s3;
	s3 =	simm.s32 @!p1 $0x0  }
0x31: {  	s16 =	sld [smem:$0x7F1];
	s3 =	simm.s32 @p1 $0x1;
	p1 =	seq.s32 s15, $0x1  }
0x32: {  	s4 =	rddreg [dreg:$0x0];
	p1 =	por p1, !p2  }
0x33: {  	[smem:$0x7FA] =	sst s3;
	s3 =	simm.s32 @!p1 $0x0  }
0x34: {  	s2 =	simm.s32 $0x0;
	s3 =	simm.s32 @p1 $0x1;
	p1 =	seq.s32 s16, $0x1  }
0x35: {  	[smem:$0x7FF] =	sst s2;
	s6 =	smul.u32 $0x140000, s7;
	p1 =	por p1, !p2  }
0x36: {  	[smem:$0x7FB] =	sst s3;
	s3 =	simm.s32 @!p1 $0x0  }
0x37: {  	s6 =	sshrl.u32 s6, $0x3;
	s3 =	simm.s32 @p1 $0x1;
	p1 =	por p5, p2  }
0x38: {  	s9 =	sadd.s32 $0x66A00, s4;
	[smem:$0x7FC] =	sst s3;
	s3 =	simm.s32 @!p1 $0x0  }
0x39: {  	s11 =	sadd.s32 s9, s6;
	s1 =	rddreg [dreg:$0x1];
	s3 =	simm.s32 @p1 $0x1  }
0x3a: {  	s18 =	sadd.s32 $0x25800, s11;
	[smem:$0x7FD] =	sst s3  }
0x3b: {  	s19 =	sadd.s32 $0x23000, s11;
	_ =	strace $0x8000004A;
	[dreg:$0x3] =	wrdreg s18  }
0x3c: {  	s20 =	sadd.s32 $0x20800, s11;
	[dreg:$0x4] =	wrdreg s19  }
0x3d: {  	s21 =	sadd.s32 $0x1E000, s11;
	[dreg:$0x5] =	wrdreg s20  }
0x3e: {  	s22 =	sadd.s32 $0x1B800, s11;
	[dreg:$0x6] =	wrdreg s21  }
0x3f: {  	s23 =	sadd.s32 $0x19000, s11;
	[dreg:$0x7] =	wrdreg s22  }
0x40: {  	s24 =	sadd.s32 $0x16800, s11;
	[dreg:$0x8] =	wrdreg s23  }
0x41: {  	s25 =	sadd.s32 $0x14000, s11;
	[dreg:$0x9] =	wrdreg s24  }
0x42: {  	s26 =	sadd.s32 $0x11800, s11;
	[dreg:$0xa] =	wrdreg s25  }
0x43: {  	s12 =	sadd.s32 $0xF000, s11;
	[dreg:$0xb] =	wrdreg s26  }
0x44: {  	s17 =	ssub.s32 $0x2, s7;
	s13 =	sadd.s32 $0xC800, s11;
	[dreg:$0xc] =	wrdreg s12  }
0x45: {  	s10 =	sshrl.u32 s17, $0x1;
	s11 =	sadd.s32 $0xA000, s11;
	[dreg:$0xd] =	wrdreg s13  }
0x46: {  	s10 =	ssub.s32 s17, s10;
	[dreg:$0xe] =	wrdreg s11  }
0x47: {  	s20 =	smax.u32 s10, $0x1;
	s10 =	sld [smem:$0x7F2]  }
0x48: {  	s7 =	smul.u32 $0x28000, s7;
	s8 =	sadd.s32 s5, s4;
	s11 =	sld [smem:$0x7F3]  }
0x49: {  	s5 =	sadd.s32 $0x2200, s8;
	s6 =	sadd.s32 $0xC200, s8;
	s14 =	sld [smem:$0x7F5]  }
0x4a: {  	s8 =	sadd.s32 $0x8C000, s1;
	p0 =	por p0, p2;
	s15 =	sld [smem:$0x7F6]  }
0x4b: {  	p1 =	por p4, p2;
	p2 =	por p3, p2;
	s16 =	sld [smem:$0x7F7]  }
0x4c: {  	p3 =	sne.s32 s0, $0x0;
	p4 =	sgt.s32 s0, $0x7;
	s17 =	sld [smem:$0x7F8]  }
0x4d: {  	s0 =	sadd.s32 $0x28000, s1;
	s3 =	sadd.s32 $0x3EA00, s4;
	s18 =	sld [smem:$0x7F9]  }
0x4e: {  	s4 =	sadd.s32 $0x16A00, s4;
	s12 =	sadd.s32 $0x78000, s1;
	s21 =	sld [smem:$0x7FA]  }
0x4f: {  	s13 =	sadd.s32 $0x64000, s1;
	s19 =	sadd.s32 s9, s7;
	s22 =	sld [smem:$0x7FB]  }
0x50: {  	s7 =	sadd.s32 $0x50000, s1;
	s23 =	sld [smem:$0x7FC];
	p5 =	seq.s32 s10, $0x1  }
0x51: {  	s24 =	sld [smem:$0x7FD];
	s10 =	sadd.s32 $0xB4000, s1;
	s9 =	sshrl.u32 @!p5 s12, $0x3  }
0x52: {  	p5 =	seq.s32 s11, $0x1;
	s12 =	sld [smem:$0x7F4];
	s10 =	sshrl.u32 @!p2 s10, $0x3  }
0x53: {  	s11 =	sadd.s32 $0x7800, s19;
	[dreg:$0xf] =	wrdreg s9;
	s8 =	sshrl.u32 @!p5 s8, $0x3  }
0x54: {  	s9 =	sadd.s32 $0xA0000, s1;
	[dreg:$0x10] =	wrdreg s8;
	s8 =	sadd.s32 $0xDC000, s1  }
0x55: {  	s9 =	sshrl.u32 @!p1 s9, $0x3;
	p5 =	seq.s32 s12, $0x1;
	s8 =	sshrl.u32 @!p0 s8, $0x3  }
0x56: {  	s12 =	sadd.s32 $0x5000, s19;
	s7 =	sshrl.u32 @!p5 s7, $0x3;
	p5 =	seq.s32 s14, $0x1  }
0x57: {  	s14 =	simm.s32 $0x1;
	[dreg:$0x11] =	wrdreg s7;
	s7 =	sshrl.u32 @!p5 s13, $0x3  }
0x58: {  	p5 =	seq.s32 s15, $0x1;
	s13 =	sadd.s32 $0x2800, s19;
	[dreg:$0x12] =	wrdreg s7  }
0x59: {  	s25 =	sshrl.u32 @!p5 s0, $0x3;
	s0 =	sadd.s32 $0x3C000, s1;
	p5 =	seq.s32 s16, $0x1  }
0x5a: {  	s7 =	sadd.s32 $0x14000, s1;
	s26 =	sshrl.u32 @!p5 s0, $0x3;
	p5 =	seq.s32 s17, $0x1  }
0x5b: {  	s0 =	sadd.s32 $0x118000, s1;
	s28 =	sshrl.u32 @!p5 s7, $0x3;
	p5 =	seq.s32 s18, $0x1  }
0x5c: {  	s15 =	simm.s32 $0x2800;
	s16 =	simm.s32 $0x80;
	s29 =	sshrl.u32 @!p5 s0, $0x3  }
.Ltmp0:
0x5d: {  	s0 =	sadd.s32 $0x12C000, s1;
	p5 =	seq.s32 s21, $0x1;
	(pc) =	sbr.rel .LBB2_1-.Ltmp0, $4  }
0x5e: {  	s7 =	sadd.s32 $0xF0000, s1;
	s30 =	sshrl.u32 @!p5 s0, $0x3;
	p5 =	seq.s32 s22, $0x1  }
0x5f: {  	s0 =	sadd.s32 $0x104000, s1;
	s31 =	sshrl.u32 @!p5 s7, $0x3;
	p5 =	seq.s32 s23, $0x1  }
0x60: {  	s7 =	sadd.s32 $0xC8000, s1;
	s0 =	sshrl.u32 @!p5 s0, $0x3;
	p5 =	seq.s32 s24, $0x1  }
0x61: {  	s17 =	simm.s32 $0x5000;
	s18 =	simm.s32 $0x0;
	s7 =	sshrl.u32 @!p5 s7, $0x3  }
.LBB2_5:
0x62: {  	s21 =	sld [smem:$0x7F9];
	_ =	sdelay $0x2  }
0x63: {  	p5 =	seq.s32 s21, $0x1  }
0x64: {  	s22 =	rddreg [dreg:$0x4];
	s21 =	simm.s32 @!p5 $0x1F81  }
0x65: {  	[hbm:s22], [sflag:s21] =	dma.local @!p5 [spmem:s29], $0x2800  }
0x66: {  	s21 =	sld [smem:$0x7FA];
	_ =	sdelay $0x2  }
0x67: {  	p5 =	seq.s32 s21, $0x1  }
0x68: {  	s22 =	rddreg [dreg:$0x3];
	s21 =	simm.s32 @!p5 $0x1FC1  }
0x69: {  	[hbm:s22], [sflag:s21] =	dma.local @!p5 [spmem:s30], $0x2800  }
0x6a: {  	s21 =	sld [smem:$0x7FB];
	_ =	sdelay $0x2  }
0x6b: {  	p5 =	seq.s32 s21, $0x1  }
0x6c: {  	s22 =	rddreg [dreg:$0x6];
	s21 =	simm.s32 @!p5 $0x1F01  }
0x6d: {  	[hbm:s22], [sflag:s21] =	dma.local @!p5 [spmem:s31], $0x2800  }
0x6e: {  	s21 =	sld [smem:$0x7FC];
	_ =	sdelay $0x2  }
0x6f: {  	p5 =	seq.s32 s21, $0x1  }
0x70: {  	s22 =	rddreg [dreg:$0x5];
	s21 =	simm.s32 @!p5 $0x1F41  }
0x71: {  	[hbm:s22], [sflag:s21] =	dma.local @!p5 [spmem:s0], $0x2800  }
0x72: {  	s21 =	sld [smem:$0x7FD];
	_ =	sdelay $0x2  }
0x73: {  	p5 =	seq.s32 s21, $0x1  }
0x74: {  	s22 =	rddreg [dreg:$0x8];
	s21 =	simm.s32 @!p5 $0x1E81  }
0x75: {  	[hbm:s22], [sflag:s21] =	dma.local @!p5 [spmem:s7], $0x2800  }
0x76: {  	s21 =	simm.s32 @!p0 $0x1EC1;
	s22 =	rddreg [dreg:$0x7]  }
0x77: {  	[hbm:s22], [sflag:s21] =	dma.local @!p0 [spmem:s8], $0x2800  }
0x78: {  	s21 =	simm.s32 @!p1 $0x1E01;
	s22 =	rddreg [dreg:$0xa]  }
0x79: {  	[hbm:s22], [sflag:s21] =	dma.local @!p1 [spmem:s9], $0x2800  }
0x7a: {  	s21 =	simm.s32 @!p2 $0x1E41;
	s22 =	rddreg [dreg:$0x9]  }
0x7b: {  	[hbm:s22], [sflag:s21] =	dma.local @!p2 [spmem:s10], $0x2800  }
.LBB2_6:
0x7c: {  	s18 =	sadd.s32 $0x1, s18  }
0x7d: {  	p5 =	sne.s32 s18, s20  }
.Ltmp1:
0x7e: {  	_ = 	snop;
	(pc) =	sbr.rel @!p5 .LBB2_7-.Ltmp1, $4  }
0x7f: {  	_ = 	snop  }
0x80: {  	_ =	swait.ge [sflag:s14], $0x2800  }
0x81: {  	[sflag:s14] =	ssyncset.done $0x0  }
0x82: {  	[sflag:s14] =	ssyncadd.s32 $0xFFFFD800  }
.LBB2_1:
0x83: {  	[tilespmem:s2], [sflag:$0x1] =	stream.linear.gather [hbm4b:s5+s2], $0x2800, $0x38;
	[tilespmem:$0x1D000] =	vst v63  }
0x84: {  	_ =	swait.ge [sflag:s14], $0x2800  }
0x85: {  	[sflag:s14] =	ssyncset.done $0x0  }
0x86: {  	[sflag:s14] =	ssyncadd.s32 $0xFFFFD800  }
0x87: {  	[tilespmem:s15], [sflag:$0x1] =	stream.linear.gather [hbm4b:s6+s2], $0x2800, $0x38;
	[tilespmem:$0x1D000] =	vst v63  }
0x88: {  	_ =	swait.ge [sflag:s14], $0x2800  }
0x89: {  	[sflag:s14] =	ssyncset.done $0x0  }
0x8a: {  	s21 =	sshrl.u32 @!p3 s1, $0x3;
	s22 =	simm.s32 @!p3 $0x1C01;
	[sflag:s14] =	ssyncadd.s32 $0xFFFFD800  }
0x8b: {  	[spmem:s21], [sflag:s22] =	dma.local @!p3 [hbm:s4], $0x28000  }
0x8c: {  	s21 =	simm.s32 @!p3 $0x1  }
0x8d: {  	_ =	swait.ge @!p3 [sflag:s21], $0x28000  }
0x8e: {  	[sflag:s21] =	ssyncset.done @!p3 $0x0  }
0x8f: {  	[sflag:s21] =	ssyncadd.s32 @!p3 $0xFFFD8000  }
0x90: {  	s23 =	simm.s32 $0x0;
	[bflag:$0x0] =	sbarrier.arrive $0xFFFF  }
0x91: {  	[tilespmem:s17], [sflag:$0x1] =	stream.indirect.gather [hbm4b:s3+s16], $0x80, s23, s16, $0xb8;
	[tilespmem:$0x1D000] =	vst v63  }
0x92: {  	_ =	swait.ge [sflag:s14], $0x4000  }
0x93: {  	[sflag:s14] =	ssyncset.done $0x0  }
0x94: {  	s24 =	simm.s32 $0x2800;
	[sflag:s14] =	ssyncadd.s32 $0xFFFFC000  }
0x95: {  	[spmem:s1] =	stream.indirect.scatter.add.f32 [tilespmem:s17], [sflag:$0x1], $0x80, s24, s16, $0xb8;
	[tilespmem:$0x1D000] =	vst v63  }
0x96: {  	_ =	swait.ge [sflag:s14], $0x4000  }
0x97: {  	s22 =	simm.s32 $0x400;
	s21 =	simm.s32 $0x200;
	[sflag:s14] =	ssyncset.done $0x0  }
.LBB2_2:
0x98: {  	s23 =	sshra.s32 s21, $0x2  }
0x99: {  	[sflag:s14] =	ssyncadd.s32 $0xFFFFC000;
	s21 =	smov.u32 s22;
	s24 =	sadd.s32 $0x200, s22  }
0x9a: {  	[tilespmem:s17], [sflag:$0x1] =	stream.indirect.gather [hbm4b:s3+s16], $0x80, s23, s16, $0xb8;
	[tilespmem:$0x1D000] =	vst v63  }
0x9b: {  	p5 =	sne.s32 s22, $0x9E00;
	_ =	swait.ge [sflag:s14], $0x4000  }
.Ltmp2:
0x9c: {  	[sflag:s14] =	ssyncset.done $0x0;
	(pc) =	sbr.rel @p5 .LBB2_2-.Ltmp2, $4  }
0x9d: {  	s22 =	sadd.s32 $0x2800, s23;
	[sflag:s14] =	ssyncadd.s32 $0xFFFFC000  }
0x9e: {  	[spmem:s1] =	stream.indirect.scatter.add.f32 [tilespmem:s17], [sflag:$0x1], $0x80, s22, s16, $0xb8;
	[tilespmem:$0x1D000] =	vst v63  }
0x9f: {  	_ =	swait.ge [sflag:s14], $0x4000  }
0xa0: {  	s22 =	smov.u32 s24;
	[sflag:s14] =	ssyncset.done $0x0  }
0xa1: {  	s21 =	sshra.s32 s21, $0x2;
	[sflag:s14] =	ssyncadd.s32 $0xFFFFC000  }
0xa2: {  	[tilespmem:s17], [sflag:$0x1] =	stream.indirect.gather [hbm4b:s3+s16], $0x80, s21, s16, $0xb8;
	[tilespmem:$0x1D000] =	vst v63  }
0xa3: {  	_ =	swait.ge [sflag:s14], $0x4000  }
0xa4: {  	[sflag:s14] =	ssyncset.done $0x0  }
0xa5: {  	s21 =	sadd.s32 $0x2800, s21;
	[sflag:s14] =	ssyncadd.s32 $0xFFFFC000  }
0xa6: {  	[spmem:s1] =	stream.indirect.scatter.add.f32 [tilespmem:s17], [sflag:$0x1], $0x80, s21, s16, $0xb8;
	[tilespmem:$0x1D000] =	vst v63  }
.Ltmp3:
0xa7: {  	_ =	swait.ge [sflag:s14], $0x4000;
	(pc) =	sbr.rel @p4 .LBB2_5-.Ltmp3, $3  }
0xa8: {  	[sflag:s14] =	ssyncset.done $0x0  }
0xa9: {  	[sflag:s14] =	ssyncadd.s32 $0xFFFFC000  }
0xaa: {  	[bflag:$0x0] =	sbarrier.arrive $0xFFFF;
	_ =	sdelay $0x1  }
0xab: {  	s21 =	sld [smem:$0x7F2];
	_ =	sdelay $0x2  }
0xac: {  	s22 =	rddreg [dreg:$0xc];
	p5 =	seq.s32 s21, $0x1  }
0xad: {  	s23 =	rddreg [dreg:$0xf];
	s21 =	simm.s32 @!p5 $0x1D81  }
0xae: {  	[hbm:s22], [sflag:s21] =	dma.local @!p5 [spmem:s23], $0x2800  }
0xaf: {  	s21 =	sld [smem:$0x7F3];
	_ =	sdelay $0x2  }
0xb0: {  	s22 =	rddreg [dreg:$0xb];
	p5 =	seq.s32 s21, $0x1  }
0xb1: {  	s23 =	rddreg [dreg:$0x10];
	s21 =	simm.s32 @!p5 $0x1DC1  }
0xb2: {  	[hbm:s22], [sflag:s21] =	dma.local @!p5 [spmem:s23], $0x2800  }
0xb3: {  	s21 =	sld [smem:$0x7F4];
	_ =	sdelay $0x2  }
0xb4: {  	s22 =	rddreg [dreg:$0xe];
	p5 =	seq.s32 s21, $0x1  }
0xb5: {  	s23 =	rddreg [dreg:$0x11];
	s21 =	simm.s32 @!p5 $0x1D01  }
0xb6: {  	[hbm:s22], [sflag:s21] =	dma.local @!p5 [spmem:s23], $0x2800  }
0xb7: {  	s21 =	sld [smem:$0x7F5];
	_ =	sdelay $0x2  }
0xb8: {  	s22 =	rddreg [dreg:$0xd];
	p5 =	seq.s32 s21, $0x1  }
0xb9: {  	s23 =	rddreg [dreg:$0x12];
	s21 =	simm.s32 @!p5 $0x1D41  }
0xba: {  	[hbm:s22], [sflag:s21] =	dma.local @!p5 [spmem:s23], $0x2800  }
0xbb: {  	s21 =	sld [smem:$0x7F6];
	_ =	sdelay $0x2  }
0xbc: {  	p5 =	seq.s32 s21, $0x1  }
0xbd: {  	s21 =	simm.s32 @!p5 $0x1C81  }
0xbe: {  	[hbm:s12], [sflag:s21] =	dma.local @!p5 [spmem:s25], $0x2800  }
0xbf: {  	s21 =	sld [smem:$0x7F7];
	_ =	sdelay $0x2  }
0xc0: {  	p5 =	seq.s32 s21, $0x1  }
0xc1: {  	s21 =	simm.s32 @!p5 $0x1CC1  }
0xc2: {  	[hbm:s11], [sflag:s21] =	dma.local @!p5 [spmem:s26], $0x2800  }
0xc3: {  	s22 =	simm.s32 @!p6 $0x1C01;
	s21 =	sshrl.u32 @!p6 s1, $0x3  }
0xc4: {  	[hbm:s19], [sflag:s22] =	dma.local @!p6 [spmem:s21], $0x2800  }
0xc5: {  	s21 =	sld [smem:$0x7F8]  }
.Ltmp4:
0xc6: {  	_ = 	snop;
	(pc) =	sbr.rel .LBB2_6-.Ltmp4, $4  }
0xc7: {  	_ = 	snop  }
0xc8: {  	p5 =	seq.s32 s21, $0x1  }
0xc9: {  	s21 =	simm.s32 @!p5 $0x1C41  }
0xca: {  	[hbm:s13], [sflag:s21] =	dma.local @!p5 [spmem:s28], $0x2800  }
.LBB2_7:
0xcb: {  	_ =	sfence.sel $0x180000  }
0xcc: {  	[bflag:$0x0] =	sbarrier.arrive $0xFFFF  }
0xcd: {  	_ =	strace $0x9000004A  }
0xce: {  	[bflag:$0x2] =	sbarrier.arrive $0xFFFF  }
0xcf: {  	s0 =	rddreg [dreg:$0x2]  }
0xd0: {  	s0 =	sadd.s32 @!p3 $0x100000, s0  }
0xd1: {  	[sflag:s0] =	ssyncadd.tile.s32 @!p3 $0x1;
	_ =	shalt  }
.Lfunc_end2:
_tile_overlayer_lowered:
.L_overlay_start_2:
0xd2: {  	(tag) =	ssettag $0x2  }
0xd3: {  	s0 =	rddreg [dreg:$0x0];
	s2 =	stileid.u32  }
0xd4: {  	s1 =	rddreg [dreg:$0x1];
	p0 =	sne.s32 s2, $0x0  }
0xd5: {  	s3 =	rddreg [dreg:$0x2];
	[bflag:$0x3] =	sbarrier.arrive $0xFFFF;
	s2 =	simm.s32 @!p0 $0x1C01  }
0xd6: {  	[timem:s3], [sflag:s2] =	dma.local @!p0 [hbm:s0], s1  }
0xd7: {  	s0 =	simm.s32 @!p0 $0x1  }
0xd8: {  	_ =	swait.ge @!p0 [sflag:s0], s1  }
0xd9: {  	s1 =	ssub.s32 @!p0 $0x0, s1;
	[sflag:s0] =	ssyncset.done @!p0 $0x0  }
0xda: {  	[sflag:s0] =	ssyncadd.s32 @!p0 s1  }
0xdb: {  	[bflag:$0x3] =	sbarrier.arrive $0xFFFF  }
0xdc: {  	_ =	shalt  }

// kernel: kernel.15.cloned.1.call-start
scs
__scs_entry_jumppad:
0x0: {  	(pc) =	sbr.rel $0x88, $3  }
0x1: {  	(tag) =	ssettag $0x0;
	lr =	simm.s32 $0x1  }
0x2: {  	[smem:$0x3F99] =	sst lr;
	_ =	strace $0xD0000000  }
0x3: {  	_ = 	snop  }
0x4: {  	_ = 	snop  }
0x5: {  	_ = 	snop  }
0x6: {  	_ = 	snop  }
0x7: {  	_ = 	snop  }
__scs_overlays_trampoline_lowered:
0x8: {  	[smem:$0x3FA8] =	sst s0  }
0x9: {  	[smem:$0x3FA9] =	sst s1  }
0xa: {  	[smem:$0x3FAA] =	sst s2  }
0xb: {  	[smem:$0x3FAB] =	sst s3  }
0xc: {  	[smem:$0x3FAC] =	sst s4  }
0xd: {  	[smem:$0x3FAD] =	sst s5  }
0xe: {  	[smem:$0x3FAE] =	sst s6  }
0xf: {  	[smem:$0x3FAF] =	sst s7  }
0x10: {  	[smem:$0x3FB0] =	sst s8  }
0x11: {  	[smem:$0x3FB1] =	sst s9;
	s0 =	simm.s32 @!p0 $0x0  }
0x12: {  	s1 =	sld [smem:$0x3F97];
	s0 =	simm.s32 @p0 $0x1  }
0x13: {  	[smem:$0x3FB2] =	sst s0;
	s0 =	simm.s32 @!p1 $0x0  }
0x14: {  	s2 =	sld [smem:$0x3F96];
	s0 =	simm.s32 @p1 $0x1  }
0x15: {  	[smem:$0x3FB3] =	sst s0;
	s0 =	simm.s32 @!p2 $0x0  }
0x16: {  	s3 =	sld [smem:$0x3FDB];
	s0 =	simm.s32 @p2 $0x1  }
0x17: {  	s4 =	simm.s32 $0x1BF5;
	[smem:$0x3FB5] =	sst s0  }
0x18: {  	s0 =	sld [smem:$0x3F98];
	_ =	swait.ge [sflag:s4], $0x0  }
0x19: {  	s7 =	sld [smem:$0x3F99]  }
0x1a: {  	s8 =	sadd.s32 $0xFFFFE003, lr  }
0x1b: {  	s9 =	sadd.s32 $0xFFFFFEF7, lr;
	s5 =	simm.s32 $0xFFFFFFFF;
	p2 =	slt.u32 s8, $0xFFFFF086  }
0x1c: {  	p1 =	slt.u32 s9, $0xF7A;
	s5 =	simm.s32 @!p2 $0x0  }
0x1d: {  	s5 =	simm.s32 @p1 $0x1;
	p0 =	seq.s32 s7, s2  }
0x1e: {  	s7 =	smul.u32 @!p0 $0xF7A, s2;
	p2 =	seq.s32 @!p0 s5, $0x0  }
0x1f: {  	s9 =	smul.u32 $0xF7A, s1;
	s8 =	simm.s32 @!p0 $0x1BF5;
	p2 =	por !p2, p0  }
0x20: {  	[sflag:s8] =	ssyncset.s32 @!p0 $0xFFFFF086;
	s6 =	sadd.s32 @!p0 s3, s7;
	s7 =	simm.s32 @!p0 $0x108  }
0x21: {  	s3 =	sadd.s32 s3, s9;
	s6 =	sadd.s32 @!p0 $0x88, s6;
	s7 =	simm.s32 @p2 $0x1082  }
0x22: {  	[simem:s7], [sflag:s8] =	dma.local @!p0 [hbm:s6], $0xF7A  }
0x23: {  	s9 =	sor.u32 $0xD0000000, s2;
	s6 =	simm.s32 $0x108;
	_ =	swait.ge @!p0 [sflag:s8], $0x0  }
0x24: {  	s3 =	sadd.s32 $0x88, s3;
	s6 =	simm.s32 @!p1 $0x1082;
	[sflag:s4] =	ssyncset.s32 $0xFFFFF086  }
0x25: {  	[simem:s6], [sflag:s4] =	dma.local [hbm:s3], $0xF7A  }
0x26: {  	[smem:$0x3F99] =	sst s1;
	(tag) =	ssettag s2;
	_ =	strace s9  }
0x27: {  	s1 =	sld [smem:$0x3FA9]  }
0x28: {  	s2 =	sld [smem:$0x3FAA]  }
0x29: {  	s4 =	sld [smem:$0x3FAC]  }
0x2a: {  	p0 =	seq.s32 s5, $0x0;
	s5 =	sld [smem:$0x3FAD]  }
0x2b: {  	s6 =	sld [smem:$0x3FAE]  }
0x2c: {  	s7 =	sld [smem:$0x3FAF]  }
0x2d: {  	s3 =	simm.s32 $0x108;
	s8 =	sld [smem:$0x3FB0]  }
0x2e: {  	s3 =	simm.s32 @!p0 $0x1082;
	s9 =	sld [smem:$0x3FB1]  }
0x2f: {  	lr =	sadd.s32 s0, s3;
	s0 =	sld [smem:$0x3FA8]  }
0x30: {  	s3 =	sld [smem:$0x3FAB]  }
0x31: {  	[smem:$0x3FB4] =	sst s10  }
0x32: {  	s10 =	sld [smem:$0x3FB2];
	_ =	sdelay $0x3  }
0x33: {  	p0 =	seq.s32 s10, $0x1;
	s10 =	sld [smem:$0x3FB4];
	_ =	sdelay $0x3  }
0x34: {  	[smem:$0x3FB4] =	sst s10  }
0x35: {  	s10 =	sld [smem:$0x3FB3];
	_ =	sdelay $0x3  }
0x36: {  	p1 =	seq.s32 s10, $0x1;
	s10 =	sld [smem:$0x3FB4];
	_ =	sdelay $0x3  }
0x37: {  	[smem:$0x3FB4] =	sst s10  }
0x38: {  	s10 =	sld [smem:$0x3FB5]  }
0x39: {  	_ = 	snop;
	(pc) =	sbr.ind lr, $3  }
0x3a: {  	_ = 	snop  }
0x3b: {  	_ = 	snop  }
0x3c: {  	p2 =	seq.s32 s10, $0x1;
	s10 =	sld [smem:$0x3FB4]  }
0x3d: {  	_ =	shalt  }
0x3e: {  	_ =	shalt  }
0x3f: {  	_ =	shalt  }
0x40: {  	_ =	shalt  }
0x41: {  	_ =	shalt  }
0x42: {  	_ =	shalt  }
0x43: {  	_ =	shalt  }
0x44: {  	_ =	shalt  }
0x45: {  	_ =	shalt  }
0x46: {  	_ =	shalt  }
0x47: {  	_ =	shalt  }
0x48: {  	_ =	shalt  }
0x49: {  	_ =	shalt  }
0x4a: {  	_ =	shalt  }
0x4b: {  	_ =	shalt  }
0x4c: {  	_ =	shalt  }
0x4d: {  	_ =	shalt  }
0x4e: {  	_ =	shalt  }
0x4f: {  	_ =	shalt  }
0x50: {  	_ =	shalt  }
0x51: {  	_ =	shalt  }
0x52: {  	_ =	shalt  }
0x53: {  	_ =	shalt  }
0x54: {  	_ =	shalt  }
0x55: {  	_ =	shalt  }
0x56: {  	_ =	shalt  }
0x57: {  	_ =	shalt  }
0x58: {  	_ =	shalt  }
0x59: {  	_ =	shalt  }
0x5a: {  	_ =	shalt  }
0x5b: {  	_ =	shalt  }
0x5c: {  	_ =	shalt  }
0x5d: {  	_ =	shalt  }
0x5e: {  	_ =	shalt  }
0x5f: {  	_ =	shalt  }
0x60: {  	_ =	shalt  }
0x61: {  	_ =	shalt  }
0x62: {  	_ =	shalt  }
0x63: {  	_ =	shalt  }
0x64: {  	_ =	shalt  }
0x65: {  	_ =	shalt  }
0x66: {  	_ =	shalt  }
0x67: {  	_ =	shalt  }
0x68: {  	_ =	shalt  }
0x69: {  	_ =	shalt  }
0x6a: {  	_ =	shalt  }
0x6b: {  	_ =	shalt  }
0x6c: {  	_ =	shalt  }
0x6d: {  	_ =	shalt  }
0x6e: {  	_ =	shalt  }
0x6f: {  	_ =	shalt  }
0x70: {  	_ =	shalt  }
0x71: {  	_ =	shalt  }
0x72: {  	_ =	shalt  }
0x73: {  	_ =	shalt  }
0x74: {  	_ =	shalt  }
0x75: {  	_ =	shalt  }
0x76: {  	_ =	shalt  }
0x77: {  	_ =	shalt  }
0x78: {  	_ =	shalt  }
0x79: {  	_ =	shalt  }
0x7a: {  	_ =	shalt  }
0x7b: {  	_ =	shalt  }
0x7c: {  	_ =	shalt  }
0x7d: {  	_ =	shalt  }
0x7e: {  	_ =	shalt  }
0x7f: {  	_ =	shalt  }
0x80: {  	_ =	shalt  }
0x81: {  	_ =	shalt  }
0x82: {  	_ =	shalt  }
0x83: {  	_ =	shalt  }
0x84: {  	_ =	shalt  }
0x85: {  	_ =	shalt  }
0x86: {  	_ =	shalt  }
0x87: {  	_ =	shalt  }
.Lfunc_end0:
.L_simem_size_0:
called_computation.2_lowered:
.L_overlay_start_0:
0x88: {  	s2 =	sld [smem:$0x3FD9]  }
0x89: {  	s3 =	sld [smem:$0x3FFE];
	_ =	sdelay $0x1  }
0x8a: {  	s1 =	srdreg.scid  }
0x8b: {  	s0 =	sand.u32 $0x1, s1  }
0x8c: {  	s16 =	sshll.u32 s0, $0xA;
	s2 =	sadd.s32 s3, s2  }
0x8d: {  	s2 =	sadd.s32 s2, s16  }
0x8e: {  	[smem:$0x3FC0] =	sst s2  }
0x8f: {  	_ = 	snop  }
0x90: {  	(tm) =	ssettm $0x1  }
0x91: {  	s17 =	sld [smem:$0x3FFB];
	_ =	sdelay $0x3  }
0x92: {  	_ =	strace s17  }
0x93: {  	s2 =	sld [smem:$0x3FFC];
	_ =	sdelay $0x3  }
0x94: {  	_ =	strace s2  }
0x95: {  	s2 =	sld [smem:$0x3FFD];
	_ =	sdelay $0x3  }
0x96: {  	_ =	strace s2  }
0x97: {  	_ =	strace $0x8FFFFFFF  }
0x98: {  	s18 =	sld [smem:$0x3FDB];
	_ =	sdelay $0x1  }
0x99: {  	s19 =	simm.s32 $_scs_section_size  }
0x9a: {  	s4 =	simm.s32 $_size__tile_overlayer_lowered;
	s5 =	simm.s32 $_tile_overlayer_lowered  }
0x9b: {  	s22 =	simm.s32 $0x1BFF;
	s21 =	sshll.u32 s5, $0x1;
	s2 =	sadd.s32 s19, s18  }
0x9c: {  	s6 =	simm.s32 $0x0;
	s20 =	sshll.u32 s4, $0x1;
	s4 =	sadd.s32 s21, s2  }
0x9d: {  	[timem:s6], [sflag:s22] =	dma.local [hbm:s4], s20  }
0x9e: {  	_ =	swait.ge [sflag:s22], s20  }
0x9f: {  	s3 =	ssub.s32 $0x0, s20;
	[sflag:s22] =	ssyncset.done $0x0  }
0xa0: {  	[sflag:s22] =	ssyncadd.s32 s3;
	_ =	sdelay $0x1  }
0xa1: {  	s23 =	simm.s32 $0x1B8B  }
0xa2: {  	_ =	swait.ge [sflag:s23], $0x1  }
0xa3: {  	[sflag:s23] =	ssyncset.done $0x0  }
0xa4: {  	s25 =	simm.s32 $0x1B8E;
	s24 =	sld [smem:$0x3FFE];
	[sflag:s23] =	ssyncadd.s32 $0xFFFFFFFF  }
0xa5: {  	s26 =	simm.s32 $execute0_lowered;
	[smem:$0x3FD2] =	sst s25  }
0xa6: {  	s4 =	sshll.u32 s26, $0x1;
	_ =	strace $0x8000004C;
	[dreg:$0x1] =	wrdreg $0xFFFFFFFF  }
0xa7: {  	s28 =	simm.s32 $_size_execute0_lowered;
	s2 =	sadd.s32 s2, s4;
	[dreg:$0x0] =	wrdreg $0x0  }
0xa8: {  	s4 =	sshll.u32 s28, $0x1;
	[dreg:$0x2] =	wrdreg s2  }
0xa9: {  	[dreg:$0x3] =	wrdreg s4  }
0xaa: {  	[dreg:$0x4] =	wrdreg $0xC0  }
0xab: {  	_ =	task [dreg:s6], $0x5FFFF  }
0xac: {  	[dreg:$0x1] =	wrdreg $0xFFFFFFFF  }
0xad: {  	[dreg:$0x0] =	wrdreg $0x60  }
0xae: {  	[dreg:$0x2] =	wrdreg s24  }
0xaf: {  	[dreg:$0x3] =	wrdreg $0x90000  }
0xb0: {  	[dreg:$0x4] =	wrdreg $0x9  }
0xb1: {  	_ =	task.clear_ibuf [dreg:s6], $0x5FFFF;
	_ =	strace $0x9000004C  }
0xb2: {  	s29 =	simm.s32 $0x9;
	_ =	strace $0x8000004E  }
0xb3: {  	_ =	swait.ge [sflag:s29], $0x1  }
0xb4: {  	[sflag:s29] =	ssyncadd.s32 $0xFFFFFFFF  }
0xb5: {  	_ =	strace $0x9000004E  }
0xb6: {  	_ =	sfence  }
0xb7: {  	s30 =	sld [smem:$0x0];
	_ =	sdelay $0x2  }
0xb8: {  	s31 =	sshll.u32 s1, $0xD;
	s1 =	sshrl.u32 s1, $0x2  }
0xb9: {  	s3 =	sand.u32 $0x4000, s31;
	s1 =	sadd.s32 s1, s30  }
0xba: {  	s0 =	sor.u32 s3, s0;
	s1 =	sshll.u32 s1, $0x11  }
0xbb: {  	s0 =	sor.u32 s1, s0  }
0xbc: {  	s0 =	sadd.s32 $0x8F2B, s0  }
0xbd: {  	[sflag:s0] =	ssyncadd.remote.s32 $0x1  }
0xbe: {  	_ =	sfence.sel $0xFFFF  }
0xbf: {  	[dreg:$0x0] =	wrdreg $0xFFFFFFFF;
	(pc) =	sbr.abs _section_cstart, $3  }
0xc0: {  	[dreg:$0x1] =	wrdreg $0xFFFFFFFF  }
0xc1: {  	_ =	task.clear_ibuf [dreg:s6], $0x2FFFF;
	_ =	strace $0x9FFFFFFF  }
0xc2: {  	(tm) =	ssettm $0x7FFFFFFF  }
0xc3: {  	_ =	shalt  }
tec
execute0_lowered:
.L_overlay_start_1:
0x0: {  	(tag) =	ssettag $0x1  }
0x1: {  	s0 =	stileid.u32  }
0x2: {  	p0 =	sgt.s32 s0, $0x3  }
0x3: {  	p2 =	sgt.s32 @p0 s0, $0x5  }
0x4: {  	p1 =	por !p2, !p0  }
0x5: {  	p3 =	seq.s32 @!p1 s0, $0x6  }
0x6: {  	p4 =	por p2, !p0;
	p1 =	por @p0 !p3, !p2  }
0x7: {  	p5 =	sgt.s32 @!p0 s0, $0x1;
	p4 =	seq.s32 @!p4 s0, $0x4;
	s1 =	simm.s32 @!p1 $0x0  }
0x8: {  	s1 =	simm.s32 @p1 $0x1;
	p1 =	por @p0 p3, !p2;
	p3 =	por p5, p0  }
0x9: {  	[smem:$0x7EB] =	sst s1;
	s1 =	simm.s32 @!p1 $0x0;
	p3 =	seq.s32 @!p3 s0, $0x0  }
0xa: {  	s1 =	simm.s32 @p1 $0x1;
	p1 =	por @p0 !p4, p2;
	s9 =	sld [smem:$0x7EB]  }
0xb: {  	p2 =	por @p0 p4, p2;
	[smem:$0x7EC] =	sst s1;
	s1 =	simm.s32 @!p1 $0x0  }
0xc: {  	p6 =	por @!p0 !p3, p5;
	s1 =	simm.s32 @p1 $0x1;
	p1 =	por !p5, p0  }
0xd: {  	p3 =	por @!p0 p3, p5;
	s10 =	sld [smem:$0x7EC];
	p1 =	seq.s32 @!p1 s0, $0x2  }
0xe: {  	p4 =	por @!p0 !p1, !p5;
	p1 =	por @!p0 p1, !p5;
	p5 =	seq.s32 s9, $0x1  }
0xf: {  	p5 =	por p5, !p0  }
0x10: {  	[smem:$0x7ED] =	sst s1;
	s1 =	simm.s32 @!p5 $0x0  }
0x11: {  	s11 =	sld [smem:$0x7ED];
	s1 =	simm.s32 @p5 $0x1;
	p5 =	seq.s32 s10, $0x1  }
0x12: {  	p5 =	por p5, !p0  }
0x13: {  	[smem:$0x7F2] =	sst s1;
	s1 =	simm.s32 @!p5 $0x0  }
0x14: {  	s1 =	simm.s32 @p5 $0x1;
	p5 =	seq.s32 s11, $0x1  }
0x15: {  	p5 =	por p5, !p0  }
0x16: {  	[smem:$0x7F3] =	sst s1;
	s1 =	simm.s32 @!p5 $0x0  }
0x17: {  	p2 =	por p2, !p0;
	s1 =	simm.s32 @p5 $0x1  }
0x18: {  	[smem:$0x7F4] =	sst s1;
	s1 =	simm.s32 @!p2 $0x0  }
0x19: {  	p4 =	por p4, p0;
	s1 =	simm.s32 @p2 $0x1  }
0x1a: {  	[smem:$0x7F5] =	sst s1;
	s1 =	simm.s32 @!p4 $0x0  }
0x1b: {  	p6 =	por p6, p0;
	p1 =	por p1, p0;
	s1 =	simm.s32 @p4 $0x1  }
0x1c: {  	p2 =	sgt.s32 s0, $0xB;
	[smem:$0x7F6] =	sst s1;
	s1 =	simm.s32 @!p1 $0x0  }
0x1d: {  	p0 =	por p3, p0;
	s1 =	simm.s32 @p1 $0x1;
	p1 =	sgt.s32 @p2 s0, $0xD  }
0x1e: {  	[smem:$0x7F7] =	sst s1;
	p4 =	por !p1, !p2;
	s1 =	simm.s32 @!p0 $0x0  }
0x1f: {  	s1 =	simm.s32 @p0 $0x1;
	p0 =	seq.s32 @!p4 s0, $0xE  }
0x20: {  	p4 =	por @p2 !p0, !p1  }
0x21: {  	[smem:$0x7F8] =	sst s1;
	s1 =	simm.s32 @!p4 $0x0  }
0x22: {  	p5 =	por p1, !p2;
	p0 =	por @p2 p0, !p1;
	s1 =	simm.s32 @p4 $0x1  }
0x23: {  	p3 =	seq.s32 @!p5 s0, $0xC;
	[smem:$0x7EE] =	sst s1;
	s1 =	simm.s32 @!p0 $0x0  }
0x24: {  	s12 =	srdreg.scid;
	s1 =	simm.s32 @p0 $0x1;
	p0 =	por @p2 !p3, p1  }
0x25: {  	s7 =	sand.u32 $0x1, s12;
	[smem:$0x7EF] =	sst s1;
	s1 =	simm.s32 @!p0 $0x0  }
0x26: {  	s13 =	sld [smem:$0x7EE];
	s1 =	simm.s32 @p0 $0x1;
	p0 =	por @p2 p3, p1  }
0x27: {  	p3 =	sgt.s32 @!p2 s0, $0x9;
	[smem:$0x7F0] =	sst s1;
	s1 =	simm.s32 @!p0 $0x0  }
0x28: {  	p1 =	por p3, p2;
	s1 =	simm.s32 @p0 $0x1;
	p0 =	por !p3, p2  }
0x29: {  	s3 =	sshll.u32 s7, $0x4;
	p1 =	seq.s32 @!p1 s0, $0x8;
	p0 =	seq.s32 @!p0 s0, $0xA  }
0x2a: {  	s14 =	sld [smem:$0x7EF];
	p4 =	por @!p2 !p1, p3;
	p5 =	por @!p2 !p0, !p3  }
0x2b: {  	p0 =	por @!p2 p0, !p3;
	p3 =	por @!p2 p1, p3;
	p1 =	seq.s32 s13, $0x1  }
0x2c: {  	s3 =	sor.u32 s0, s3;
	p1 =	por p1, !p2  }
0x2d: {  	s5 =	smul.u32 $0x500, s3;
	s3 =	simm.s32 @!p1 $0x0  }
0x2e: {  	s15 =	sld [smem:$0x7F0];
	s3 =	simm.s32 @p1 $0x1;
	p1 =	seq.s32 s14, $0x1  }
0x2f: {  	[smem:$0x7F1] =	sst s1;
	p1 =	por p1, !p2  }
0x30: {  	[smem:$0x7F9] =	sst s3;
	s3 =	simm.s32 @!p1 $0x0  }
0x31: {  	s16 =	sld [smem:$0x7F1];
	s3 =	simm.s32 @p1 $0x1;
	p1 =	seq.s32 s15, $0x1  }
0x32: {  	s4 =	rddreg [dreg:$0x0];
	p1 =	por p1, !p2  }
0x33: {  	[smem:$0x7FA] =	sst s3;
	s3 =	simm.s32 @!p1 $0x0  }
0x34: {  	s2 =	simm.s32 $0x0;
	s3 =	simm.s32 @p1 $0x1;
	p1 =	seq.s32 s16, $0x1  }
0x35: {  	[smem:$0x7FF] =	sst s2;
	s6 =	smul.u32 $0x140000, s7;
	p1 =	por p1, !p2  }
0x36: {  	[smem:$0x7FB] =	sst s3;
	s3 =	simm.s32 @!p1 $0x0  }
0x37: {  	s6 =	sshrl.u32 s6, $0x3;
	s3 =	simm.s32 @p1 $0x1;
	p1 =	por p5, p2  }
0x38: {  	s9 =	sadd.s32 $0x66A00, s4;
	[smem:$0x7FC] =	sst s3;
	s3 =	simm.s32 @!p1 $0x0  }
0x39: {  	s11 =	sadd.s32 s9, s6;
	s1 =	rddreg [dreg:$0x1];
	s3 =	simm.s32 @p1 $0x1  }
0x3a: {  	s18 =	sadd.s32 $0x25800, s11;
	[smem:$0x7FD] =	sst s3  }
0x3b: {  	s19 =	sadd.s32 $0x23000, s11;
	_ =	strace $0x8000004D;
	[dreg:$0x3] =	wrdreg s18  }
0x3c: {  	s20 =	sadd.s32 $0x20800, s11;
	[dreg:$0x4] =	wrdreg s19  }
0x3d: {  	s21 =	sadd.s32 $0x1E000, s11;
	[dreg:$0x5] =	wrdreg s20  }
0x3e: {  	s22 =	sadd.s32 $0x1B800, s11;
	[dreg:$0x6] =	wrdreg s21  }
0x3f: {  	s23 =	sadd.s32 $0x19000, s11;
	[dreg:$0x7] =	wrdreg s22  }
0x40: {  	s24 =	sadd.s32 $0x16800, s11;
	[dreg:$0x8] =	wrdreg s23  }
0x41: {  	s25 =	sadd.s32 $0x14000, s11;
	[dreg:$0x9] =	wrdreg s24  }
0x42: {  	s26 =	sadd.s32 $0x11800, s11;
	[dreg:$0xa] =	wrdreg s25  }
0x43: {  	s12 =	sadd.s32 $0xF000, s11;
	[dreg:$0xb] =	wrdreg s26  }
0x44: {  	s17 =	ssub.s32 $0x2, s7;
	s13 =	sadd.s32 $0xC800, s11;
	[dreg:$0xc] =	wrdreg s12  }
0x45: {  	s10 =	sshrl.u32 s17, $0x1;
	s11 =	sadd.s32 $0xA000, s11;
	[dreg:$0xd] =	wrdreg s13  }
0x46: {  	s10 =	ssub.s32 s17, s10;
	[dreg:$0xe] =	wrdreg s11  }
0x47: {  	s20 =	smax.u32 s10, $0x1;
	s10 =	sld [smem:$0x7F2]  }
0x48: {  	s7 =	smul.u32 $0x28000, s7;
	s8 =	sadd.s32 s5, s4;
	s11 =	sld [smem:$0x7F3]  }
0x49: {  	s5 =	sadd.s32 $0x2200, s8;
	s6 =	sadd.s32 $0xC200, s8;
	s14 =	sld [smem:$0x7F5]  }
0x4a: {  	s8 =	sadd.s32 $0x8C000, s1;
	p0 =	por p0, p2;
	s15 =	sld [smem:$0x7F6]  }
0x4b: {  	p1 =	por p4, p2;
	p2 =	por p3, p2;
	s16 =	sld [smem:$0x7F7]  }
0x4c: {  	p3 =	sne.s32 s0, $0x0;
	p4 =	sgt.s32 s0, $0x7;
	s17 =	sld [smem:$0x7F8]  }
0x4d: {  	s0 =	sadd.s32 $0x28000, s1;
	s3 =	sadd.s32 $0x3EA00, s4;
	s18 =	sld [smem:$0x7F9]  }
0x4e: {  	s4 =	sadd.s32 $0x16A00, s4;
	s12 =	sadd.s32 $0x78000, s1;
	s21 =	sld [smem:$0x7FA]  }
0x4f: {  	s13 =	sadd.s32 $0x64000, s1;
	s19 =	sadd.s32 s9, s7;
	s22 =	sld [smem:$0x7FB]  }
0x50: {  	s7 =	sadd.s32 $0x50000, s1;
	s23 =	sld [smem:$0x7FC];
	p5 =	seq.s32 s10, $0x1  }
0x51: {  	s24 =	sld [smem:$0x7FD];
	s10 =	sadd.s32 $0xB4000, s1;
	s9 =	sshrl.u32 @!p5 s12, $0x3  }
0x52: {  	p5 =	seq.s32 s11, $0x1;
	s12 =	sld [smem:$0x7F4];
	s10 =	sshrl.u32 @!p2 s10, $0x3  }
0x53: {  	s11 =	sadd.s32 $0x7800, s19;
	[dreg:$0xf] =	wrdreg s9;
	s8 =	sshrl.u32 @!p5 s8, $0x3  }
0x54: {  	s9 =	sadd.s32 $0xA0000, s1;
	[dreg:$0x10] =	wrdreg s8;
	s8 =	sadd.s32 $0xDC000, s1  }
0x55: {  	s9 =	sshrl.u32 @!p1 s9, $0x3;
	p5 =	seq.s32 s12, $0x1;
	s8 =	sshrl.u32 @!p0 s8, $0x3  }
0x56: {  	s12 =	sadd.s32 $0x5000, s19;
	s7 =	sshrl.u32 @!p5 s7, $0x3;
	p5 =	seq.s32 s14, $0x1  }
0x57: {  	s14 =	simm.s32 $0x1;
	[dreg:$0x11] =	wrdreg s7;
	s7 =	sshrl.u32 @!p5 s13, $0x3  }
0x58: {  	p5 =	seq.s32 s15, $0x1;
	s13 =	sadd.s32 $0x2800, s19;
	[dreg:$0x12] =	wrdreg s7  }
0x59: {  	s25 =	sshrl.u32 @!p5 s0, $0x3;
	s0 =	sadd.s32 $0x3C000, s1;
	p5 =	seq.s32 s16, $0x1  }
0x5a: {  	s7 =	sadd.s32 $0x14000, s1;
	s26 =	sshrl.u32 @!p5 s0, $0x3;
	p5 =	seq.s32 s17, $0x1  }
0x5b: {  	s0 =	sadd.s32 $0x118000, s1;
	s28 =	sshrl.u32 @!p5 s7, $0x3;
	p5 =	seq.s32 s18, $0x1  }
0x5c: {  	s15 =	simm.s32 $0x2800;
	s16 =	simm.s32 $0x80;
	s29 =	sshrl.u32 @!p5 s0, $0x3  }
.Ltmp0:
0x5d: {  	s0 =	sadd.s32 $0x12C000, s1;
	p5 =	seq.s32 s21, $0x1;
	(pc) =	sbr.rel .LBB2_1-.Ltmp0, $4  }
0x5e: {  	s7 =	sadd.s32 $0xF0000, s1;
	s30 =	sshrl.u32 @!p5 s0, $0x3;
	p5 =	seq.s32 s22, $0x1  }
0x5f: {  	s0 =	sadd.s32 $0x104000, s1;
	s31 =	sshrl.u32 @!p5 s7, $0x3;
	p5 =	seq.s32 s23, $0x1  }
0x60: {  	s7 =	sadd.s32 $0xC8000, s1;
	s0 =	sshrl.u32 @!p5 s0, $0x3;
	p5 =	seq.s32 s24, $0x1  }
0x61: {  	s17 =	simm.s32 $0x5000;
	s18 =	simm.s32 $0x0;
	s7 =	sshrl.u32 @!p5 s7, $0x3  }
.LBB2_5:
0x62: {  	s21 =	sld [smem:$0x7F9];
	_ =	sdelay $0x2  }
0x63: {  	p5 =	seq.s32 s21, $0x1  }
0x64: {  	s22 =	rddreg [dreg:$0x4];
	s21 =	simm.s32 @!p5 $0x1F81  }
0x65: {  	[hbm:s22], [sflag:s21] =	dma.local @!p5 [spmem:s29], $0x2800  }
0x66: {  	s21 =	sld [smem:$0x7FA];
	_ =	sdelay $0x2  }
0x67: {  	p5 =	seq.s32 s21, $0x1  }
0x68: {  	s22 =	rddreg [dreg:$0x3];
	s21 =	simm.s32 @!p5 $0x1FC1  }
0x69: {  	[hbm:s22], [sflag:s21] =	dma.local @!p5 [spmem:s30], $0x2800  }
0x6a: {  	s21 =	sld [smem:$0x7FB];
	_ =	sdelay $0x2  }
0x6b: {  	p5 =	seq.s32 s21, $0x1  }
0x6c: {  	s22 =	rddreg [dreg:$0x6];
	s21 =	simm.s32 @!p5 $0x1F01  }
0x6d: {  	[hbm:s22], [sflag:s21] =	dma.local @!p5 [spmem:s31], $0x2800  }
0x6e: {  	s21 =	sld [smem:$0x7FC];
	_ =	sdelay $0x2  }
0x6f: {  	p5 =	seq.s32 s21, $0x1  }
0x70: {  	s22 =	rddreg [dreg:$0x5];
	s21 =	simm.s32 @!p5 $0x1F41  }
0x71: {  	[hbm:s22], [sflag:s21] =	dma.local @!p5 [spmem:s0], $0x2800  }
0x72: {  	s21 =	sld [smem:$0x7FD];
	_ =	sdelay $0x2  }
0x73: {  	p5 =	seq.s32 s21, $0x1  }
0x74: {  	s22 =	rddreg [dreg:$0x8];
	s21 =	simm.s32 @!p5 $0x1E81  }
0x75: {  	[hbm:s22], [sflag:s21] =	dma.local @!p5 [spmem:s7], $0x2800  }
0x76: {  	s21 =	simm.s32 @!p0 $0x1EC1;
	s22 =	rddreg [dreg:$0x7]  }
0x77: {  	[hbm:s22], [sflag:s21] =	dma.local @!p0 [spmem:s8], $0x2800  }
0x78: {  	s21 =	simm.s32 @!p1 $0x1E01;
	s22 =	rddreg [dreg:$0xa]  }
0x79: {  	[hbm:s22], [sflag:s21] =	dma.local @!p1 [spmem:s9], $0x2800  }
0x7a: {  	s21 =	simm.s32 @!p2 $0x1E41;
	s22 =	rddreg [dreg:$0x9]  }
0x7b: {  	[hbm:s22], [sflag:s21] =	dma.local @!p2 [spmem:s10], $0x2800  }
.LBB2_6:
0x7c: {  	s18 =	sadd.s32 $0x1, s18  }
0x7d: {  	p5 =	sne.s32 s18, s20  }
.Ltmp1:
0x7e: {  	_ = 	snop;
	(pc) =	sbr.rel @!p5 .LBB2_7-.Ltmp1, $4  }
0x7f: {  	_ = 	snop  }
0x80: {  	_ =	swait.ge [sflag:s14], $0x2800  }
0x81: {  	[sflag:s14] =	ssyncset.done $0x0  }
0x82: {  	[sflag:s14] =	ssyncadd.s32 $0xFFFFD800  }
.LBB2_1:
0x83: {  	[tilespmem:s2], [sflag:$0x1] =	stream.linear.gather [hbm4b:s5+s2], $0x2800, $0x38;
	[tilespmem:$0x1D000] =	vst v63  }
0x84: {  	_ =	swait.ge [sflag:s14], $0x2800  }
0x85: {  	[sflag:s14] =	ssyncset.done $0x0  }
0x86: {  	[sflag:s14] =	ssyncadd.s32 $0xFFFFD800  }
0x87: {  	[tilespmem:s15], [sflag:$0x1] =	stream.linear.gather [hbm4b:s6+s2], $0x2800, $0x38;
	[tilespmem:$0x1D000] =	vst v63  }
0x88: {  	_ =	swait.ge [sflag:s14], $0x2800  }
0x89: {  	[sflag:s14] =	ssyncset.done $0x0  }
0x8a: {  	s21 =	sshrl.u32 @!p3 s1, $0x3;
	s22 =	simm.s32 @!p3 $0x1C01;
	[sflag:s14] =	ssyncadd.s32 $0xFFFFD800  }
0x8b: {  	[spmem:s21], [sflag:s22] =	dma.local @!p3 [hbm:s4], $0x28000  }
0x8c: {  	s21 =	simm.s32 @!p3 $0x1  }
0x8d: {  	_ =	swait.ge @!p3 [sflag:s21], $0x28000  }
0x8e: {  	[sflag:s21] =	ssyncset.done @!p3 $0x0  }
0x8f: {  	[sflag:s21] =	ssyncadd.s32 @!p3 $0xFFFD8000  }
0x90: {  	s23 =	simm.s32 $0x0;
	[bflag:$0x0] =	sbarrier.arrive $0xFFFF  }
0x91: {  	[tilespmem:s17], [sflag:$0x1] =	stream.indirect.gather [hbm4b:s3+s16], $0x80, s23, s16, $0xb8;
	[tilespmem:$0x1D000] =	vst v63  }
0x92: {  	_ =	swait.ge [sflag:s14], $0x4000  }
0x93: {  	[sflag:s14] =	ssyncset.done $0x0  }
0x94: {  	s24 =	simm.s32 $0x2800;
	[sflag:s14] =	ssyncadd.s32 $0xFFFFC000  }
0x95: {  	[spmem:s1] =	stream.indirect.scatter.add.f32 [tilespmem:s17], [sflag:$0x1], $0x80, s24, s16, $0xb8;
	[tilespmem:$0x1D000] =	vst v63  }
0x96: {  	_ =	swait.ge [sflag:s14], $0x4000  }
0x97: {  	s22 =	simm.s32 $0x400;
	s21 =	simm.s32 $0x200;
	[sflag:s14] =	ssyncset.done $0x0  }
.LBB2_2:
0x98: {  	s23 =	sshra.s32 s21, $0x2  }
0x99: {  	[sflag:s14] =	ssyncadd.s32 $0xFFFFC000;
	s21 =	smov.u32 s22;
	s24 =	sadd.s32 $0x200, s22  }
0x9a: {  	[tilespmem:s17], [sflag:$0x1] =	stream.indirect.gather [hbm4b:s3+s16], $0x80, s23, s16, $0xb8;
	[tilespmem:$0x1D000] =	vst v63  }
0x9b: {  	p5 =	sne.s32 s22, $0x9E00;
	_ =	swait.ge [sflag:s14], $0x4000  }
.Ltmp2:
0x9c: {  	[sflag:s14] =	ssyncset.done $0x0;
	(pc) =	sbr.rel @p5 .LBB2_2-.Ltmp2, $4  }
0x9d: {  	s22 =	sadd.s32 $0x2800, s23;
	[sflag:s14] =	ssyncadd.s32 $0xFFFFC000  }
0x9e: {  	[spmem:s1] =	stream.indirect.scatter.add.f32 [tilespmem:s17], [sflag:$0x1], $0x80, s22, s16, $0xb8;
	[tilespmem:$0x1D000] =	vst v63  }
0x9f: {  	_ =	swait.ge [sflag:s14], $0x4000  }
0xa0: {  	s22 =	smov.u32 s24;
	[sflag:s14] =	ssyncset.done $0x0  }
0xa1: {  	s21 =	sshra.s32 s21, $0x2;
	[sflag:s14] =	ssyncadd.s32 $0xFFFFC000  }
0xa2: {  	[tilespmem:s17], [sflag:$0x1] =	stream.indirect.gather [hbm4b:s3+s16], $0x80, s21, s16, $0xb8;
	[tilespmem:$0x1D000] =	vst v63  }
0xa3: {  	_ =	swait.ge [sflag:s14], $0x4000  }
0xa4: {  	[sflag:s14] =	ssyncset.done $0x0  }
0xa5: {  	s21 =	sadd.s32 $0x2800, s21;
	[sflag:s14] =	ssyncadd.s32 $0xFFFFC000  }
0xa6: {  	[spmem:s1] =	stream.indirect.scatter.add.f32 [tilespmem:s17], [sflag:$0x1], $0x80, s21, s16, $0xb8;
	[tilespmem:$0x1D000] =	vst v63  }
.Ltmp3:
0xa7: {  	_ =	swait.ge [sflag:s14], $0x4000;
	(pc) =	sbr.rel @p4 .LBB2_5-.Ltmp3, $3  }
0xa8: {  	[sflag:s14] =	ssyncset.done $0x0  }
0xa9: {  	[sflag:s14] =	ssyncadd.s32 $0xFFFFC000  }
0xaa: {  	[bflag:$0x0] =	sbarrier.arrive $0xFFFF;
	_ =	sdelay $0x1  }
0xab: {  	s21 =	sld [smem:$0x7F2];
	_ =	sdelay $0x2  }
0xac: {  	s22 =	rddreg [dreg:$0xc];
	p5 =	seq.s32 s21, $0x1  }
0xad: {  	s23 =	rddreg [dreg:$0xf];
	s21 =	simm.s32 @!p5 $0x1D81  }
0xae: {  	[hbm:s22], [sflag:s21] =	dma.local @!p5 [spmem:s23], $0x2800  }
0xaf: {  	s21 =	sld [smem:$0x7F3];
	_ =	sdelay $0x2  }
0xb0: {  	s22 =	rddreg [dreg:$0xb];
	p5 =	seq.s32 s21, $0x1  }
0xb1: {  	s23 =	rddreg [dreg:$0x10];
	s21 =	simm.s32 @!p5 $0x1DC1  }
0xb2: {  	[hbm:s22], [sflag:s21] =	dma.local @!p5 [spmem:s23], $0x2800  }
0xb3: {  	s21 =	sld [smem:$0x7F4];
	_ =	sdelay $0x2  }
0xb4: {  	s22 =	rddreg [dreg:$0xe];
	p5 =	seq.s32 s21, $0x1  }
0xb5: {  	s23 =	rddreg [dreg:$0x11];
	s21 =	simm.s32 @!p5 $0x1D01  }
0xb6: {  	[hbm:s22], [sflag:s21] =	dma.local @!p5 [spmem:s23], $0x2800  }
0xb7: {  	s21 =	sld [smem:$0x7F5];
	_ =	sdelay $0x2  }
0xb8: {  	s22 =	rddreg [dreg:$0xd];
	p5 =	seq.s32 s21, $0x1  }
0xb9: {  	s23 =	rddreg [dreg:$0x12];
	s21 =	simm.s32 @!p5 $0x1D41  }
0xba: {  	[hbm:s22], [sflag:s21] =	dma.local @!p5 [spmem:s23], $0x2800  }
0xbb: {  	s21 =	sld [smem:$0x7F6];
	_ =	sdelay $0x2  }
0xbc: {  	p5 =	seq.s32 s21, $0x1  }
0xbd: {  	s21 =	simm.s32 @!p5 $0x1C81  }
0xbe: {  	[hbm:s12], [sflag:s21] =	dma.local @!p5 [spmem:s25], $0x2800  }
0xbf: {  	s21 =	sld [smem:$0x7F7];
	_ =	sdelay $0x2  }
0xc0: {  	p5 =	seq.s32 s21, $0x1  }
0xc1: {  	s21 =	simm.s32 @!p5 $0x1CC1  }
0xc2: {  	[hbm:s11], [sflag:s21] =	dma.local @!p5 [spmem:s26], $0x2800  }
0xc3: {  	s22 =	simm.s32 @!p6 $0x1C01;
	s21 =	sshrl.u32 @!p6 s1, $0x3  }
0xc4: {  	[hbm:s19], [sflag:s22] =	dma.local @!p6 [spmem:s21], $0x2800  }
0xc5: {  	s21 =	sld [smem:$0x7F8]  }
.Ltmp4:
0xc6: {  	_ = 	snop;
	(pc) =	sbr.rel .LBB2_6-.Ltmp4, $4  }
0xc7: {  	_ = 	snop  }
0xc8: {  	p5 =	seq.s32 s21, $0x1  }
0xc9: {  	s21 =	simm.s32 @!p5 $0x1C41  }
0xca: {  	[hbm:s13], [sflag:s21] =	dma.local @!p5 [spmem:s28], $0x2800  }
.LBB2_7:
0xcb: {  	_ =	sfence.sel $0x180000  }
0xcc: {  	[bflag:$0x0] =	sbarrier.arrive $0xFFFF  }
0xcd: {  	_ =	strace $0x9000004D  }
0xce: {  	[bflag:$0x2] =	sbarrier.arrive $0xFFFF  }
0xcf: {  	s0 =	rddreg [dreg:$0x2]  }
0xd0: {  	s0 =	sadd.s32 @!p3 $0x100000, s0  }
0xd1: {  	[sflag:s0] =	ssyncadd.tile.s32 @!p3 $0x1;
	_ =	shalt  }
.Lfunc_end2:
_tile_overlayer_lowered:
.L_overlay_start_2:
0xd2: {  	(tag) =	ssettag $0x2  }
0xd3: {  	s0 =	rddreg [dreg:$0x0];
	s2 =	stileid.u32  }
0xd4: {  	s1 =	rddreg [dreg:$0x1];
	p0 =	sne.s32 s2, $0x0  }
0xd5: {  	s3 =	rddreg [dreg:$0x2];
	[bflag:$0x3] =	sbarrier.arrive $0xFFFF;
	s2 =	simm.s32 @!p0 $0x1C01  }
0xd6: {  	[timem:s3], [sflag:s2] =	dma.local @!p0 [hbm:s0], s1  }
0xd7: {  	s0 =	simm.s32 @!p0 $0x1  }
0xd8: {  	_ =	swait.ge @!p0 [sflag:s0], s1  }
0xd9: {  	s1 =	ssub.s32 @!p0 $0x0, s1;
	[sflag:s0] =	ssyncset.done @!p0 $0x0  }
0xda: {  	[sflag:s0] =	ssyncadd.s32 @!p0 s1  }
0xdb: {  	[bflag:$0x3] =	sbarrier.arrive $0xFFFF  }
0xdc: {  	_ =	shalt  }

// kernel: kernel.9.cloned.1.call-start
scs
__scs_entry_jumppad:
0x0: {  	(pc) =	sbr.rel $0x88, $3  }
0x1: {  	(tag) =	ssettag $0x0;
	lr =	simm.s32 $0x1  }
0x2: {  	[smem:$0x3F99] =	sst lr;
	_ =	strace $0xD0000000  }
0x3: {  	_ = 	snop  }
0x4: {  	_ = 	snop  }
0x5: {  	_ = 	snop  }
0x6: {  	_ = 	snop  }
0x7: {  	_ = 	snop  }
__scs_overlays_trampoline_lowered:
0x8: {  	[smem:$0x3FA8] =	sst s0  }
0x9: {  	[smem:$0x3FA9] =	sst s1  }
0xa: {  	[smem:$0x3FAA] =	sst s2  }
0xb: {  	[smem:$0x3FAB] =	sst s3  }
0xc: {  	[smem:$0x3FAC] =	sst s4  }
0xd: {  	[smem:$0x3FAD] =	sst s5  }
0xe: {  	[smem:$0x3FAE] =	sst s6  }
0xf: {  	[smem:$0x3FAF] =	sst s7  }
0x10: {  	[smem:$0x3FB0] =	sst s8  }
0x11: {  	[smem:$0x3FB1] =	sst s9;
	s0 =	simm.s32 @!p0 $0x0  }
0x12: {  	s1 =	sld [smem:$0x3F97];
	s0 =	simm.s32 @p0 $0x1  }
0x13: {  	[smem:$0x3FB2] =	sst s0;
	s0 =	simm.s32 @!p1 $0x0  }
0x14: {  	s2 =	sld [smem:$0x3F96];
	s0 =	simm.s32 @p1 $0x1  }
0x15: {  	[smem:$0x3FB3] =	sst s0;
	s0 =	simm.s32 @!p2 $0x0  }
0x16: {  	s3 =	sld [smem:$0x3FDB];
	s0 =	simm.s32 @p2 $0x1  }
0x17: {  	s4 =	simm.s32 $0x1BF5;
	[smem:$0x3FB5] =	sst s0  }
0x18: {  	s0 =	sld [smem:$0x3F98];
	_ =	swait.ge [sflag:s4], $0x0  }
0x19: {  	s7 =	sld [smem:$0x3F99]  }
0x1a: {  	s8 =	sadd.s32 $0xFFFFE003, lr  }
0x1b: {  	s9 =	sadd.s32 $0xFFFFFEF7, lr;
	s5 =	simm.s32 $0xFFFFFFFF;
	p2 =	slt.u32 s8, $0xFFFFF086  }
0x1c: {  	p1 =	slt.u32 s9, $0xF7A;
	s5 =	simm.s32 @!p2 $0x0  }
0x1d: {  	s5 =	simm.s32 @p1 $0x1;
	p0 =	seq.s32 s7, s2  }
0x1e: {  	s7 =	smul.u32 @!p0 $0xF7A, s2;
	p2 =	seq.s32 @!p0 s5, $0x0  }
0x1f: {  	s9 =	smul.u32 $0xF7A, s1;
	s8 =	simm.s32 @!p0 $0x1BF5;
	p2 =	por !p2, p0  }
0x20: {  	[sflag:s8] =	ssyncset.s32 @!p0 $0xFFFFF086;
	s6 =	sadd.s32 @!p0 s3, s7;
	s7 =	simm.s32 @!p0 $0x108  }
0x21: {  	s3 =	sadd.s32 s3, s9;
	s6 =	sadd.s32 @!p0 $0x88, s6;
	s7 =	simm.s32 @p2 $0x1082  }
0x22: {  	[simem:s7], [sflag:s8] =	dma.local @!p0 [hbm:s6], $0xF7A  }
0x23: {  	s9 =	sor.u32 $0xD0000000, s2;
	s6 =	simm.s32 $0x108;
	_ =	swait.ge @!p0 [sflag:s8], $0x0  }
0x24: {  	s3 =	sadd.s32 $0x88, s3;
	s6 =	simm.s32 @!p1 $0x1082;
	[sflag:s4] =	ssyncset.s32 $0xFFFFF086  }
0x25: {  	[simem:s6], [sflag:s4] =	dma.local [hbm:s3], $0xF7A  }
0x26: {  	[smem:$0x3F99] =	sst s1;
	(tag) =	ssettag s2;
	_ =	strace s9  }
0x27: {  	s1 =	sld [smem:$0x3FA9]  }
0x28: {  	s2 =	sld [smem:$0x3FAA]  }
0x29: {  	s4 =	sld [smem:$0x3FAC]  }
0x2a: {  	p0 =	seq.s32 s5, $0x0;
	s5 =	sld [smem:$0x3FAD]  }
0x2b: {  	s6 =	sld [smem:$0x3FAE]  }
0x2c: {  	s7 =	sld [smem:$0x3FAF]  }
0x2d: {  	s3 =	simm.s32 $0x108;
	s8 =	sld [smem:$0x3FB0]  }
0x2e: {  	s3 =	simm.s32 @!p0 $0x1082;
	s9 =	sld [smem:$0x3FB1]  }
0x2f: {  	lr =	sadd.s32 s0, s3;
	s0 =	sld [smem:$0x3FA8]  }
0x30: {  	s3 =	sld [smem:$0x3FAB]  }
0x31: {  	[smem:$0x3FB4] =	sst s10  }
0x32: {  	s10 =	sld [smem:$0x3FB2];
	_ =	sdelay $0x3  }
0x33: {  	p0 =	seq.s32 s10, $0x1;
	s10 =	sld [smem:$0x3FB4];
	_ =	sdelay $0x3  }
0x34: {  	[smem:$0x3FB4] =	sst s10  }
0x35: {  	s10 =	sld [smem:$0x3FB3];
	_ =	sdelay $0x3  }
0x36: {  	p1 =	seq.s32 s10, $0x1;
	s10 =	sld [smem:$0x3FB4];
	_ =	sdelay $0x3  }
0x37: {  	[smem:$0x3FB4] =	sst s10  }
0x38: {  	s10 =	sld [smem:$0x3FB5]  }
0x39: {  	_ = 	snop;
	(pc) =	sbr.ind lr, $3  }
0x3a: {  	_ = 	snop  }
0x3b: {  	_ = 	snop  }
0x3c: {  	p2 =	seq.s32 s10, $0x1;
	s10 =	sld [smem:$0x3FB4]  }
0x3d: {  	_ =	shalt  }
0x3e: {  	_ =	shalt  }
0x3f: {  	_ =	shalt  }
0x40: {  	_ =	shalt  }
0x41: {  	_ =	shalt  }
0x42: {  	_ =	shalt  }
0x43: {  	_ =	shalt  }
0x44: {  	_ =	shalt  }
0x45: {  	_ =	shalt  }
0x46: {  	_ =	shalt  }
0x47: {  	_ =	shalt  }
0x48: {  	_ =	shalt  }
0x49: {  	_ =	shalt  }
0x4a: {  	_ =	shalt  }
0x4b: {  	_ =	shalt  }
0x4c: {  	_ =	shalt  }
0x4d: {  	_ =	shalt  }
0x4e: {  	_ =	shalt  }
0x4f: {  	_ =	shalt  }
0x50: {  	_ =	shalt  }
0x51: {  	_ =	shalt  }
0x52: {  	_ =	shalt  }
0x53: {  	_ =	shalt  }
0x54: {  	_ =	shalt  }
0x55: {  	_ =	shalt  }
0x56: {  	_ =	shalt  }
0x57: {  	_ =	shalt  }
0x58: {  	_ =	shalt  }
0x59: {  	_ =	shalt  }
0x5a: {  	_ =	shalt  }
0x5b: {  	_ =	shalt  }
0x5c: {  	_ =	shalt  }
0x5d: {  	_ =	shalt  }
0x5e: {  	_ =	shalt  }
0x5f: {  	_ =	shalt  }
0x60: {  	_ =	shalt  }
0x61: {  	_ =	shalt  }
0x62: {  	_ =	shalt  }
0x63: {  	_ =	shalt  }
0x64: {  	_ =	shalt  }
0x65: {  	_ =	shalt  }
0x66: {  	_ =	shalt  }
0x67: {  	_ =	shalt  }
0x68: {  	_ =	shalt  }
0x69: {  	_ =	shalt  }
0x6a: {  	_ =	shalt  }
0x6b: {  	_ =	shalt  }
0x6c: {  	_ =	shalt  }
0x6d: {  	_ =	shalt  }
0x6e: {  	_ =	shalt  }
0x6f: {  	_ =	shalt  }
0x70: {  	_ =	shalt  }
0x71: {  	_ =	shalt  }
0x72: {  	_ =	shalt  }
0x73: {  	_ =	shalt  }
0x74: {  	_ =	shalt  }
0x75: {  	_ =	shalt  }
0x76: {  	_ =	shalt  }
0x77: {  	_ =	shalt  }
0x78: {  	_ =	shalt  }
0x79: {  	_ =	shalt  }
0x7a: {  	_ =	shalt  }
0x7b: {  	_ =	shalt  }
0x7c: {  	_ =	shalt  }
0x7d: {  	_ =	shalt  }
0x7e: {  	_ =	shalt  }
0x7f: {  	_ =	shalt  }
0x80: {  	_ =	shalt  }
0x81: {  	_ =	shalt  }
0x82: {  	_ =	shalt  }
0x83: {  	_ =	shalt  }
0x84: {  	_ =	shalt  }
0x85: {  	_ =	shalt  }
0x86: {  	_ =	shalt  }
0x87: {  	_ =	shalt  }
.Lfunc_end0:
.L_simem_size_0:
called_computation_lowered:
.L_overlay_start_0:
0x88: {  	s2 =	sld [smem:$0x3FD9]  }
0x89: {  	s3 =	sld [smem:$0x3FFE];
	_ =	sdelay $0x1  }
0x8a: {  	s1 =	srdreg.scid  }
0x8b: {  	s0 =	sand.u32 $0x1, s1  }
0x8c: {  	s16 =	sshll.u32 s0, $0xA;
	s2 =	sadd.s32 s3, s2  }
0x8d: {  	s2 =	sadd.s32 s2, s16  }
0x8e: {  	[smem:$0x3FC0] =	sst s2  }
0x8f: {  	_ = 	snop  }
0x90: {  	(tm) =	ssettm $0x1  }
0x91: {  	s17 =	sld [smem:$0x3FFB];
	_ =	sdelay $0x3  }
0x92: {  	_ =	strace s17  }
0x93: {  	s2 =	sld [smem:$0x3FFC];
	_ =	sdelay $0x3  }
0x94: {  	_ =	strace s2  }
0x95: {  	s2 =	sld [smem:$0x3FFD];
	_ =	sdelay $0x3  }
0x96: {  	_ =	strace s2  }
0x97: {  	_ =	strace $0x8FFFFFFF  }
0x98: {  	s18 =	sld [smem:$0x3FDB];
	_ =	sdelay $0x1  }
0x99: {  	s19 =	simm.s32 $_scs_section_size  }
0x9a: {  	s4 =	simm.s32 $_size__tile_overlayer_lowered;
	s5 =	simm.s32 $_tile_overlayer_lowered  }
0x9b: {  	s22 =	simm.s32 $0x1BFF;
	s21 =	sshll.u32 s5, $0x1;
	s2 =	sadd.s32 s19, s18  }
0x9c: {  	s6 =	simm.s32 $0x0;
	s20 =	sshll.u32 s4, $0x1;
	s4 =	sadd.s32 s21, s2  }
0x9d: {  	[timem:s6], [sflag:s22] =	dma.local [hbm:s4], s20  }
0x9e: {  	_ =	swait.ge [sflag:s22], s20  }
0x9f: {  	s3 =	ssub.s32 $0x0, s20;
	[sflag:s22] =	ssyncset.done $0x0  }
0xa0: {  	[sflag:s22] =	ssyncadd.s32 s3;
	_ =	sdelay $0x1  }
0xa1: {  	s23 =	simm.s32 $0x1B8B  }
0xa2: {  	_ =	swait.ge [sflag:s23], $0x1  }
0xa3: {  	[sflag:s23] =	ssyncset.done $0x0  }
0xa4: {  	s25 =	simm.s32 $0x1B8E;
	s24 =	sld [smem:$0x3FFE];
	[sflag:s23] =	ssyncadd.s32 $0xFFFFFFFF  }
0xa5: {  	s26 =	simm.s32 $execute0_lowered;
	[smem:$0x3FD2] =	sst s25  }
0xa6: {  	s4 =	sshll.u32 s26, $0x1;
	_ =	strace $0x80000046;
	[dreg:$0x1] =	wrdreg $0xFFFFFFFF  }
0xa7: {  	s28 =	simm.s32 $_size_execute0_lowered;
	s2 =	sadd.s32 s2, s4;
	[dreg:$0x0] =	wrdreg $0x0  }
0xa8: {  	s4 =	sshll.u32 s28, $0x1;
	[dreg:$0x2] =	wrdreg s2  }
0xa9: {  	[dreg:$0x3] =	wrdreg s4  }
0xaa: {  	[dreg:$0x4] =	wrdreg $0xC0  }
0xab: {  	_ =	task [dreg:s6], $0x5FFFF  }
0xac: {  	[dreg:$0x1] =	wrdreg $0xFFFFFFFF  }
0xad: {  	[dreg:$0x0] =	wrdreg $0x60  }
0xae: {  	[dreg:$0x2] =	wrdreg s24  }
0xaf: {  	[dreg:$0x3] =	wrdreg $0x68000  }
0xb0: {  	[dreg:$0x4] =	wrdreg $0x9  }
0xb1: {  	_ =	task.clear_ibuf [dreg:s6], $0x5FFFF;
	_ =	strace $0x90000046  }
0xb2: {  	s29 =	simm.s32 $0x9;
	_ =	strace $0x80000048  }
0xb3: {  	_ =	swait.ge [sflag:s29], $0x1  }
0xb4: {  	[sflag:s29] =	ssyncadd.s32 $0xFFFFFFFF  }
0xb5: {  	_ =	strace $0x90000048  }
0xb6: {  	_ =	sfence  }
0xb7: {  	s30 =	sld [smem:$0x0];
	_ =	sdelay $0x2  }
0xb8: {  	s31 =	sshll.u32 s1, $0xD;
	s1 =	sshrl.u32 s1, $0x2  }
0xb9: {  	s3 =	sand.u32 $0x4000, s31;
	s1 =	sadd.s32 s1, s30  }
0xba: {  	s0 =	sor.u32 s3, s0;
	s1 =	sshll.u32 s1, $0x11  }
0xbb: {  	s0 =	sor.u32 s1, s0  }
0xbc: {  	s0 =	sadd.s32 $0x8F2B, s0  }
0xbd: {  	[sflag:s0] =	ssyncadd.remote.s32 $0x1  }
0xbe: {  	_ =	sfence.sel $0xFFFF  }
0xbf: {  	[dreg:$0x0] =	wrdreg $0xFFFFFFFF;
	(pc) =	sbr.abs _section_cstart, $3  }
0xc0: {  	[dreg:$0x1] =	wrdreg $0xFFFFFFFF  }
0xc1: {  	_ =	task.clear_ibuf [dreg:s6], $0x2FFFF;
	_ =	strace $0x9FFFFFFF  }
0xc2: {  	(tm) =	ssettm $0x7FFFFFFF  }
0xc3: {  	_ =	shalt  }
tec
execute0_lowered:
.L_overlay_start_1:
0x0: {  	(tag) =	ssettag $0x1  }
0x1: {  	s0 =	stileid.u32  }
0x2: {  	p0 =	sgt.s32 s0, $0x3  }
0x3: {  	p2 =	sgt.s32 @p0 s0, $0x5  }
0x4: {  	p1 =	por !p2, !p0  }
0x5: {  	p3 =	seq.s32 @!p1 s0, $0x6  }
0x6: {  	p1 =	por @p0 !p3, !p2  }
0x7: {  	p5 =	sgt.s32 @!p0 s0, $0x1;
	p4 =	por p2, !p0;
	s1 =	simm.s32 @!p1 $0x0  }
0x8: {  	p6 =	por !p5, p0;
	s1 =	simm.s32 @p1 $0x1;
	p1 =	por @p0 p3, !p2  }
0x9: {  	p4 =	seq.s32 @!p4 s0, $0x4;
	[smem:$0x7EA] =	sst s1;
	s1 =	simm.s32 @!p1 $0x0  }
0xa: {  	p6 =	seq.s32 @!p6 s0, $0x2;
	s1 =	simm.s32 @p1 $0x1;
	p1 =	por @p0 !p4, p2  }
0xb: {  	p3 =	por @!p0 !p6, !p5;
	[smem:$0x7EB] =	sst s1;
	s1 =	simm.s32 @!p1 $0x0  }
0xc: {  	s6 =	sld [smem:$0x7EA];
	s1 =	simm.s32 @p1 $0x1;
	p1 =	por p5, p0  }
0xd: {  	p6 =	por @!p0 p6, !p5;
	s7 =	sld [smem:$0x7EB];
	p1 =	seq.s32 @!p1 s0, $0x0  }
0xe: {  	p4 =	por @p0 p4, p2;
	[smem:$0x7EC] =	sst s1;
	p2 =	por @!p0 !p1, p5  }
0xf: {  	p1 =	por @!p0 p1, p5;
	p5 =	seq.s32 s6, $0x1;
	s1 =	simm.s32 @!p2 $0x0  }
0x10: {  	s8 =	sld [smem:$0x7EC];
	s1 =	simm.s32 @p2 $0x1;
	p2 =	por p5, !p0  }
0x11: {  	p5 =	seq.s32 s7, $0x1;
	[smem:$0x7ED] =	sst s1;
	s1 =	simm.s32 @!p2 $0x0  }
0x12: {  	s1 =	simm.s32 @p2 $0x1;
	p2 =	por p5, !p0  }
0x13: {  	p5 =	seq.s32 s8, $0x1;
	[smem:$0x7F2] =	sst s1;
	s1 =	simm.s32 @!p2 $0x0  }
0x14: {  	p5 =	por p5, !p0;
	s1 =	simm.s32 @p2 $0x1  }
0x15: {  	[smem:$0x7F3] =	sst s1;
	s1 =	simm.s32 @!p5 $0x0  }
0x16: {  	p4 =	por p4, !p0;
	s9 =	sld [smem:$0x7ED];
	s1 =	simm.s32 @p5 $0x1  }
0x17: {  	[smem:$0x7F4] =	sst s1;
	s1 =	simm.s32 @!p4 $0x0  }
0x18: {  	p3 =	por p3, p0;
	p2 =	sgt.s32 s0, $0xB;
	s1 =	simm.s32 @p4 $0x1  }
0x19: {  	p4 =	sgt.s32 @p2 s0, $0xD;
	[smem:$0x7F5] =	sst s1;
	s1 =	simm.s32 @!p3 $0x0  }
0x1a: {  	s1 =	simm.s32 @p3 $0x1;
	p3 =	por p6, p0;
	p6 =	seq.s32 s9, $0x1  }
0x1b: {  	[smem:$0x7F6] =	sst s1;
	s1 =	simm.s32 @!p3 $0x0;
	p6 =	por p6, p0  }
0x1c: {  	p0 =	por p1, p0;
	s1 =	simm.s32 @p3 $0x1;
	p3 =	por !p4, !p2  }
0x1d: {  	[smem:$0x7F7] =	sst s1;
	p3 =	seq.s32 @!p3 s0, $0xE;
	s1 =	simm.s32 @!p0 $0x0  }
0x1e: {  	s1 =	simm.s32 @p0 $0x1;
	p0 =	por @p2 !p3, !p4  }
0x1f: {  	[smem:$0x7F8] =	sst s1;
	s1 =	simm.s32 @!p0 $0x0  }
0x20: {  	p5 =	por p4, !p2;
	s1 =	simm.s32 @p0 $0x1;
	p0 =	por @p2 p3, !p4  }
0x21: {  	p5 =	seq.s32 @!p5 s0, $0xC;
	[smem:$0x7EE] =	sst s1;
	s1 =	simm.s32 @!p0 $0x0  }
0x22: {  	s1 =	simm.s32 @p0 $0x1;
	p0 =	por @p2 !p5, p4  }
0x23: {  	[smem:$0x7EF] =	sst s1;
	s1 =	simm.s32 @!p0 $0x0  }
0x24: {  	s4 =	sld [smem:$0x7EE];
	s1 =	simm.s32 @p0 $0x1;
	p0 =	por @p2 p5, p4  }
0x25: {  	p5 =	sgt.s32 @!p2 s0, $0x9;
	[smem:$0x7F0] =	sst s1;
	s1 =	simm.s32 @!p0 $0x0  }
0x26: {  	p1 =	por p5, p2;
	s1 =	simm.s32 @p0 $0x1;
	p0 =	por !p5, p2  }
0x27: {  	p1 =	seq.s32 @!p1 s0, $0x8;
	p0 =	seq.s32 @!p0 s0, $0xA  }
0x28: {  	s11 =	sld [smem:$0x7EF];
	p4 =	por @!p2 !p1, p5;
	p3 =	por @!p2 !p0, !p5  }
0x29: {  	p0 =	por @!p2 p0, !p5;
	p5 =	por @!p2 p1, p5;
	p1 =	seq.s32 s4, $0x1  }
0x2a: {  	p1 =	por p1, !p2  }
0x2b: {  	s4 =	simm.s32 @!p1 $0x0  }
0x2c: {  	s12 =	sld [smem:$0x7F0];
	s4 =	simm.s32 @p1 $0x1;
	p1 =	seq.s32 s11, $0x1  }
0x2d: {  	[smem:$0x7F1] =	sst s1;
	p1 =	por p1, !p2  }
0x2e: {  	s10 =	srdreg.scid;
	[smem:$0x7F9] =	sst s4;
	s4 =	simm.s32 @!p1 $0x0  }
0x2f: {  	s13 =	sld [smem:$0x7F1];
	s4 =	simm.s32 @p1 $0x1;
	p1 =	seq.s32 s12, $0x1  }
0x30: {  	s5 =	rddreg [dreg:$0x0];
	s6 =	sand.u32 $0x1, s10;
	p1 =	por p1, !p2  }
0x31: {  	s10 =	sadd.s32 $0x3EA00, s5;
	[smem:$0x7FA] =	sst s4;
	s4 =	simm.s32 @!p1 $0x0  }
0x32: {  	s2 =	sshll.u32 s6, $0x4;
	s4 =	simm.s32 @p1 $0x1;
	p1 =	seq.s32 s13, $0x1  }
0x33: {  	s3 =	sor.u32 s0, s2;
	s2 =	simm.s32 $0x0;
	p1 =	por p1, !p2  }
0x34: {  	s8 =	smul.u32 $0x140000, s6;
	[smem:$0x7FB] =	sst s4;
	s4 =	simm.s32 @!p1 $0x0  }
0x35: {  	[smem:$0x7FF] =	sst s2;
	s4 =	simm.s32 @p1 $0x1;
	p1 =	por p3, p2  }
0x36: {  	s8 =	sshrl.u32 s8, $0x3;
	[smem:$0x7FC] =	sst s4;
	s4 =	simm.s32 @!p1 $0x0  }
0x37: {  	s15 =	sadd.s32 s10, s8;
	s1 =	rddreg [dreg:$0x1];
	s4 =	simm.s32 @p1 $0x1  }
0x38: {  	s8 =	sadd.s32 $0x25800, s15;
	[smem:$0x7FD] =	sst s4  }
0x39: {  	s16 =	sadd.s32 $0x23000, s15;
	_ =	strace $0x80000047;
	[dreg:$0x3] =	wrdreg s8  }
0x3a: {  	s17 =	sadd.s32 $0x20800, s15;
	[dreg:$0x4] =	wrdreg s16  }
0x3b: {  	s18 =	sadd.s32 $0x1E000, s15;
	[dreg:$0x5] =	wrdreg s17  }
0x3c: {  	s19 =	sadd.s32 $0x1B800, s15;
	[dreg:$0x6] =	wrdreg s18  }
0x3d: {  	s20 =	sadd.s32 $0x19000, s15;
	[dreg:$0x7] =	wrdreg s19  }
0x3e: {  	s3 =	smul.u32 $0x500, s3;
	s21 =	sadd.s32 $0x16800, s15;
	[dreg:$0x8] =	wrdreg s20  }
0x3f: {  	s22 =	sadd.s32 $0x14000, s15;
	[dreg:$0x9] =	wrdreg s21  }
0x40: {  	s7 =	sadd.s32 s3, s5;
	s23 =	sadd.s32 $0x11800, s15;
	[dreg:$0xa] =	wrdreg s22  }
0x41: {  	s3 =	sadd.s32 $0x16200, s5;
	s11 =	sadd.s32 $0xF000, s15;
	[dreg:$0xb] =	wrdreg s23  }
0x42: {  	s12 =	sadd.s32 $0xC800, s15;
	s4 =	sadd.s32 $0x16A00, s5;
	[dreg:$0xc] =	wrdreg s11  }
0x43: {  	s5 =	sadd.s32 $0xC200, s7;
	s7 =	sadd.s32 $0xA000, s15;
	[dreg:$0xd] =	wrdreg s12  }
0x44: {  	[dreg:$0xe] =	wrdreg s7  }
0x45: {  	s9 =	ssub.s32 $0x2, s6;
	s24 =	sld [smem:$0x7F2]  }
0x46: {  	s14 =	sshrl.u32 s9, $0x1;
	s25 =	sld [smem:$0x7F3]  }
0x47: {  	s6 =	smul.u32 $0x28000, s6;
	s9 =	ssub.s32 s9, s14;
	s26 =	sld [smem:$0x7F4]  }
0x48: {  	p0 =	por p0, p2;
	s19 =	smax.u32 s9, $0x1;
	s9 =	sld [smem:$0x7F5]  }
0x49: {  	p3 =	sne.s32 s0, $0x0;
	s18 =	sadd.s32 s10, s6;
	s10 =	sld [smem:$0x7F6]  }
0x4a: {  	p1 =	por p4, p2;
	p2 =	por p5, p2;
	s13 =	sld [smem:$0x7F9]  }
0x4b: {  	p4 =	sgt.s32 s0, $0x7;
	s0 =	sadd.s32 $0x28000, s1;
	s14 =	sld [smem:$0x7FA]  }
0x4c: {  	s8 =	sadd.s32 $0x8C000, s1;
	s11 =	sadd.s32 $0x78000, s1;
	s15 =	sld [smem:$0x7FB]  }
0x4d: {  	s12 =	sadd.s32 $0x64000, s1;
	s7 =	sadd.s32 $0x50000, s1;
	s16 =	sld [smem:$0x7FC]  }
0x4e: {  	s6 =	sadd.s32 $0x3C000, s1;
	s17 =	sld [smem:$0x7FD];
	p5 =	seq.s32 s24, $0x1  }
0x4f: {  	s20 =	sshrl.u32 @!p5 s11, $0x3;
	p5 =	seq.s32 s25, $0x1;
	s11 =	sld [smem:$0x7F7]  }
0x50: {  	s21 =	sshrl.u32 @!p5 s8, $0x3;
	p5 =	seq.s32 s26, $0x1;
	s8 =	sadd.s32 $0xB4000, s1  }
0x51: {  	s22 =	sshrl.u32 @!p5 s7, $0x3;
	p5 =	seq.s32 s9, $0x1;
	s7 =	sadd.s32 $0xA0000, s1  }
0x52: {  	s8 =	sshrl.u32 @!p2 s8, $0x3;
	s23 =	sshrl.u32 @!p5 s12, $0x3;
	s12 =	sld [smem:$0x7F8]  }
0x53: {  	s9 =	sadd.s32 $0x7800, s18;
	p5 =	seq.s32 s10, $0x1;
	s7 =	sshrl.u32 @!p1 s7, $0x3  }
0x54: {  	s10 =	sadd.s32 $0x5000, s18;
	s24 =	sshrl.u32 @!p5 s0, $0x3;
	p5 =	seq.s32 s11, $0x1  }
0x55: {  	s0 =	sadd.s32 $0x14000, s1;
	s25 =	sshrl.u32 @!p5 s6, $0x3;
	p5 =	seq.s32 s12, $0x1  }
0x56: {  	s6 =	sadd.s32 $0x118000, s1;
	s26 =	sshrl.u32 @!p5 s0, $0x3;
	p5 =	seq.s32 s13, $0x1  }
0x57: {  	s0 =	sadd.s32 $0x12C000, s1;
	s28 =	sshrl.u32 @!p5 s6, $0x3;
	p5 =	seq.s32 s14, $0x1  }
0x58: {  	s11 =	sadd.s32 $0x2800, s18;
	s12 =	simm.s32 $0x1;
	s29 =	sshrl.u32 @!p5 s0, $0x3  }
.Ltmp0:
0x59: {  	s0 =	sadd.s32 $0xF0000, s1;
	p5 =	seq.s32 s15, $0x1;
	(pc) =	sbr.rel .LBB2_1-.Ltmp0, $4  }
0x5a: {  	s30 =	sshrl.u32 @!p5 s0, $0x3;
	s0 =	sadd.s32 $0x104000, s1;
	p5 =	seq.s32 s16, $0x1  }
0x5b: {  	s6 =	sadd.s32 $0xC8000, s1;
	s31 =	sshrl.u32 @!p5 s0, $0x3;
	p5 =	seq.s32 s17, $0x1  }
0x5c: {  	s13 =	simm.s32 $0x2800;
	s0 =	sshrl.u32 @!p5 s6, $0x3;
	s6 =	sadd.s32 $0xDC000, s1  }
0x5d: {  	s14 =	simm.s32 $0x80;
	s15 =	simm.s32 $0x0;
	s6 =	sshrl.u32 @!p0 s6, $0x3  }
.LBB2_5:
0x5e: {  	s16 =	sld [smem:$0x7F9];
	_ =	sdelay $0x2  }
0x5f: {  	p5 =	seq.s32 s16, $0x1  }
0x60: {  	s17 =	rddreg [dreg:$0x4];
	s16 =	simm.s32 @!p5 $0x1F81  }
0x61: {  	[hbm:s17], [sflag:s16] =	dma.local @!p5 [spmem:s28], $0x2800  }
0x62: {  	s16 =	sld [smem:$0x7FA];
	_ =	sdelay $0x2  }
0x63: {  	p5 =	seq.s32 s16, $0x1  }
0x64: {  	s17 =	rddreg [dreg:$0x3];
	s16 =	simm.s32 @!p5 $0x1FC1  }
0x65: {  	[hbm:s17], [sflag:s16] =	dma.local @!p5 [spmem:s29], $0x2800  }
0x66: {  	s16 =	sld [smem:$0x7FB];
	_ =	sdelay $0x2  }
0x67: {  	p5 =	seq.s32 s16, $0x1  }
0x68: {  	s17 =	rddreg [dreg:$0x6];
	s16 =	simm.s32 @!p5 $0x1F01  }
0x69: {  	[hbm:s17], [sflag:s16] =	dma.local @!p5 [spmem:s30], $0x2800  }
0x6a: {  	s16 =	sld [smem:$0x7FC];
	_ =	sdelay $0x2  }
0x6b: {  	p5 =	seq.s32 s16, $0x1  }
0x6c: {  	s17 =	rddreg [dreg:$0x5];
	s16 =	simm.s32 @!p5 $0x1F41  }
0x6d: {  	[hbm:s17], [sflag:s16] =	dma.local @!p5 [spmem:s31], $0x2800  }
0x6e: {  	s16 =	sld [smem:$0x7FD];
	_ =	sdelay $0x2  }
0x6f: {  	p5 =	seq.s32 s16, $0x1  }
0x70: {  	s17 =	rddreg [dreg:$0x8];
	s16 =	simm.s32 @!p5 $0x1E81  }
0x71: {  	[hbm:s17], [sflag:s16] =	dma.local @!p5 [spmem:s0], $0x2800  }
0x72: {  	s16 =	simm.s32 @!p0 $0x1EC1;
	s17 =	rddreg [dreg:$0x7]  }
0x73: {  	[hbm:s17], [sflag:s16] =	dma.local @!p0 [spmem:s6], $0x2800  }
0x74: {  	s16 =	simm.s32 @!p1 $0x1E01;
	s17 =	rddreg [dreg:$0xa]  }
0x75: {  	[hbm:s17], [sflag:s16] =	dma.local @!p1 [spmem:s7], $0x2800  }
0x76: {  	s16 =	simm.s32 @!p2 $0x1E41;
	s17 =	rddreg [dreg:$0x9]  }
0x77: {  	[hbm:s17], [sflag:s16] =	dma.local @!p2 [spmem:s8], $0x2800  }
.LBB2_6:
0x78: {  	s15 =	sadd.s32 $0x1, s15  }
0x79: {  	p5 =	sne.s32 s15, s19  }
.Ltmp1:
0x7a: {  	_ = 	snop;
	(pc) =	sbr.rel @!p5 .LBB2_7-.Ltmp1, $4  }
0x7b: {  	_ = 	snop  }
0x7c: {  	_ =	swait.ge [sflag:s12], $0x2800  }
0x7d: {  	[sflag:s12] =	ssyncset.done $0x0  }
0x7e: {  	[sflag:s12] =	ssyncadd.s32 $0xFFFFD800  }
.LBB2_1:
0x7f: {  	[tilespmem:s2], [sflag:$0x1] =	stream.linear.gather [hbm4b:s5+s2], $0x2800, $0x38;
	[tilespmem:$0x1A800] =	vst v63  }
0x80: {  	_ =	swait.ge [sflag:s12], $0x2800  }
0x81: {  	[sflag:s12] =	ssyncset.done $0x0  }
0x82: {  	[sflag:s12] =	ssyncadd.s32 $0xFFFFD800  }
0x83: {  	[tilespmem:s13], [sflag:$0x1] =	stream.linear.gather [hbm4b:s3+s2], $0x4000, $0x38;
	[tilespmem:$0x1A800] =	vst v63  }
0x84: {  	_ =	swait.ge [sflag:s12], $0x4000  }
0x85: {  	[sflag:s12] =	ssyncset.done $0x0  }
0x86: {  	s16 =	sshrl.u32 @!p3 s1, $0x3;
	s17 =	simm.s32 @!p3 $0x1C01;
	[sflag:s12] =	ssyncadd.s32 $0xFFFFC000  }
0x87: {  	[spmem:s16], [sflag:s17] =	dma.local @!p3 [hbm:s4], $0x28000  }
0x88: {  	s16 =	simm.s32 @!p3 $0x1  }
0x89: {  	_ =	swait.ge @!p3 [sflag:s16], $0x28000  }
0x8a: {  	[sflag:s16] =	ssyncset.done @!p3 $0x0  }
0x8b: {  	[sflag:s16] =	ssyncadd.s32 @!p3 $0xFFFD8000  }
0x8c: {  	s17 =	simm.s32 $0x0;
	[bflag:$0x0] =	sbarrier.arrive $0xFFFF  }
0x8d: {  	[spmem:s1] =	stream.indirect.scatter.add.f32 [tilespmem:s13], [sflag:$0x1], $0x80, s17, s14, $0xb8;
	[tilespmem:$0x1A800] =	vst v63  }
0x8e: {  	_ =	swait.ge [sflag:s12], $0x4000  }
0x8f: {  	s16 =	simm.s32 $0x200;
	[sflag:s12] =	ssyncset.done $0x0  }
.LBB2_2:
0x90: {  	s17 =	sshra.s32 s16, $0x2;
	[sflag:s12] =	ssyncadd.s32 $0xFFFFC000;
	p5 =	sne.s32 s16, $0x9E00  }
0x91: {  	[spmem:s1] =	stream.indirect.scatter.add.f32 [tilespmem:s13], [sflag:$0x1], $0x80, s17, s14, $0xb8;
	[tilespmem:$0x1A800] =	vst v63  }
.Ltmp2:
0x92: {  	_ = 	snop;
	(pc) =	sbr.rel @p5 .LBB2_2-.Ltmp2, $4  }
0x93: {  	_ = 	snop  }
0x94: {  	s16 =	sadd.s32 $0x200, s16  }
0x95: {  	_ =	swait.ge [sflag:s12], $0x4000  }
0x96: {  	[sflag:s12] =	ssyncset.done $0x0  }
.Ltmp3:
0x97: {  	(pc) =	sbr.rel @p4 .LBB2_5-.Ltmp3, $3  }
0x98: {  	_ = 	snop  }
0x99: {  	[sflag:s12] =	ssyncadd.s32 $0xFFFFC000  }
0x9a: {  	[bflag:$0x0] =	sbarrier.arrive $0xFFFF;
	_ =	sdelay $0x1  }
0x9b: {  	s16 =	sld [smem:$0x7F2];
	_ =	sdelay $0x2  }
0x9c: {  	p5 =	seq.s32 s16, $0x1  }
0x9d: {  	s17 =	rddreg [dreg:$0xc];
	s16 =	simm.s32 @!p5 $0x1D81  }
0x9e: {  	[hbm:s17], [sflag:s16] =	dma.local @!p5 [spmem:s20], $0x2800  }
0x9f: {  	s16 =	sld [smem:$0x7F3];
	_ =	sdelay $0x2  }
0xa0: {  	p5 =	seq.s32 s16, $0x1  }
0xa1: {  	s17 =	rddreg [dreg:$0xb];
	s16 =	simm.s32 @!p5 $0x1DC1  }
0xa2: {  	[hbm:s17], [sflag:s16] =	dma.local @!p5 [spmem:s21], $0x2800  }
0xa3: {  	s16 =	sld [smem:$0x7F4];
	_ =	sdelay $0x2  }
0xa4: {  	p5 =	seq.s32 s16, $0x1  }
0xa5: {  	s17 =	rddreg [dreg:$0xe];
	s16 =	simm.s32 @!p5 $0x1D01  }
0xa6: {  	[hbm:s17], [sflag:s16] =	dma.local @!p5 [spmem:s22], $0x2800  }
0xa7: {  	s16 =	sld [smem:$0x7F5];
	_ =	sdelay $0x2  }
0xa8: {  	p5 =	seq.s32 s16, $0x1  }
0xa9: {  	s17 =	rddreg [dreg:$0xd];
	s16 =	simm.s32 @!p5 $0x1D41  }
0xaa: {  	[hbm:s17], [sflag:s16] =	dma.local @!p5 [spmem:s23], $0x2800  }
0xab: {  	s16 =	sld [smem:$0x7F6];
	_ =	sdelay $0x2  }
0xac: {  	p5 =	seq.s32 s16, $0x1  }
0xad: {  	s16 =	simm.s32 @!p5 $0x1C81  }
0xae: {  	[hbm:s10], [sflag:s16] =	dma.local @!p5 [spmem:s24], $0x2800  }
0xaf: {  	s16 =	sld [smem:$0x7F7];
	_ =	sdelay $0x2  }
0xb0: {  	p5 =	seq.s32 s16, $0x1  }
0xb1: {  	s16 =	simm.s32 @!p5 $0x1CC1  }
0xb2: {  	[hbm:s9], [sflag:s16] =	dma.local @!p5 [spmem:s25], $0x2800  }
0xb3: {  	s17 =	simm.s32 @!p6 $0x1C01;
	s16 =	sshrl.u32 @!p6 s1, $0x3  }
0xb4: {  	[hbm:s18], [sflag:s17] =	dma.local @!p6 [spmem:s16], $0x2800  }
0xb5: {  	s16 =	sld [smem:$0x7F8]  }
.Ltmp4:
0xb6: {  	_ = 	snop;
	(pc) =	sbr.rel .LBB2_6-.Ltmp4, $4  }
0xb7: {  	_ = 	snop  }
0xb8: {  	p5 =	seq.s32 s16, $0x1  }
0xb9: {  	s16 =	simm.s32 @!p5 $0x1C41  }
0xba: {  	[hbm:s11], [sflag:s16] =	dma.local @!p5 [spmem:s26], $0x2800  }
.LBB2_7:
0xbb: {  	_ =	sfence.sel $0x180000  }
0xbc: {  	[bflag:$0x0] =	sbarrier.arrive $0xFFFF  }
0xbd: {  	_ =	strace $0x90000047  }
0xbe: {  	[bflag:$0x2] =	sbarrier.arrive $0xFFFF  }
0xbf: {  	s0 =	rddreg [dreg:$0x2]  }
0xc0: {  	s0 =	sadd.s32 @!p3 $0x100000, s0  }
0xc1: {  	[sflag:s0] =	ssyncadd.tile.s32 @!p3 $0x1;
	_ =	shalt  }
.Lfunc_end2:
_tile_overlayer_lowered:
.L_overlay_start_2:
0xc2: {  	(tag) =	ssettag $0x2  }
0xc3: {  	s0 =	rddreg [dreg:$0x0];
	s2 =	stileid.u32  }
0xc4: {  	s1 =	rddreg [dreg:$0x1];
	p0 =	sne.s32 s2, $0x0  }
0xc5: {  	s3 =	rddreg [dreg:$0x2];
	[bflag:$0x3] =	sbarrier.arrive $0xFFFF;
	s2 =	simm.s32 @!p0 $0x1C01  }
0xc6: {  	[timem:s3], [sflag:s2] =	dma.local @!p0 [hbm:s0], s1  }
0xc7: {  	s0 =	simm.s32 @!p0 $0x1  }
0xc8: {  	_ =	swait.ge @!p0 [sflag:s0], s1  }
0xc9: {  	s1 =	ssub.s32 @!p0 $0x0, s1;
	[sflag:s0] =	ssyncset.done @!p0 $0x0  }
0xca: {  	[sflag:s0] =	ssyncadd.s32 @!p0 s1  }
0xcb: {  	[bflag:$0x3] =	sbarrier.arrive $0xFFFF  }
0xcc: {  	_ =	shalt  }

</sc_bundles>
